<compile_context>
chip_gen: v7x
topology: tpu7x:2x2x1
jax: 0.10.2.dev20260603
libtpu: 0.0.44.dev20260713+nightly
codegen_flags: <defaults>
</compile_context>

<pallas_src>
import functools

import jax
import jax.numpy as jnp
from jax import lax
from jax.experimental import pallas as pl
from jax.experimental.pallas import tpu as pltpu
from jax.experimental.pallas import tpu_sc as plsc

B = 100000
V1 = 25000
V0 = 6250
D = 128
NC, NS = 2, 16
NW = NC * NS
CH = 200
NCHUNK = B // CH
TRIPS = -(-NCHUNK // NW)

XS_BIG = 392
XS_SMALL = 384
XCUT = 13 * XS_BIG
V0P = 6256
IS = 1568
IS_LAST = V1 - 15 * IS

_mesh = plsc.VectorSubcoreMesh(core_axis_name="c", subcore_axis_name="s")


@functools.partial(
    pl.kernel,
    out_type=jax.ShapeDtypeStruct((B, D), jnp.float32),
    mesh=_mesh,
    scratch_types=[
        pltpu.VMEM_SHARED((V0P, D), jnp.float32),
        pltpu.VMEM_SHARED((V1,), jnp.int32),
        pltpu.VMEM((IS,), jnp.int32),
        pltpu.VMEM((TRIPS * CH,), jnp.int32),
        pltpu.VMEM((TRIPS * CH,), jnp.int32),
        pltpu.VMEM((CH, D), jnp.float32),
        pltpu.VMEM((CH, D), jnp.float32),
        pltpu.VMEM((16,), jnp.int32),
        pltpu.VMEM((16, D), jnp.float32),
        pltpu.SemaphoreType.DMA,
        pltpu.SemaphoreType.DMA,
        pltpu.SemaphoreType.DMA,
        pltpu.SemaphoreType.DMA,
        pltpu.SemaphoreType.DMA,
    ],
)
def _backgather(x_hbm, idx0_hbm, idx1_hbm, out_hbm,
                x_sh, idx1_sh, ibounce, idx0_all, cidx_all,
                rows_a, rows_b, tidx, trows,
                csem, g0, g1, w0, w1):
    rows_v = (rows_a, rows_b)
    gsem = (g0, g1)
    wsem = (w0, w1)
    sid = lax.axis_index("s")
    wid = sid * NC + lax.axis_index("c")

    def base(t):
        b = (wid + t * NW) * CH
        if t == TRIPS - 1:
            b = jnp.where(wid + t * NW < NCHUNK, b, 0)
        return b

    def idx_fetch_desc(t):
        return pltpu.make_async_copy(
            idx0_hbm.at[pl.ds(base(t), CH)],
            idx0_all.at[pl.ds(t * CH, CH)], csem)

    def compose_desc(t):
        return pltpu.make_async_copy(
            idx1_sh.at[idx0_all.at[pl.ds(t * CH, CH)]],
            cidx_all.at[pl.ds(t * CH, CH)], csem)

    for t in range(TRIPS):
        idx_fetch_desc(t).start()

    @pl.when(sid == 0)
    def _():
        tidx[...] = jnp.minimum(lax.iota(jnp.int32, 16) + (V0P - 8), V0 - 1)
        pltpu.make_async_copy(x_hbm.at[tidx], trows, w0).start()

    def stage(off, nx, ioff, ni):
        h2 = nx - CH
        idesc = pltpu.make_async_copy(idx1_hbm.at[pl.ds(ioff, ni)],
                                      ibounce.at[pl.ds(0, ni)], g1)
        d1 = pltpu.make_async_copy(x_hbm.at[pl.ds(off, CH)], rows_a, g0)
        d1.start()
        idesc.start()
        d1.wait()
        d2 = pltpu.make_async_copy(x_hbm.at[pl.ds(off + CH, h2)],
                                   rows_b.at[pl.ds(0, h2)], g1)
        d2.start()
        pltpu.sync_copy(rows_a, x_sh.at[pl.ds(off, CH)])
        d2.wait()
        idesc.wait()
        pltpu.sync_copy(rows_b.at[pl.ds(0, h2)], x_sh.at[pl.ds(off + CH, h2)])
        pltpu.sync_copy(ibounce.at[pl.ds(0, ni)], idx1_sh.at[pl.ds(ioff, ni)])

    @pl.when(sid < 13)
    def _():
        stage(sid * XS_BIG, XS_BIG, sid * IS, IS)

    @pl.when((sid >= 13) & (sid < 15))
    def _():
        stage(XCUT + (sid - 13) * XS_SMALL, XS_SMALL, sid * IS, IS)

    @pl.when(sid == 15)
    def _():
        stage(XCUT + 2 * XS_SMALL, XS_SMALL, 15 * IS, IS_LAST)

    for t in range(TRIPS):
        idx_fetch_desc(t).wait()

    @pl.when(sid == 0)
    def _():
        pltpu.make_async_copy(x_hbm.at[tidx], trows, w0).wait()
        pltpu.sync_copy(trows.at[pl.ds(0, 8)], x_sh.at[pl.ds(V0P - 8, 8)])

    plsc.subcore_barrier()

    def gather_desc(t):
        s = t & 1
        return pltpu.make_async_copy(
            x_sh.at[cidx_all.at[pl.ds(t * CH, CH)]], rows_v[s], gsem[s])

    def write_desc(t):
        s = t & 1
        return pltpu.make_async_copy(
            rows_v[s], out_hbm.at[pl.ds(base(t), CH)], wsem[s])

    def fire(t):
        compose_desc(t).wait()
        if t + 1 < TRIPS:
            compose_desc(t + 1).start()
        if t >= 2:
            write_desc(t - 2).wait()
        gather_desc(t).start()

    def drain_and_write(t):
        gather_desc(t).wait()
        write_desc(t).start()

    compose_desc(0).start()
    for t in range(TRIPS):
        if t < TRIPS - 1:
            fire(t)
        else:
            @pl.when(wid + t * NW < NCHUNK)
            def _(t=t):
                fire(t)
        if t >= 1:
            drain_and_write(t - 1)

    @pl.when(wid + (TRIPS - 1) * NW >= NCHUNK)
    def _():
        compose_desc(TRIPS - 1).wait()

    @pl.when(wid + (TRIPS - 1) * NW < NCHUNK)
    def _():
        drain_and_write(TRIPS - 1)

    write_desc(TRIPS - 2).wait()
    write_desc(TRIPS - 3).wait()


def kernel(input, idx0, idx1):
    return _backgather(input, idx0[:, 0], idx1[:, 0])

# --- scband reference (transcript-rebuilt; emitter-appended) ---
"""Pipeline reference for scband-multi-back-gather-30477087933111 (READ-ONLY COPY).

The authoritative reference and input builder live on the scoring server;
editing this copy changes nothing except your own understanding.
"""

import jax, jax.numpy as jnp
import numpy as np


def setup_inputs(seed: int = 0) -> dict:
    key = jax.random.key(seed)
    k1, k2, k3 = jax.random.split(key, 3)
    # pooled data at the coarsest level (after two 4x poolings of 100000 nodes)
    x = jax.random.normal(k1, (6250, 128), dtype=jnp.float32)
    # gathers[0]: expands level-1 (25000 rows) back to full 100000 rows
    idx0 = jax.random.randint(k2, (100000, 1), 0, 25000, dtype=jnp.int32)
    # gathers[1]: expands coarsest level (6250 rows) back to 25000 rows
    idx1 = jax.random.randint(k3, (25000, 1), 0, 6250, dtype=jnp.int32)
    return {"input": x, "idx0": idx0, "idx1": idx1}


def reference(input, idx0, idx1):
    # MultiBackGather.call: gathers = [idx0, idx1]; applied in reverse order.
    # Each step is SelectFromIndices -> tf.gather_nd(data, indices) with indices
    # of shape [M, 1], i.e. a row gather: jnp.take(data, indices[:, 0], axis=0).
    gathers = [idx0, idx1]
    sel_gidx = input
    for k in range(len(gathers)):
        l = len(gathers) - k - 1
        g = gathers[l]
        sel_gidx = jnp.take(sel_gidx, g[:, 0], axis=0)
    return sel_gidx

if __name__ == "__main__":
    import jax
    _d = setup_inputs()
    print(jax.jit(kernel)(*tuple(_d.values())))

</pallas_src>

<mosaic_0001>
#map = affine_map<(d0, d1) -> (0, 0)>
#map1 = affine_map<(d0, d1) -> (0)>
module attributes {stable_mosaic.version = 14 : i64} {
  func.func @_backgather(%arg0: i32, %arg1: i32, %arg2: memref<6250x128xf32, #tpu.memory_space<hbm>>, %arg3: memref<100000xi32, #tpu.memory_space<hbm>>, %arg4: memref<25000xi32, #tpu.memory_space<hbm>>, %arg5: memref<100000x128xf32, #tpu.memory_space<hbm>>, %arg6: memref<6256x128xf32, #tpu.memory_space<vmem_shared>>, %arg7: memref<25000xi32, #tpu.memory_space<vmem_shared>>, %arg8: memref<1568xi32, #tpu.memory_space<vmem>>, %arg9: memref<3200xi32, #tpu.memory_space<vmem>>, %arg10: memref<3200xi32, #tpu.memory_space<vmem>>, %arg11: memref<200x128xf32, #tpu.memory_space<vmem>>, %arg12: memref<200x128xf32, #tpu.memory_space<vmem>>, %arg13: memref<16xi32, #tpu.memory_space<vmem>>, %arg14: memref<16x128xf32, #tpu.memory_space<vmem>>, %arg15: memref<!tpu.dma_semaphore, #tpu.memory_space<semaphore_mem>>, %arg16: memref<!tpu.dma_semaphore, #tpu.memory_space<semaphore_mem>>, %arg17: memref<!tpu.dma_semaphore, #tpu.memory_space<semaphore_mem>>, %arg18: memref<!tpu.dma_semaphore, #tpu.memory_space<semaphore_mem>>, %arg19: memref<!tpu.dma_semaphore, #tpu.memory_space<semaphore_mem>>) attributes {dimension_semantics = [#tpu.dimension_semantics<core_parallel>, #tpu.dimension_semantics<subcore_parallel>], iteration_bounds = array<i64: 2, 16>, scalar_prefetch = 0 : i64, scratch_operands = 14 : i64, tpu.core_type = #tpu.core_type<sc_vector_subcore>, window_params = [{transform_indices = #map}, {transform_indices = #map1}, {transform_indices = #map1}, {transform_indices = #map}]} {
    %mul3A = arith.constant 2 : i32
    %mul3A_0 = arith.muli %arg1, %mul3A : i32
    %add3A = arith.addi %mul3A_0, %arg0 : i32
    %add3A_1 = arith.constant 0 : i32
    %add3A_2 = arith.addi %add3A, %add3A_1 : i32
    %mul3A_3 = arith.constant 200 : i32
    %mul3A_4 = arith.muli %add3A_2, %mul3A_3 : i32
    %dma_start3A = arith.constant 0 : i32
    %dma_start3A_5 = tpu.memref_slice %arg9[%dma_start3A] : memref<3200xi32, #tpu.memory_space<vmem>> -> memref<200xi32, #tpu.memory_space<vmem>>
    %dma_start3A_6 = tpu.memref_slice %arg3[%mul3A_4] : memref<100000xi32, #tpu.memory_space<hbm>> -> memref<200xi32, #tpu.memory_space<hbm>>
    %dma_start3A_7 = arith.constant 0 : i32
    %dma_start3A_8 = tpu.memref_slice %arg9[%dma_start3A_7] : memref<3200xi32, #tpu.memory_space<vmem>> -> memref<200xi32, #tpu.memory_space<vmem>>
    %dma_start3A_9 = tpu.memref_slice %arg3[%mul3A_4] : memref<100000xi32, #tpu.memory_space<hbm>> -> memref<200xi32, #tpu.memory_space<hbm>>
    tpu.enqueue_dma source(%dma_start3A_9 : memref<200xi32, #tpu.memory_space<hbm>>) target(%dma_start3A_8 : memref<200xi32, #tpu.memory_space<vmem>>) target_semaphore(%arg15 : memref<!tpu.dma_semaphore, #tpu.memory_space<semaphore_mem>>)
    %add3A_10 = arith.constant 32 : i32
    %add3A_11 = arith.addi %add3A, %add3A_10 : i32
    %mul3A_12 = arith.constant 200 : i32
    %mul3A_13 = arith.muli %add3A_11, %mul3A_12 : i32
    %dma_start3A_14 = arith.constant 200 : i32
    %dma_start3A_15 = tpu.memref_slice %arg9[%dma_start3A_14] : memref<3200xi32, #tpu.memory_space<vmem>> -> memref<200xi32, #tpu.memory_space<vmem>>
    %dma_start3A_16 = tpu.memref_slice %arg3[%mul3A_13] : memref<100000xi32, #tpu.memory_space<hbm>> -> memref<200xi32, #tpu.memory_space<hbm>>
    %dma_start3A_17 = arith.constant 200 : i32
    %dma_start3A_18 = tpu.memref_slice %arg9[%dma_start3A_17] : memref<3200xi32, #tpu.memory_space<vmem>> -> memref<200xi32, #tpu.memory_space<vmem>>
    %dma_start3A_19 = tpu.memref_slice %arg3[%mul3A_13] : memref<100000xi32, #tpu.memory_space<hbm>> -> memref<200xi32, #tpu.memory_space<hbm>>
    tpu.enqueue_dma source(%dma_start3A_19 : memref<200xi32, #tpu.memory_space<hbm>>) target(%dma_start3A_18 : memref<200xi32, #tpu.memory_space<vmem>>) target_semaphore(%arg15 : memref<!tpu.dma_semaphore, #tpu.memory_space<semaphore_mem>>)
    %add3A_20 = arith.constant 64 : i32
    %add3A_21 = arith.addi %add3A, %add3A_20 : i32
    %mul3A_22 = arith.constant 200 : i32
    %mul3A_23 = arith.muli %add3A_21, %mul3A_22 : i32
    %dma_start3A_24 = arith.constant 400 : i32
    %dma_start3A_25 = tpu.memref_slice %arg9[%dma_start3A_24] : memref<3200xi32, #tpu.memory_space<vmem>> -> memref<200xi32, #tpu.memory_space<vmem>>
    %dma_start3A_26 = tpu.memref_slice %arg3[%mul3A_23] : memref<100000xi32, #tpu.memory_space<hbm>> -> memref<200xi32, #tpu.memory_space<hbm>>
    %dma_start3A_27 = arith.constant 400 : i32
    %dma_start3A_28 = tpu.memref_slice %arg9[%dma_start3A_27] : memref<3200xi32, #tpu.memory_space<vmem>> -> memref<200xi32, #tpu.memory_space<vmem>>
    %dma_start3A_29 = tpu.memref_slice %arg3[%mul3A_23] : memref<100000xi32, #tpu.memory_space<hbm>> -> memref<200xi32, #tpu.memory_space<hbm>>
    tpu.enqueue_dma source(%dma_start3A_29 : memref<200xi32, #tpu.memory_space<hbm>>) target(%dma_start3A_28 : memref<200xi32, #tpu.memory_space<vmem>>) target_semaphore(%arg15 : memref<!tpu.dma_semaphore, #tpu.memory_space<semaphore_mem>>)
    %add3A_30 = arith.constant 96 : i32
    %add3A_31 = arith.addi %add3A, %add3A_30 : i32
    %mul3A_32 = arith.constant 200 : i32
    %mul3A_33 = arith.muli %add3A_31, %mul3A_32 : i32
    %dma_start3A_34 = arith.constant 600 : i32
    %dma_start3A_35 = tpu.memref_slice %arg9[%dma_start3A_34] : memref<3200xi32, #tpu.memory_space<vmem>> -> memref<200xi32, #tpu.memory_space<vmem>>
    %dma_start3A_36 = tpu.memref_slice %arg3[%mul3A_33] : memref<100000xi32, #tpu.memory_space<hbm>> -> memref<200xi32, #tpu.memory_space<hbm>>
    %dma_start3A_37 = arith.constant 600 : i32
    %dma_start3A_38 = tpu.memref_slice %arg9[%dma_start3A_37] : memref<3200xi32, #tpu.memory_space<vmem>> -> memref<200xi32, #tpu.memory_space<vmem>>
    %dma_start3A_39 = tpu.memref_slice %arg3[%mul3A_33] : memref<100000xi32, #tpu.memory_space<hbm>> -> memref<200xi32, #tpu.memory_space<hbm>>
    tpu.enqueue_dma source(%dma_start3A_39 : memref<200xi32, #tpu.memory_space<hbm>>) target(%dma_start3A_38 : memref<200xi32, #tpu.memory_space<vmem>>) target_semaphore(%arg15 : memref<!tpu.dma_semaphore, #tpu.memory_space<semaphore_mem>>)
    %add3A_40 = arith.constant 128 : i32
    %add3A_41 = arith.addi %add3A, %add3A_40 : i32
    %mul3A_42 = arith.constant 200 : i32
    %mul3A_43 = arith.muli %add3A_41, %mul3A_42 : i32
    %dma_start3A_44 = arith.constant 800 : i32
    %dma_start3A_45 = tpu.memref_slice %arg9[%dma_start3A_44] : memref<3200xi32, #tpu.memory_space<vmem>> -> memref<200xi32, #tpu.memory_space<vmem>>
    %dma_start3A_46 = tpu.memref_slice %arg3[%mul3A_43] : memref<100000xi32, #tpu.memory_space<hbm>> -> memref<200xi32, #tpu.memory_space<hbm>>
    %dma_start3A_47 = arith.constant 800 : i32
    %dma_start3A_48 = tpu.memref_slice %arg9[%dma_start3A_47] : memref<3200xi32, #tpu.memory_space<vmem>> -> memref<200xi32, #tpu.memory_space<vmem>>
    %dma_start3A_49 = tpu.memref_slice %arg3[%mul3A_43] : memref<100000xi32, #tpu.memory_space<hbm>> -> memref<200xi32, #tpu.memory_space<hbm>>
    tpu.enqueue_dma source(%dma_start3A_49 : memref<200xi32, #tpu.memory_space<hbm>>) target(%dma_start3A_48 : memref<200xi32, #tpu.memory_space<vmem>>) target_semaphore(%arg15 : memref<!tpu.dma_semaphore, #tpu.memory_space<semaphore_mem>>)
    %add3A_50 = arith.constant 160 : i32
    %add3A_51 = arith.addi %add3A, %add3A_50 : i32
    %mul3A_52 = arith.constant 200 : i32
    %mul3A_53 = arith.muli %add3A_51, %mul3A_52 : i32
    %dma_start3A_54 = arith.constant 1000 : i32
    %dma_start3A_55 = tpu.memref_slice %arg9[%dma_start3A_54] : memref<3200xi32, #tpu.memory_space<vmem>> -> memref<200xi32, #tpu.memory_space<vmem>>
    %dma_start3A_56 = tpu.memref_slice %arg3[%mul3A_53] : memref<100000xi32, #tpu.memory_space<hbm>> -> memref<200xi32, #tpu.memory_space<hbm>>
    %dma_start3A_57 = arith.constant 1000 : i32
    %dma_start3A_58 = tpu.memref_slice %arg9[%dma_start3A_57] : memref<3200xi32, #tpu.memory_space<vmem>> -> memref<200xi32, #tpu.memory_space<vmem>>
    %dma_start3A_59 = tpu.memref_slice %arg3[%mul3A_53] : memref<100000xi32, #tpu.memory_space<hbm>> -> memref<200xi32, #tpu.memory_space<hbm>>
    tpu.enqueue_dma source(%dma_start3A_59 : memref<200xi32, #tpu.memory_space<hbm>>) target(%dma_start3A_58 : memref<200xi32, #tpu.memory_space<vmem>>) target_semaphore(%arg15 : memref<!tpu.dma_semaphore, #tpu.memory_space<semaphore_mem>>)
    %add3A_60 = arith.constant 192 : i32
    %add3A_61 = arith.addi %add3A, %add3A_60 : i32
    %mul3A_62 = arith.constant 200 : i32
    %mul3A_63 = arith.muli %add3A_61, %mul3A_62 : i32
    %dma_start3A_64 = arith.constant 1200 : i32
    %dma_start3A_65 = tpu.memref_slice %arg9[%dma_start3A_64] : memref<3200xi32, #tpu.memory_space<vmem>> -> memref<200xi32, #tpu.memory_space<vmem>>
    %dma_start3A_66 = tpu.memref_slice %arg3[%mul3A_63] : memref<100000xi32, #tpu.memory_space<hbm>> -> memref<200xi32, #tpu.memory_space<hbm>>
    %dma_start3A_67 = arith.constant 1200 : i32
    %dma_start3A_68 = tpu.memref_slice %arg9[%dma_start3A_67] : memref<3200xi32, #tpu.memory_space<vmem>> -> memref<200xi32, #tpu.memory_space<vmem>>
    %dma_start3A_69 = tpu.memref_slice %arg3[%mul3A_63] : memref<100000xi32, #tpu.memory_space<hbm>> -> memref<200xi32, #tpu.memory_space<hbm>>
    tpu.enqueue_dma source(%dma_start3A_69 : memref<200xi32, #tpu.memory_space<hbm>>) target(%dma_start3A_68 : memref<200xi32, #tpu.memory_space<vmem>>) target_semaphore(%arg15 : memref<!tpu.dma_semaphore, #tpu.memory_space<semaphore_mem>>)
    %add3A_70 = arith.constant 224 : i32
    %add3A_71 = arith.addi %add3A, %add3A_70 : i32
    %mul3A_72 = arith.constant 200 : i32
    %mul3A_73 = arith.muli %add3A_71, %mul3A_72 : i32
    %dma_start3A_74 = arith.constant 1400 : i32
    %dma_start3A_75 = tpu.memref_slice %arg9[%dma_start3A_74] : memref<3200xi32, #tpu.memory_space<vmem>> -> memref<200xi32, #tpu.memory_space<vmem>>
    %dma_start3A_76 = tpu.memref_slice %arg3[%mul3A_73] : memref<100000xi32, #tpu.memory_space<hbm>> -> memref<200xi32, #tpu.memory_space<hbm>>
    %dma_start3A_77 = arith.constant 1400 : i32
    %dma_start3A_78 = tpu.memref_slice %arg9[%dma_start3A_77] : memref<3200xi32, #tpu.memory_space<vmem>> -> memref<200xi32, #tpu.memory_space<vmem>>
    %dma_start3A_79 = tpu.memref_slice %arg3[%mul3A_73] : memref<100000xi32, #tpu.memory_space<hbm>> -> memref<200xi32, #tpu.memory_space<hbm>>
    tpu.enqueue_dma source(%dma_start3A_79 : memref<200xi32, #tpu.memory_space<hbm>>) target(%dma_start3A_78 : memref<200xi32, #tpu.memory_space<vmem>>) target_semaphore(%arg15 : memref<!tpu.dma_semaphore, #tpu.memory_space<semaphore_mem>>)
    %add3A_80 = arith.constant 256 : i32
    %add3A_81 = arith.addi %add3A, %add3A_80 : i32
    %mul3A_82 = arith.constant 200 : i32
    %mul3A_83 = arith.muli %add3A_81, %mul3A_82 : i32
    %dma_start3A_84 = arith.constant 1600 : i32
    %dma_start3A_85 = tpu.memref_slice %arg9[%dma_start3A_84] : memref<3200xi32, #tpu.memory_space<vmem>> -> memref<200xi32, #tpu.memory_space<vmem>>
    %dma_start3A_86 = tpu.memref_slice %arg3[%mul3A_83] : memref<100000xi32, #tpu.memory_space<hbm>> -> memref<200xi32, #tpu.memory_space<hbm>>
    %dma_start3A_87 = arith.constant 1600 : i32
    %dma_start3A_88 = tpu.memref_slice %arg9[%dma_start3A_87] : memref<3200xi32, #tpu.memory_space<vmem>> -> memref<200xi32, #tpu.memory_space<vmem>>
    %dma_start3A_89 = tpu.memref_slice %arg3[%mul3A_83] : memref<100000xi32, #tpu.memory_space<hbm>> -> memref<200xi32, #tpu.memory_space<hbm>>
    tpu.enqueue_dma source(%dma_start3A_89 : memref<200xi32, #tpu.memory_space<hbm>>) target(%dma_start3A_88 : memref<200xi32, #tpu.memory_space<vmem>>) target_semaphore(%arg15 : memref<!tpu.dma_semaphore, #tpu.memory_space<semaphore_mem>>)
    %add3A_90 = arith.constant 288 : i32
    %add3A_91 = arith.addi %add3A, %add3A_90 : i32
    %mul3A_92 = arith.constant 200 : i32
    %mul3A_93 = arith.muli %add3A_91, %mul3A_92 : i32
    %dma_start3A_94 = arith.constant 1800 : i32
    %dma_start3A_95 = tpu.memref_slice %arg9[%dma_start3A_94] : memref<3200xi32, #tpu.memory_space<vmem>> -> memref<200xi32, #tpu.memory_space<vmem>>
    %dma_start3A_96 = tpu.memref_slice %arg3[%mul3A_93] : memref<100000xi32, #tpu.memory_space<hbm>> -> memref<200xi32, #tpu.memory_space<hbm>>
    %dma_start3A_97 = arith.constant 1800 : i32
    %dma_start3A_98 = tpu.memref_slice %arg9[%dma_start3A_97] : memref<3200xi32, #tpu.memory_space<vmem>> -> memref<200xi32, #tpu.memory_space<vmem>>
    %dma_start3A_99 = tpu.memref_slice %arg3[%mul3A_93] : memref<100000xi32, #tpu.memory_space<hbm>> -> memref<200xi32, #tpu.memory_space<hbm>>
    tpu.enqueue_dma source(%dma_start3A_99 : memref<200xi32, #tpu.memory_space<hbm>>) target(%dma_start3A_98 : memref<200xi32, #tpu.memory_space<vmem>>) target_semaphore(%arg15 : memref<!tpu.dma_semaphore, #tpu.memory_space<semaphore_mem>>)
    %add3A_100 = arith.constant 320 : i32
    %add3A_101 = arith.addi %add3A, %add3A_100 : i32
    %mul3A_102 = arith.constant 200 : i32
    %mul3A_103 = arith.muli %add3A_101, %mul3A_102 : i32
    %dma_start3A_104 = arith.constant 2000 : i32
    %dma_start3A_105 = tpu.memref_slice %arg9[%dma_start3A_104] : memref<3200xi32, #tpu.memory_space<vmem>> -> memref<200xi32, #tpu.memory_space<vmem>>
    %dma_start3A_106 = tpu.memref_slice %arg3[%mul3A_103] : memref<100000xi32, #tpu.memory_space<hbm>> -> memref<200xi32, #tpu.memory_space<hbm>>
    %dma_start3A_107 = arith.constant 2000 : i32
    %dma_start3A_108 = tpu.memref_slice %arg9[%dma_start3A_107] : memref<3200xi32, #tpu.memory_space<vmem>> -> memref<200xi32, #tpu.memory_space<vmem>>
    %dma_start3A_109 = tpu.memref_slice %arg3[%mul3A_103] : memref<100000xi32, #tpu.memory_space<hbm>> -> memref<200xi32, #tpu.memory_space<hbm>>
    tpu.enqueue_dma source(%dma_start3A_109 : memref<200xi32, #tpu.memory_space<hbm>>) target(%dma_start3A_108 : memref<200xi32, #tpu.memory_space<vmem>>) target_semaphore(%arg15 : memref<!tpu.dma_semaphore, #tpu.memory_space<semaphore_mem>>)
    %add3A_110 = arith.constant 352 : i32
    %add3A_111 = arith.addi %add3A, %add3A_110 : i32
    %mul3A_112 = arith.constant 200 : i32
    %mul3A_113 = arith.muli %add3A_111, %mul3A_112 : i32
    %dma_start3A_114 = arith.constant 2200 : i32
    %dma_start3A_115 = tpu.memref_slice %arg9[%dma_start3A_114] : memref<3200xi32, #tpu.memory_space<vmem>> -> memref<200xi32, #tpu.memory_space<vmem>>
    %dma_start3A_116 = tpu.memref_slice %arg3[%mul3A_113] : memref<100000xi32, #tpu.memory_space<hbm>> -> memref<200xi32, #tpu.memory_space<hbm>>
    %dma_start3A_117 = arith.constant 2200 : i32
    %dma_start3A_118 = tpu.memref_slice %arg9[%dma_start3A_117] : memref<3200xi32, #tpu.memory_space<vmem>> -> memref<200xi32, #tpu.memory_space<vmem>>
    %dma_start3A_119 = tpu.memref_slice %arg3[%mul3A_113] : memref<100000xi32, #tpu.memory_space<hbm>> -> memref<200xi32, #tpu.memory_space<hbm>>
    tpu.enqueue_dma source(%dma_start3A_119 : memref<200xi32, #tpu.memory_space<hbm>>) target(%dma_start3A_118 : memref<200xi32, #tpu.memory_space<vmem>>) target_semaphore(%arg15 : memref<!tpu.dma_semaphore, #tpu.memory_space<semaphore_mem>>)
    %add3A_120 = arith.constant 384 : i32
    %add3A_121 = arith.addi %add3A, %add3A_120 : i32
    %mul3A_122 = arith.constant 200 : i32
    %mul3A_123 = arith.muli %add3A_121, %mul3A_122 : i32
    %dma_start3A_124 = arith.constant 2400 : i32
    %dma_start3A_125 = tpu.memref_slice %arg9[%dma_start3A_124] : memref<3200xi32, #tpu.memory_space<vmem>> -> memref<200xi32, #tpu.memory_space<vmem>>
    %dma_start3A_126 = tpu.memref_slice %arg3[%mul3A_123] : memref<100000xi32, #tpu.memory_space<hbm>> -> memref<200xi32, #tpu.memory_space<hbm>>
    %dma_start3A_127 = arith.constant 2400 : i32
    %dma_start3A_128 = tpu.memref_slice %arg9[%dma_start3A_127] : memref<3200xi32, #tpu.memory_space<vmem>> -> memref<200xi32, #tpu.memory_space<vmem>>
    %dma_start3A_129 = tpu.memref_slice %arg3[%mul3A_123] : memref<100000xi32, #tpu.memory_space<hbm>> -> memref<200xi32, #tpu.memory_space<hbm>>
    tpu.enqueue_dma source(%dma_start3A_129 : memref<200xi32, #tpu.memory_space<hbm>>) target(%dma_start3A_128 : memref<200xi32, #tpu.memory_space<vmem>>) target_semaphore(%arg15 : memref<!tpu.dma_semaphore, #tpu.memory_space<semaphore_mem>>)
    %add3A_130 = arith.constant 416 : i32
    %add3A_131 = arith.addi %add3A, %add3A_130 : i32
    %mul3A_132 = arith.constant 200 : i32
    %mul3A_133 = arith.muli %add3A_131, %mul3A_132 : i32
    %dma_start3A_134 = arith.constant 2600 : i32
    %dma_start3A_135 = tpu.memref_slice %arg9[%dma_start3A_134] : memref<3200xi32, #tpu.memory_space<vmem>> -> memref<200xi32, #tpu.memory_space<vmem>>
    %dma_start3A_136 = tpu.memref_slice %arg3[%mul3A_133] : memref<100000xi32, #tpu.memory_space<hbm>> -> memref<200xi32, #tpu.memory_space<hbm>>
    %dma_start3A_137 = arith.constant 2600 : i32
    %dma_start3A_138 = tpu.memref_slice %arg9[%dma_start3A_137] : memref<3200xi32, #tpu.memory_space<vmem>> -> memref<200xi32, #tpu.memory_space<vmem>>
    %dma_start3A_139 = tpu.memref_slice %arg3[%mul3A_133] : memref<100000xi32, #tpu.memory_space<hbm>> -> memref<200xi32, #tpu.memory_space<hbm>>
    tpu.enqueue_dma source(%dma_start3A_139 : memref<200xi32, #tpu.memory_space<hbm>>) target(%dma_start3A_138 : memref<200xi32, #tpu.memory_space<vmem>>) target_semaphore(%arg15 : memref<!tpu.dma_semaphore, #tpu.memory_space<semaphore_mem>>)
    %add3A_140 = arith.constant 448 : i32
    %add3A_141 = arith.addi %add3A, %add3A_140 : i32
    %mul3A_142 = arith.constant 200 : i32
    %mul3A_143 = arith.muli %add3A_141, %mul3A_142 : i32
    %dma_start3A_144 = arith.constant 2800 : i32
    %dma_start3A_145 = tpu.memref_slice %arg9[%dma_start3A_144] : memref<3200xi32, #tpu.memory_space<vmem>> -> memref<200xi32, #tpu.memory_space<vmem>>
    %dma_start3A_146 = tpu.memref_slice %arg3[%mul3A_143] : memref<100000xi32, #tpu.memory_space<hbm>> -> memref<200xi32, #tpu.memory_space<hbm>>
    %dma_start3A_147 = arith.constant 2800 : i32
    %dma_start3A_148 = tpu.memref_slice %arg9[%dma_start3A_147] : memref<3200xi32, #tpu.memory_space<vmem>> -> memref<200xi32, #tpu.memory_space<vmem>>
    %dma_start3A_149 = tpu.memref_slice %arg3[%mul3A_143] : memref<100000xi32, #tpu.memory_space<hbm>> -> memref<200xi32, #tpu.memory_space<hbm>>
    tpu.enqueue_dma source(%dma_start3A_149 : memref<200xi32, #tpu.memory_space<hbm>>) target(%dma_start3A_148 : memref<200xi32, #tpu.memory_space<vmem>>) target_semaphore(%arg15 : memref<!tpu.dma_semaphore, #tpu.memory_space<semaphore_mem>>)
    %add3A_150 = arith.constant 480 : i32
    %add3A_151 = arith.addi %add3A, %add3A_150 : i32
    %mul3A_152 = arith.constant 200 : i32
    %mul3A_153 = arith.muli %add3A_151, %mul3A_152 : i32
    %add3A_154 = arith.constant 480 : i32
    %add3A_155 = arith.addi %add3A, %add3A_154 : i32
    %lt3A = arith.constant 500 : i32
    %lt3A_156 = arith.cmpi slt, %add3A_155, %lt3A : i32
    %jit3A = arith.constant 0 : i32
    %select_n3A = arith.select %lt3A_156, %mul3A_153, %jit3A : i32
    %dma_start3A_157 = arith.constant 3000 : i32
    %dma_start3A_158 = tpu.memref_slice %arg9[%dma_start3A_157] : memref<3200xi32, #tpu.memory_space<vmem>> -> memref<200xi32, #tpu.memory_space<vmem>>
    %dma_start3A_159 = tpu.memref_slice %arg3[%select_n3A] : memref<100000xi32, #tpu.memory_space<hbm>> -> memref<200xi32, #tpu.memory_space<hbm>>
    %dma_start3A_160 = arith.constant 3000 : i32
    %dma_start3A_161 = tpu.memref_slice %arg9[%dma_start3A_160] : memref<3200xi32, #tpu.memory_space<vmem>> -> memref<200xi32, #tpu.memory_space<vmem>>
    %dma_start3A_162 = tpu.memref_slice %arg3[%select_n3A] : memref<100000xi32, #tpu.memory_space<hbm>> -> memref<200xi32, #tpu.memory_space<hbm>>
    tpu.enqueue_dma source(%dma_start3A_162 : memref<200xi32, #tpu.memory_space<hbm>>) target(%dma_start3A_161 : memref<200xi32, #tpu.memory_space<vmem>>) target_semaphore(%arg15 : memref<!tpu.dma_semaphore, #tpu.memory_space<semaphore_mem>>)
    %eq3A = arith.constant 0 : i32
    %eq3A_163 = arith.cmpi eq, %arg1, %eq3A : i32
    %convert_element_type3A = arith.extui %eq3A_163 : i1 to i32
    %cond3A = arith.constant 0 : i32
    %cond3A_164 = arith.cmpi ne, %convert_element_type3A, %cond3A : i32
    scf.if %cond3A_164 {
      %iota3A = tpu.iota {dimensions = array<i32: 0>} : vector<16xi32>
      %add3A_948 = arith.constant 6248 : i32
      %add3A_949 = vector.broadcast %add3A_948 : i32 to vector<16xi32>
      %add3A_950 = arith.addi %iota3A, %add3A_949 : vector<16xi32>
      %min3A = arith.constant 6249 : i32
      %min3A_951 = vector.broadcast %min3A : i32 to vector<16xi32>
      %min3A_952 = arith.minsi %add3A_950, %min3A_951 : vector<16xi32>
      %swap3A = arith.constant 0 : index
      %swap3A_953 = tpu.vector_load %arg13[%swap3A] {strides = array<i32>} : memref<16xi32, #tpu.memory_space<vmem>>, vector<16xi32>,
      %swap3A_954 = vector.shape_cast %swap3A_953 : vector<16xi32> to vector<16xi32>
      %swap3A_955 = vector.shape_cast %min3A_952 : vector<16xi32> to vector<16xi32>
      tpu.vector_store %arg13[%swap3A], %swap3A_955 {strides = array<i32>} : memref<16xi32, #tpu.memory_space<vmem>>, vector<16xi32>,
      %dma_start3A_956 = arith.constant 0 : i32
      %dma_start3A_957 = arith.constant 0 : i32
      %dma_start3A_958 = tpu.memref_slice %arg2[%dma_start3A_956, %dma_start3A_957] : memref<6250x128xf32, #tpu.memory_space<hbm>> -> memref<6250x128xf32, #tpu.memory_space<hbm>>
      tpu.enqueue_indirect_dma source(%dma_start3A_958 : memref<6250x128xf32, #tpu.memory_space<hbm>>) target(%arg14 : memref<16x128xf32, #tpu.memory_space<vmem>>) offsets(%arg13 : memref<16xi32, #tpu.memory_space<vmem>>) semaphore(%arg18 : memref<!tpu.dma_semaphore, #tpu.memory_space<semaphore_mem>>)
    } else {
    }
    %lt3A_165 = arith.constant 13 : i32
    %lt3A_166 = arith.cmpi slt, %arg1, %lt3A_165 : i32
    %convert_element_type3A_167 = arith.extui %lt3A_166 : i1 to i32
    %cond3A_168 = arith.constant 0 : i32
    %cond3A_169 = arith.cmpi ne, %convert_element_type3A_167, %cond3A_168 : i32
    scf.if %cond3A_169 {
      %mul3A_948 = arith.constant 392 : i32
      %mul3A_949 = arith.muli %arg1, %mul3A_948 : i32
      %mul3A_950 = arith.constant 1568 : i32
      %mul3A_951 = arith.muli %arg1, %mul3A_950 : i32
      %dma_start3A_952 = arith.constant 0 : i32
      %dma_start3A_953 = tpu.memref_slice %arg2[%mul3A_949, %dma_start3A_952] : memref<6250x128xf32, #tpu.memory_space<hbm>> -> memref<200x128xf32, #tpu.memory_space<hbm>>
      %dma_start3A_954 = arith.constant 0 : i32
      %dma_start3A_955 = tpu.memref_slice %arg2[%mul3A_949, %dma_start3A_954] : memref<6250x128xf32, #tpu.memory_space<hbm>> -> memref<200x128xf32, #tpu.memory_space<hbm>>
      tpu.enqueue_dma source(%dma_start3A_955 : memref<200x128xf32, #tpu.memory_space<hbm>>) target(%arg11 : memref<200x128xf32, #tpu.memory_space<vmem>>) target_semaphore(%arg16 : memref<!tpu.dma_semaphore, #tpu.memory_space<semaphore_mem>>)
      %dma_start3A_956 = arith.constant 0 : i32
      %dma_start3A_957 = tpu.memref_slice %arg8[%dma_start3A_956] : memref<1568xi32, #tpu.memory_space<vmem>> -> memref<1568xi32, #tpu.memory_space<vmem>>
      %dma_start3A_958 = tpu.memref_slice %arg4[%mul3A_951] : memref<25000xi32, #tpu.memory_space<hbm>> -> memref<1568xi32, #tpu.memory_space<hbm>>
      %dma_start3A_959 = arith.constant 0 : i32
      %dma_start3A_960 = tpu.memref_slice %arg8[%dma_start3A_959] : memref<1568xi32, #tpu.memory_space<vmem>> -> memref<1568xi32, #tpu.memory_space<vmem>>
      %dma_start3A_961 = tpu.memref_slice %arg4[%mul3A_951] : memref<25000xi32, #tpu.memory_space<hbm>> -> memref<1568xi32, #tpu.memory_space<hbm>>
      tpu.enqueue_dma source(%dma_start3A_961 : memref<1568xi32, #tpu.memory_space<hbm>>) target(%dma_start3A_960 : memref<1568xi32, #tpu.memory_space<vmem>>) target_semaphore(%arg17 : memref<!tpu.dma_semaphore, #tpu.memory_space<semaphore_mem>>)
      %dma_wait3A_962 = arith.constant 0 : i32
      %dma_wait3A_963 = tpu.memref_slice %arg2[%mul3A_949, %dma_wait3A_962] : memref<6250x128xf32, #tpu.memory_space<hbm>> -> memref<200x128xf32, #tpu.memory_space<hbm>>
      %dma_wait3A_964 = arith.constant 0 : i32
      %dma_wait3A_965 = tpu.memref_slice %arg2[%mul3A_949, %dma_wait3A_964] : memref<6250x128xf32, #tpu.memory_space<hbm>> -> memref<200x128xf32, #tpu.memory_space<hbm>>
      tpu.wait_dma2 semaphore(%arg16 : memref<!tpu.dma_semaphore, #tpu.memory_space<semaphore_mem>>) src(%dma_wait3A_965 : memref<200x128xf32, #tpu.memory_space<hbm>>) dst(%arg11 : memref<200x128xf32, #tpu.memory_space<vmem>>)
      %add3A_966 = arith.constant 200 : i32
      %add3A_967 = arith.addi %mul3A_949, %add3A_966 : i32
      %dma_start3A_968 = arith.constant 0 : i32
      %dma_start3A_969 = arith.constant 0 : i32
      %dma_start3A_970 = tpu.memref_slice %arg12[%dma_start3A_968, %dma_start3A_969] : memref<200x128xf32, #tpu.memory_space<vmem>> -> memref<192x128xf32, #tpu.memory_space<vmem>>
      %dma_start3A_971 = arith.constant 0 : i32
      %dma_start3A_972 = tpu.memref_slice %arg2[%add3A_967, %dma_start3A_971] : memref<6250x128xf32, #tpu.memory_space<hbm>> -> memref<192x128xf32, #tpu.memory_space<hbm>>
      %dma_start3A_973 = arith.constant 0 : i32
      %dma_start3A_974 = arith.constant 0 : i32
      %dma_start3A_975 = tpu.memref_slice %arg12[%dma_start3A_973, %dma_start3A_974] : memref<200x128xf32, #tpu.memory_space<vmem>> -> memref<192x128xf32, #tpu.memory_space<vmem>>
      %dma_start3A_976 = arith.constant 0 : i32
      %dma_start3A_977 = tpu.memref_slice %arg2[%add3A_967, %dma_start3A_976] : memref<6250x128xf32, #tpu.memory_space<hbm>> -> memref<192x128xf32, #tpu.memory_space<hbm>>
      tpu.enqueue_dma source(%dma_start3A_977 : memref<192x128xf32, #tpu.memory_space<hbm>>) target(%dma_start3A_975 : memref<192x128xf32, #tpu.memory_space<vmem>>) target_semaphore(%arg17 : memref<!tpu.dma_semaphore, #tpu.memory_space<semaphore_mem>>)
      "tpu.region"() ({
        %run_scoped3A = tpu.sem_alloc : memref<!tpu.dma_semaphore, #tpu.memory_space<semaphore_mem>>
        %dma_start3A_996 = arith.constant 0 : i32
        %dma_start3A_997 = tpu.memref_slice %arg6[%mul3A_949, %dma_start3A_996] : memref<6256x128xf32, #tpu.memory_space<vmem_shared>> -> memref<200x128xf32, #tpu.memory_space<vmem_shared>>
        %dma_start3A_998 = arith.constant 0 : i32
        %dma_start3A_999 = tpu.memref_slice %arg6[%mul3A_949, %dma_start3A_998] : memref<6256x128xf32, #tpu.memory_space<vmem_shared>> -> memref<200x128xf32, #tpu.memory_space<vmem_shared>>
        tpu.enqueue_dma source(%arg11 : memref<200x128xf32, #tpu.memory_space<vmem>>) target(%dma_start3A_999 : memref<200x128xf32, #tpu.memory_space<vmem_shared>>) target_semaphore(%run_scoped3A : memref<!tpu.dma_semaphore, #tpu.memory_space<semaphore_mem>>)
        %dma_wait3A_1000 = arith.constant 0 : i32
        %dma_wait3A_1001 = tpu.memref_slice %arg6[%mul3A_949, %dma_wait3A_1000] : memref<6256x128xf32, #tpu.memory_space<vmem_shared>> -> memref<200x128xf32, #tpu.memory_space<vmem_shared>>
        %dma_wait3A_1002 = arith.constant 0 : i32
        %dma_wait3A_1003 = tpu.memref_slice %arg6[%mul3A_949, %dma_wait3A_1002] : memref<6256x128xf32, #tpu.memory_space<vmem_shared>> -> memref<200x128xf32, #tpu.memory_space<vmem_shared>>
        tpu.wait_dma2 semaphore(%run_scoped3A : memref<!tpu.dma_semaphore, #tpu.memory_space<semaphore_mem>>) src(%arg11 : memref<200x128xf32, #tpu.memory_space<vmem>>) dst(%dma_wait3A_1003 : memref<200x128xf32, #tpu.memory_space<vmem_shared>>)
        tpu.yield
      }) : () -> ()
      %dma_wait3A_978 = arith.constant 0 : i32
      %dma_wait3A_979 = arith.constant 0 : i32
      %dma_wait3A_980 = tpu.memref_slice %arg12[%dma_wait3A_978, %dma_wait3A_979] : memref<200x128xf32, #tpu.memory_space<vmem>> -> memref<192x128xf32, #tpu.memory_space<vmem>>
      %dma_wait3A_981 = arith.constant 0 : i32
      %dma_wait3A_982 = tpu.memref_slice %arg2[%add3A_967, %dma_wait3A_981] : memref<6250x128xf32, #tpu.memory_space<hbm>> -> memref<192x128xf32, #tpu.memory_space<hbm>>
      %dma_wait3A_983 = arith.constant 0 : i32
      %dma_wait3A_984 = arith.constant 0 : i32
      %dma_wait3A_985 = tpu.memref_slice %arg12[%dma_wait3A_983, %dma_wait3A_984] : memref<200x128xf32, #tpu.memory_space<vmem>> -> memref<192x128xf32, #tpu.memory_space<vmem>>
      %dma_wait3A_986 = arith.constant 0 : i32
      %dma_wait3A_987 = tpu.memref_slice %arg2[%add3A_967, %dma_wait3A_986] : memref<6250x128xf32, #tpu.memory_space<hbm>> -> memref<192x128xf32, #tpu.memory_space<hbm>>
      tpu.wait_dma2 semaphore(%arg17 : memref<!tpu.dma_semaphore, #tpu.memory_space<semaphore_mem>>) src(%dma_wait3A_987 : memref<192x128xf32, #tpu.memory_space<hbm>>) dst(%dma_wait3A_985 : memref<192x128xf32, #tpu.memory_space<vmem>>)
      %dma_wait3A_988 = arith.constant 0 : i32
      %dma_wait3A_989 = tpu.memref_slice %arg8[%dma_wait3A_988] : memref<1568xi32, #tpu.memory_space<vmem>> -> memref<1568xi32, #tpu.memory_space<vmem>>
      %dma_wait3A_990 = tpu.memref_slice %arg4[%mul3A_951] : memref<25000xi32, #tpu.memory_space<hbm>> -> memref<1568xi32, #tpu.memory_space<hbm>>
      %dma_wait3A_991 = arith.constant 0 : i32
      %dma_wait3A_992 = tpu.memref_slice %arg8[%dma_wait3A_991] : memref<1568xi32, #tpu.memory_space<vmem>> -> memref<1568xi32, #tpu.memory_space<vmem>>
      %dma_wait3A_993 = tpu.memref_slice %arg4[%mul3A_951] : memref<25000xi32, #tpu.memory_space<hbm>> -> memref<1568xi32, #tpu.memory_space<hbm>>
      tpu.wait_dma2 semaphore(%arg17 : memref<!tpu.dma_semaphore, #tpu.memory_space<semaphore_mem>>) src(%dma_wait3A_993 : memref<1568xi32, #tpu.memory_space<hbm>>) dst(%dma_wait3A_992 : memref<1568xi32, #tpu.memory_space<vmem>>)
      %add3A_994 = arith.constant 200 : i32
      %add3A_995 = arith.addi %mul3A_949, %add3A_994 : i32
      "tpu.region"() ({
        %run_scoped3A = tpu.sem_alloc : memref<!tpu.dma_semaphore, #tpu.memory_space<semaphore_mem>>
        %dma_start3A_996 = arith.constant 0 : i32
        %dma_start3A_997 = arith.constant 0 : i32
        %dma_start3A_998 = tpu.memref_slice %arg12[%dma_start3A_996, %dma_start3A_997] : memref<200x128xf32, #tpu.memory_space<vmem>> -> memref<192x128xf32, #tpu.memory_space<vmem>>
        %dma_start3A_999 = arith.constant 0 : i32
        %dma_start3A_1000 = tpu.memref_slice %arg6[%add3A_995, %dma_start3A_999] : memref<6256x128xf32, #tpu.memory_space<vmem_shared>> -> memref<192x128xf32, #tpu.memory_space<vmem_shared>>
        %dma_start3A_1001 = arith.constant 0 : i32
        %dma_start3A_1002 = tpu.memref_slice %arg6[%add3A_995, %dma_start3A_1001] : memref<6256x128xf32, #tpu.memory_space<vmem_shared>> -> memref<192x128xf32, #tpu.memory_space<vmem_shared>>
        %dma_start3A_1003 = arith.constant 0 : i32
        %dma_start3A_1004 = arith.constant 0 : i32
        %dma_start3A_1005 = tpu.memref_slice %arg12[%dma_start3A_1003, %dma_start3A_1004] : memref<200x128xf32, #tpu.memory_space<vmem>> -> memref<192x128xf32, #tpu.memory_space<vmem>>
        tpu.enqueue_dma source(%dma_start3A_1005 : memref<192x128xf32, #tpu.memory_space<vmem>>) target(%dma_start3A_1002 : memref<192x128xf32, #tpu.memory_space<vmem_shared>>) target_semaphore(%run_scoped3A : memref<!tpu.dma_semaphore, #tpu.memory_space<semaphore_mem>>)
        %dma_wait3A_1006 = arith.constant 0 : i32
        %dma_wait3A_1007 = arith.constant 0 : i32
        %dma_wait3A_1008 = tpu.memref_slice %arg12[%dma_wait3A_1006, %dma_wait3A_1007] : memref<200x128xf32, #tpu.memory_space<vmem>> -> memref<192x128xf32, #tpu.memory_space<vmem>>
        %dma_wait3A_1009 = arith.constant 0 : i32
        %dma_wait3A_1010 = tpu.memref_slice %arg6[%add3A_995, %dma_wait3A_1009] : memref<6256x128xf32, #tpu.memory_space<vmem_shared>> -> memref<192x128xf32, #tpu.memory_space<vmem_shared>>
        %dma_wait3A_1011 = arith.constant 0 : i32
        %dma_wait3A_1012 = tpu.memref_slice %arg6[%add3A_995, %dma_wait3A_1011] : memref<6256x128xf32, #tpu.memory_space<vmem_shared>> -> memref<192x128xf32, #tpu.memory_space<vmem_shared>>
        %dma_wait3A_1013 = arith.constant 0 : i32
        %dma_wait3A_1014 = arith.constant 0 : i32
        %dma_wait3A_1015 = tpu.memref_slice %arg12[%dma_wait3A_1013, %dma_wait3A_1014] : memref<200x128xf32, #tpu.memory_space<vmem>> -> memref<192x128xf32, #tpu.memory_space<vmem>>
        tpu.wait_dma2 semaphore(%run_scoped3A : memref<!tpu.dma_semaphore, #tpu.memory_space<semaphore_mem>>) src(%dma_wait3A_1015 : memref<192x128xf32, #tpu.memory_space<vmem>>) dst(%dma_wait3A_1012 : memref<192x128xf32, #tpu.memory_space<vmem_shared>>)
        tpu.yield
      }) : () -> ()
      "tpu.region"() ({
        %run_scoped3A = tpu.sem_alloc : memref<!tpu.dma_semaphore, #tpu.memory_space<semaphore_mem>>
        %dma_start3A_996 = arith.constant 0 : i32
        %dma_start3A_997 = tpu.memref_slice %arg8[%dma_start3A_996] : memref<1568xi32, #tpu.memory_space<vmem>> -> memref<1568xi32, #tpu.memory_space<vmem>>
        %dma_start3A_998 = tpu.memref_slice %arg7[%mul3A_951] : memref<25000xi32, #tpu.memory_space<vmem_shared>> -> memref<1568xi32, #tpu.memory_space<vmem_shared>>
        %dma_start3A_999 = tpu.memref_slice %arg7[%mul3A_951] : memref<25000xi32, #tpu.memory_space<vmem_shared>> -> memref<1568xi32, #tpu.memory_space<vmem_shared>>
        %dma_start3A_1000 = arith.constant 0 : i32
        %dma_start3A_1001 = tpu.memref_slice %arg8[%dma_start3A_1000] : memref<1568xi32, #tpu.memory_space<vmem>> -> memref<1568xi32, #tpu.memory_space<vmem>>
        tpu.enqueue_dma source(%dma_start3A_1001 : memref<1568xi32, #tpu.memory_space<vmem>>) target(%dma_start3A_999 : memref<1568xi32, #tpu.memory_space<vmem_shared>>) target_semaphore(%run_scoped3A : memref<!tpu.dma_semaphore, #tpu.memory_space<semaphore_mem>>)
        %dma_wait3A_1002 = arith.constant 0 : i32
        %dma_wait3A_1003 = tpu.memref_slice %arg8[%dma_wait3A_1002] : memref<1568xi32, #tpu.memory_space<vmem>> -> memref<1568xi32, #tpu.memory_space<vmem>>
        %dma_wait3A_1004 = tpu.memref_slice %arg7[%mul3A_951] : memref<25000xi32, #tpu.memory_space<vmem_shared>> -> memref<1568xi32, #tpu.memory_space<vmem_shared>>
        %dma_wait3A_1005 = tpu.memref_slice %arg7[%mul3A_951] : memref<25000xi32, #tpu.memory_space<vmem_shared>> -> memref<1568xi32, #tpu.memory_space<vmem_shared>>
        %dma_wait3A_1006 = arith.constant 0 : i32
        %dma_wait3A_1007 = tpu.memref_slice %arg8[%dma_wait3A_1006] : memref<1568xi32, #tpu.memory_space<vmem>> -> memref<1568xi32, #tpu.memory_space<vmem>>
        tpu.wait_dma2 semaphore(%run_scoped3A : memref<!tpu.dma_semaphore, #tpu.memory_space<semaphore_mem>>) src(%dma_wait3A_1007 : memref<1568xi32, #tpu.memory_space<vmem>>) dst(%dma_wait3A_1005 : memref<1568xi32, #tpu.memory_space<vmem_shared>>)
        tpu.yield
      }) : () -> ()
    } else {
    }
    %ge3A = arith.constant 13 : i32
    %ge3A_170 = arith.cmpi sge, %arg1, %ge3A : i32
    %lt3A_171 = arith.constant 15 : i32
    %lt3A_172 = arith.cmpi slt, %arg1, %lt3A_171 : i32
    %and3A = arith.andi %ge3A_170, %lt3A_172 : i1
    %convert_element_type3A_173 = arith.extui %and3A : i1 to i32
    %cond3A_174 = arith.constant 0 : i32
    %cond3A_175 = arith.cmpi ne, %convert_element_type3A_173, %cond3A_174 : i32
    scf.if %cond3A_175 {
      %sub3A = arith.constant 13 : i32
      %sub3A_948 = arith.subi %arg1, %sub3A : i32
      %mul3A_949 = arith.constant 384 : i32
      %mul3A_950 = arith.muli %sub3A_948, %mul3A_949 : i32
      %add3A_951 = arith.constant 5096 : i32
      %add3A_952 = arith.addi %add3A_951, %mul3A_950 : i32
      %mul3A_953 = arith.constant 1568 : i32
      %mul3A_954 = arith.muli %arg1, %mul3A_953 : i32
      %dma_start3A_955 = arith.constant 0 : i32
      %dma_start3A_956 = tpu.memref_slice %arg2[%add3A_952, %dma_start3A_955] : memref<6250x128xf32, #tpu.memory_space<hbm>> -> memref<200x128xf32, #tpu.memory_space<hbm>>
      %dma_start3A_957 = arith.constant 0 : i32
      %dma_start3A_958 = tpu.memref_slice %arg2[%add3A_952, %dma_start3A_957] : memref<6250x128xf32, #tpu.memory_space<hbm>> -> memref<200x128xf32, #tpu.memory_space<hbm>>
      tpu.enqueue_dma source(%dma_start3A_958 : memref<200x128xf32, #tpu.memory_space<hbm>>) target(%arg11 : memref<200x128xf32, #tpu.memory_space<vmem>>) target_semaphore(%arg16 : memref<!tpu.dma_semaphore, #tpu.memory_space<semaphore_mem>>)
      %dma_start3A_959 = arith.constant 0 : i32
      %dma_start3A_960 = tpu.memref_slice %arg8[%dma_start3A_959] : memref<1568xi32, #tpu.memory_space<vmem>> -> memref<1568xi32, #tpu.memory_space<vmem>>
      %dma_start3A_961 = tpu.memref_slice %arg4[%mul3A_954] : memref<25000xi32, #tpu.memory_space<hbm>> -> memref<1568xi32, #tpu.memory_space<hbm>>
      %dma_start3A_962 = arith.constant 0 : i32
      %dma_start3A_963 = tpu.memref_slice %arg8[%dma_start3A_962] : memref<1568xi32, #tpu.memory_space<vmem>> -> memref<1568xi32, #tpu.memory_space<vmem>>
      %dma_start3A_964 = tpu.memref_slice %arg4[%mul3A_954] : memref<25000xi32, #tpu.memory_space<hbm>> -> memref<1568xi32, #tpu.memory_space<hbm>>
      tpu.enqueue_dma source(%dma_start3A_964 : memref<1568xi32, #tpu.memory_space<hbm>>) target(%dma_start3A_963 : memref<1568xi32, #tpu.memory_space<vmem>>) target_semaphore(%arg17 : memref<!tpu.dma_semaphore, #tpu.memory_space<semaphore_mem>>)
      %dma_wait3A_965 = arith.constant 0 : i32
      %dma_wait3A_966 = tpu.memref_slice %arg2[%add3A_952, %dma_wait3A_965] : memref<6250x128xf32, #tpu.memory_space<hbm>> -> memref<200x128xf32, #tpu.memory_space<hbm>>
      %dma_wait3A_967 = arith.constant 0 : i32
      %dma_wait3A_968 = tpu.memref_slice %arg2[%add3A_952, %dma_wait3A_967] : memref<6250x128xf32, #tpu.memory_space<hbm>> -> memref<200x128xf32, #tpu.memory_space<hbm>>
      tpu.wait_dma2 semaphore(%arg16 : memref<!tpu.dma_semaphore, #tpu.memory_space<semaphore_mem>>) src(%dma_wait3A_968 : memref<200x128xf32, #tpu.memory_space<hbm>>) dst(%arg11 : memref<200x128xf32, #tpu.memory_space<vmem>>)
      %add3A_969 = arith.constant 200 : i32
      %add3A_970 = arith.addi %add3A_952, %add3A_969 : i32
      %dma_start3A_971 = arith.constant 0 : i32
      %dma_start3A_972 = arith.constant 0 : i32
      %dma_start3A_973 = tpu.memref_slice %arg12[%dma_start3A_971, %dma_start3A_972] : memref<200x128xf32, #tpu.memory_space<vmem>> -> memref<184x128xf32, #tpu.memory_space<vmem>>
      %dma_start3A_974 = arith.constant 0 : i32
      %dma_start3A_975 = tpu.memref_slice %arg2[%add3A_970, %dma_start3A_974] : memref<6250x128xf32, #tpu.memory_space<hbm>> -> memref<184x128xf32, #tpu.memory_space<hbm>>
      %dma_start3A_976 = arith.constant 0 : i32
      %dma_start3A_977 = arith.constant 0 : i32
      %dma_start3A_978 = tpu.memref_slice %arg12[%dma_start3A_976, %dma_start3A_977] : memref<200x128xf32, #tpu.memory_space<vmem>> -> memref<184x128xf32, #tpu.memory_space<vmem>>
      %dma_start3A_979 = arith.constant 0 : i32
      %dma_start3A_980 = tpu.memref_slice %arg2[%add3A_970, %dma_start3A_979] : memref<6250x128xf32, #tpu.memory_space<hbm>> -> memref<184x128xf32, #tpu.memory_space<hbm>>
      tpu.enqueue_dma source(%dma_start3A_980 : memref<184x128xf32, #tpu.memory_space<hbm>>) target(%dma_start3A_978 : memref<184x128xf32, #tpu.memory_space<vmem>>) target_semaphore(%arg17 : memref<!tpu.dma_semaphore, #tpu.memory_space<semaphore_mem>>)
      "tpu.region"() ({
        %run_scoped3A = tpu.sem_alloc : memref<!tpu.dma_semaphore, #tpu.memory_space<semaphore_mem>>
        %dma_start3A_999 = arith.constant 0 : i32
        %dma_start3A_1000 = tpu.memref_slice %arg6[%add3A_952, %dma_start3A_999] : memref<6256x128xf32, #tpu.memory_space<vmem_shared>> -> memref<200x128xf32, #tpu.memory_space<vmem_shared>>
        %dma_start3A_1001 = arith.constant 0 : i32
        %dma_start3A_1002 = tpu.memref_slice %arg6[%add3A_952, %dma_start3A_1001] : memref<6256x128xf32, #tpu.memory_space<vmem_shared>> -> memref<200x128xf32, #tpu.memory_space<vmem_shared>>
        tpu.enqueue_dma source(%arg11 : memref<200x128xf32, #tpu.memory_space<vmem>>) target(%dma_start3A_1002 : memref<200x128xf32, #tpu.memory_space<vmem_shared>>) target_semaphore(%run_scoped3A : memref<!tpu.dma_semaphore, #tpu.memory_space<semaphore_mem>>)
        %dma_wait3A_1003 = arith.constant 0 : i32
        %dma_wait3A_1004 = tpu.memref_slice %arg6[%add3A_952, %dma_wait3A_1003] : memref<6256x128xf32, #tpu.memory_space<vmem_shared>> -> memref<200x128xf32, #tpu.memory_space<vmem_shared>>
        %dma_wait3A_1005 = arith.constant 0 : i32
        %dma_wait3A_1006 = tpu.memref_slice %arg6[%add3A_952, %dma_wait3A_1005] : memref<6256x128xf32, #tpu.memory_space<vmem_shared>> -> memref<200x128xf32, #tpu.memory_space<vmem_shared>>
        tpu.wait_dma2 semaphore(%run_scoped3A : memref<!tpu.dma_semaphore, #tpu.memory_space<semaphore_mem>>) src(%arg11 : memref<200x128xf32, #tpu.memory_space<vmem>>) dst(%dma_wait3A_1006 : memref<200x128xf32, #tpu.memory_space<vmem_shared>>)
        tpu.yield
      }) : () -> ()
      %dma_wait3A_981 = arith.constant 0 : i32
      %dma_wait3A_982 = arith.constant 0 : i32
      %dma_wait3A_983 = tpu.memref_slice %arg12[%dma_wait3A_981, %dma_wait3A_982] : memref<200x128xf32, #tpu.memory_space<vmem>> -> memref<184x128xf32, #tpu.memory_space<vmem>>
      %dma_wait3A_984 = arith.constant 0 : i32
      %dma_wait3A_985 = tpu.memref_slice %arg2[%add3A_970, %dma_wait3A_984] : memref<6250x128xf32, #tpu.memory_space<hbm>> -> memref<184x128xf32, #tpu.memory_space<hbm>>
      %dma_wait3A_986 = arith.constant 0 : i32
      %dma_wait3A_987 = arith.constant 0 : i32
      %dma_wait3A_988 = tpu.memref_slice %arg12[%dma_wait3A_986, %dma_wait3A_987] : memref<200x128xf32, #tpu.memory_space<vmem>> -> memref<184x128xf32, #tpu.memory_space<vmem>>
      %dma_wait3A_989 = arith.constant 0 : i32
      %dma_wait3A_990 = tpu.memref_slice %arg2[%add3A_970, %dma_wait3A_989] : memref<6250x128xf32, #tpu.memory_space<hbm>> -> memref<184x128xf32, #tpu.memory_space<hbm>>
      tpu.wait_dma2 semaphore(%arg17 : memref<!tpu.dma_semaphore, #tpu.memory_space<semaphore_mem>>) src(%dma_wait3A_990 : memref<184x128xf32, #tpu.memory_space<hbm>>) dst(%dma_wait3A_988 : memref<184x128xf32, #tpu.memory_space<vmem>>)
      %dma_wait3A_991 = arith.constant 0 : i32
      %dma_wait3A_992 = tpu.memref_slice %arg8[%dma_wait3A_991] : memref<1568xi32, #tpu.memory_space<vmem>> -> memref<1568xi32, #tpu.memory_space<vmem>>
      %dma_wait3A_993 = tpu.memref_slice %arg4[%mul3A_954] : memref<25000xi32, #tpu.memory_space<hbm>> -> memref<1568xi32, #tpu.memory_space<hbm>>
      %dma_wait3A_994 = arith.constant 0 : i32
      %dma_wait3A_995 = tpu.memref_slice %arg8[%dma_wait3A_994] : memref<1568xi32, #tpu.memory_space<vmem>> -> memref<1568xi32, #tpu.memory_space<vmem>>
      %dma_wait3A_996 = tpu.memref_slice %arg4[%mul3A_954] : memref<25000xi32, #tpu.memory_space<hbm>> -> memref<1568xi32, #tpu.memory_space<hbm>>
      tpu.wait_dma2 semaphore(%arg17 : memref<!tpu.dma_semaphore, #tpu.memory_space<semaphore_mem>>) src(%dma_wait3A_996 : memref<1568xi32, #tpu.memory_space<hbm>>) dst(%dma_wait3A_995 : memref<1568xi32, #tpu.memory_space<vmem>>)
      %add3A_997 = arith.constant 200 : i32
      %add3A_998 = arith.addi %add3A_952, %add3A_997 : i32
      "tpu.region"() ({
        %run_scoped3A = tpu.sem_alloc : memref<!tpu.dma_semaphore, #tpu.memory_space<semaphore_mem>>
        %dma_start3A_999 = arith.constant 0 : i32
        %dma_start3A_1000 = arith.constant 0 : i32
        %dma_start3A_1001 = tpu.memref_slice %arg12[%dma_start3A_999, %dma_start3A_1000] : memref<200x128xf32, #tpu.memory_space<vmem>> -> memref<184x128xf32, #tpu.memory_space<vmem>>
        %dma_start3A_1002 = arith.constant 0 : i32
        %dma_start3A_1003 = tpu.memref_slice %arg6[%add3A_998, %dma_start3A_1002] : memref<6256x128xf32, #tpu.memory_space<vmem_shared>> -> memref<184x128xf32, #tpu.memory_space<vmem_shared>>
        %dma_start3A_1004 = arith.constant 0 : i32
        %dma_start3A_1005 = tpu.memref_slice %arg6[%add3A_998, %dma_start3A_1004] : memref<6256x128xf32, #tpu.memory_space<vmem_shared>> -> memref<184x128xf32, #tpu.memory_space<vmem_shared>>
        %dma_start3A_1006 = arith.constant 0 : i32
        %dma_start3A_1007 = arith.constant 0 : i32
        %dma_start3A_1008 = tpu.memref_slice %arg12[%dma_start3A_1006, %dma_start3A_1007] : memref<200x128xf32, #tpu.memory_space<vmem>> -> memref<184x128xf32, #tpu.memory_space<vmem>>
        tpu.enqueue_dma source(%dma_start3A_1008 : memref<184x128xf32, #tpu.memory_space<vmem>>) target(%dma_start3A_1005 : memref<184x128xf32, #tpu.memory_space<vmem_shared>>) target_semaphore(%run_scoped3A : memref<!tpu.dma_semaphore, #tpu.memory_space<semaphore_mem>>)
        %dma_wait3A_1009 = arith.constant 0 : i32
        %dma_wait3A_1010 = arith.constant 0 : i32
        %dma_wait3A_1011 = tpu.memref_slice %arg12[%dma_wait3A_1009, %dma_wait3A_1010] : memref<200x128xf32, #tpu.memory_space<vmem>> -> memref<184x128xf32, #tpu.memory_space<vmem>>
        %dma_wait3A_1012 = arith.constant 0 : i32
        %dma_wait3A_1013 = tpu.memref_slice %arg6[%add3A_998, %dma_wait3A_1012] : memref<6256x128xf32, #tpu.memory_space<vmem_shared>> -> memref<184x128xf32, #tpu.memory_space<vmem_shared>>
        %dma_wait3A_1014 = arith.constant 0 : i32
        %dma_wait3A_1015 = tpu.memref_slice %arg6[%add3A_998, %dma_wait3A_1014] : memref<6256x128xf32, #tpu.memory_space<vmem_shared>> -> memref<184x128xf32, #tpu.memory_space<vmem_shared>>
        %dma_wait3A_1016 = arith.constant 0 : i32
        %dma_wait3A_1017 = arith.constant 0 : i32
        %dma_wait3A_1018 = tpu.memref_slice %arg12[%dma_wait3A_1016, %dma_wait3A_1017] : memref<200x128xf32, #tpu.memory_space<vmem>> -> memref<184x128xf32, #tpu.memory_space<vmem>>
        tpu.wait_dma2 semaphore(%run_scoped3A : memref<!tpu.dma_semaphore, #tpu.memory_space<semaphore_mem>>) src(%dma_wait3A_1018 : memref<184x128xf32, #tpu.memory_space<vmem>>) dst(%dma_wait3A_1015 : memref<184x128xf32, #tpu.memory_space<vmem_shared>>)
        tpu.yield
      }) : () -> ()
      "tpu.region"() ({
        %run_scoped3A = tpu.sem_alloc : memref<!tpu.dma_semaphore, #tpu.memory_space<semaphore_mem>>
        %dma_start3A_999 = arith.constant 0 : i32
        %dma_start3A_1000 = tpu.memref_slice %arg8[%dma_start3A_999] : memref<1568xi32, #tpu.memory_space<vmem>> -> memref<1568xi32, #tpu.memory_space<vmem>>
        %dma_start3A_1001 = tpu.memref_slice %arg7[%mul3A_954] : memref<25000xi32, #tpu.memory_space<vmem_shared>> -> memref<1568xi32, #tpu.memory_space<vmem_shared>>
        %dma_start3A_1002 = tpu.memref_slice %arg7[%mul3A_954] : memref<25000xi32, #tpu.memory_space<vmem_shared>> -> memref<1568xi32, #tpu.memory_space<vmem_shared>>
        %dma_start3A_1003 = arith.constant 0 : i32
        %dma_start3A_1004 = tpu.memref_slice %arg8[%dma_start3A_1003] : memref<1568xi32, #tpu.memory_space<vmem>> -> memref<1568xi32, #tpu.memory_space<vmem>>
        tpu.enqueue_dma source(%dma_start3A_1004 : memref<1568xi32, #tpu.memory_space<vmem>>) target(%dma_start3A_1002 : memref<1568xi32, #tpu.memory_space<vmem_shared>>) target_semaphore(%run_scoped3A : memref<!tpu.dma_semaphore, #tpu.memory_space<semaphore_mem>>)
        %dma_wait3A_1005 = arith.constant 0 : i32
        %dma_wait3A_1006 = tpu.memref_slice %arg8[%dma_wait3A_1005] : memref<1568xi32, #tpu.memory_space<vmem>> -> memref<1568xi32, #tpu.memory_space<vmem>>
        %dma_wait3A_1007 = tpu.memref_slice %arg7[%mul3A_954] : memref<25000xi32, #tpu.memory_space<vmem_shared>> -> memref<1568xi32, #tpu.memory_space<vmem_shared>>
        %dma_wait3A_1008 = tpu.memref_slice %arg7[%mul3A_954] : memref<25000xi32, #tpu.memory_space<vmem_shared>> -> memref<1568xi32, #tpu.memory_space<vmem_shared>>
        %dma_wait3A_1009 = arith.constant 0 : i32
        %dma_wait3A_1010 = tpu.memref_slice %arg8[%dma_wait3A_1009] : memref<1568xi32, #tpu.memory_space<vmem>> -> memref<1568xi32, #tpu.memory_space<vmem>>
        tpu.wait_dma2 semaphore(%run_scoped3A : memref<!tpu.dma_semaphore, #tpu.memory_space<semaphore_mem>>) src(%dma_wait3A_1010 : memref<1568xi32, #tpu.memory_space<vmem>>) dst(%dma_wait3A_1008 : memref<1568xi32, #tpu.memory_space<vmem_shared>>)
        tpu.yield
      }) : () -> ()
    } else {
    }
    %eq3A_176 = arith.constant 15 : i32
    %eq3A_177 = arith.cmpi eq, %arg1, %eq3A_176 : i32
    %convert_element_type3A_178 = arith.extui %eq3A_177 : i1 to i32
    %cond3A_179 = arith.constant 0 : i32
    %cond3A_180 = arith.cmpi ne, %convert_element_type3A_178, %cond3A_179 : i32
    scf.if %cond3A_180 {
      %dma_start3A_948 = arith.constant 5864 : i32
      %dma_start3A_949 = arith.constant 0 : i32
      %dma_start3A_950 = tpu.memref_slice %arg2[%dma_start3A_948, %dma_start3A_949] : memref<6250x128xf32, #tpu.memory_space<hbm>> -> memref<200x128xf32, #tpu.memory_space<hbm>>
      %dma_start3A_951 = arith.constant 5864 : i32
      %dma_start3A_952 = arith.constant 0 : i32
      %dma_start3A_953 = tpu.memref_slice %arg2[%dma_start3A_951, %dma_start3A_952] : memref<6250x128xf32, #tpu.memory_space<hbm>> -> memref<200x128xf32, #tpu.memory_space<hbm>>
      tpu.enqueue_dma source(%dma_start3A_953 : memref<200x128xf32, #tpu.memory_space<hbm>>) target(%arg11 : memref<200x128xf32, #tpu.memory_space<vmem>>) target_semaphore(%arg16 : memref<!tpu.dma_semaphore, #tpu.memory_space<semaphore_mem>>)
      %dma_start3A_954 = arith.constant 0 : i32
      %dma_start3A_955 = tpu.memref_slice %arg8[%dma_start3A_954] : memref<1568xi32, #tpu.memory_space<vmem>> -> memref<1480xi32, #tpu.memory_space<vmem>>
      %dma_start3A_956 = arith.constant 23520 : i32
      %dma_start3A_957 = tpu.memref_slice %arg4[%dma_start3A_956] : memref<25000xi32, #tpu.memory_space<hbm>> -> memref<1480xi32, #tpu.memory_space<hbm>>
      %dma_start3A_958 = arith.constant 0 : i32
      %dma_start3A_959 = tpu.memref_slice %arg8[%dma_start3A_958] : memref<1568xi32, #tpu.memory_space<vmem>> -> memref<1480xi32, #tpu.memory_space<vmem>>
      %dma_start3A_960 = arith.constant 23520 : i32
      %dma_start3A_961 = tpu.memref_slice %arg4[%dma_start3A_960] : memref<25000xi32, #tpu.memory_space<hbm>> -> memref<1480xi32, #tpu.memory_space<hbm>>
      tpu.enqueue_dma source(%dma_start3A_961 : memref<1480xi32, #tpu.memory_space<hbm>>) target(%dma_start3A_959 : memref<1480xi32, #tpu.memory_space<vmem>>) target_semaphore(%arg17 : memref<!tpu.dma_semaphore, #tpu.memory_space<semaphore_mem>>)
      %dma_wait3A_962 = arith.constant 5864 : i32
      %dma_wait3A_963 = arith.constant 0 : i32
      %dma_wait3A_964 = tpu.memref_slice %arg2[%dma_wait3A_962, %dma_wait3A_963] : memref<6250x128xf32, #tpu.memory_space<hbm>> -> memref<200x128xf32, #tpu.memory_space<hbm>>
      %dma_wait3A_965 = arith.constant 5864 : i32
      %dma_wait3A_966 = arith.constant 0 : i32
      %dma_wait3A_967 = tpu.memref_slice %arg2[%dma_wait3A_965, %dma_wait3A_966] : memref<6250x128xf32, #tpu.memory_space<hbm>> -> memref<200x128xf32, #tpu.memory_space<hbm>>
      tpu.wait_dma2 semaphore(%arg16 : memref<!tpu.dma_semaphore, #tpu.memory_space<semaphore_mem>>) src(%dma_wait3A_967 : memref<200x128xf32, #tpu.memory_space<hbm>>) dst(%arg11 : memref<200x128xf32, #tpu.memory_space<vmem>>)
      %dma_start3A_968 = arith.constant 0 : i32
      %dma_start3A_969 = arith.constant 0 : i32
      %dma_start3A_970 = tpu.memref_slice %arg12[%dma_start3A_968, %dma_start3A_969] : memref<200x128xf32, #tpu.memory_space<vmem>> -> memref<184x128xf32, #tpu.memory_space<vmem>>
      %dma_start3A_971 = arith.constant 6064 : i32
      %dma_start3A_972 = arith.constant 0 : i32
      %dma_start3A_973 = tpu.memref_slice %arg2[%dma_start3A_971, %dma_start3A_972] : memref<6250x128xf32, #tpu.memory_space<hbm>> -> memref<184x128xf32, #tpu.memory_space<hbm>>
      %dma_start3A_974 = arith.constant 0 : i32
      %dma_start3A_975 = arith.constant 0 : i32
      %dma_start3A_976 = tpu.memref_slice %arg12[%dma_start3A_974, %dma_start3A_975] : memref<200x128xf32, #tpu.memory_space<vmem>> -> memref<184x128xf32, #tpu.memory_space<vmem>>
      %dma_start3A_977 = arith.constant 6064 : i32
      %dma_start3A_978 = arith.constant 0 : i32
      %dma_start3A_979 = tpu.memref_slice %arg2[%dma_start3A_977, %dma_start3A_978] : memref<6250x128xf32, #tpu.memory_space<hbm>> -> memref<184x128xf32, #tpu.memory_space<hbm>>
      tpu.enqueue_dma source(%dma_start3A_979 : memref<184x128xf32, #tpu.memory_space<hbm>>) target(%dma_start3A_976 : memref<184x128xf32, #tpu.memory_space<vmem>>) target_semaphore(%arg17 : memref<!tpu.dma_semaphore, #tpu.memory_space<semaphore_mem>>)
      "tpu.region"() ({
        %run_scoped3A = tpu.sem_alloc : memref<!tpu.dma_semaphore, #tpu.memory_space<semaphore_mem>>
        %dma_start3A_1000 = arith.constant 5864 : i32
        %dma_start3A_1001 = arith.constant 0 : i32
        %dma_start3A_1002 = tpu.memref_slice %arg6[%dma_start3A_1000, %dma_start3A_1001] : memref<6256x128xf32, #tpu.memory_space<vmem_shared>> -> memref<200x128xf32, #tpu.memory_space<vmem_shared>>
        %dma_start3A_1003 = arith.constant 5864 : i32
        %dma_start3A_1004 = arith.constant 0 : i32
        %dma_start3A_1005 = tpu.memref_slice %arg6[%dma_start3A_1003, %dma_start3A_1004] : memref<6256x128xf32, #tpu.memory_space<vmem_shared>> -> memref<200x128xf32, #tpu.memory_space<vmem_shared>>
        tpu.enqueue_dma source(%arg11 : memref<200x128xf32, #tpu.memory_space<vmem>>) target(%dma_start3A_1005 : memref<200x128xf32, #tpu.memory_space<vmem_shared>>) target_semaphore(%run_scoped3A : memref<!tpu.dma_semaphore, #tpu.memory_space<semaphore_mem>>)
        %dma_wait3A_1006 = arith.constant 5864 : i32
        %dma_wait3A_1007 = arith.constant 0 : i32
        %dma_wait3A_1008 = tpu.memref_slice %arg6[%dma_wait3A_1006, %dma_wait3A_1007] : memref<6256x128xf32, #tpu.memory_space<vmem_shared>> -> memref<200x128xf32, #tpu.memory_space<vmem_shared>>
        %dma_wait3A_1009 = arith.constant 5864 : i32
        %dma_wait3A_1010 = arith.constant 0 : i32
        %dma_wait3A_1011 = tpu.memref_slice %arg6[%dma_wait3A_1009, %dma_wait3A_1010] : memref<6256x128xf32, #tpu.memory_space<vmem_shared>> -> memref<200x128xf32, #tpu.memory_space<vmem_shared>>
        tpu.wait_dma2 semaphore(%run_scoped3A : memref<!tpu.dma_semaphore, #tpu.memory_space<semaphore_mem>>) src(%arg11 : memref<200x128xf32, #tpu.memory_space<vmem>>) dst(%dma_wait3A_1011 : memref<200x128xf32, #tpu.memory_space<vmem_shared>>)
        tpu.yield
      }) : () -> ()
      %dma_wait3A_980 = arith.constant 0 : i32
      %dma_wait3A_981 = arith.constant 0 : i32
      %dma_wait3A_982 = tpu.memref_slice %arg12[%dma_wait3A_980, %dma_wait3A_981] : memref<200x128xf32, #tpu.memory_space<vmem>> -> memref<184x128xf32, #tpu.memory_space<vmem>>
      %dma_wait3A_983 = arith.constant 6064 : i32
      %dma_wait3A_984 = arith.constant 0 : i32
      %dma_wait3A_985 = tpu.memref_slice %arg2[%dma_wait3A_983, %dma_wait3A_984] : memref<6250x128xf32, #tpu.memory_space<hbm>> -> memref<184x128xf32, #tpu.memory_space<hbm>>
      %dma_wait3A_986 = arith.constant 0 : i32
      %dma_wait3A_987 = arith.constant 0 : i32
      %dma_wait3A_988 = tpu.memref_slice %arg12[%dma_wait3A_986, %dma_wait3A_987] : memref<200x128xf32, #tpu.memory_space<vmem>> -> memref<184x128xf32, #tpu.memory_space<vmem>>
      %dma_wait3A_989 = arith.constant 6064 : i32
      %dma_wait3A_990 = arith.constant 0 : i32
      %dma_wait3A_991 = tpu.memref_slice %arg2[%dma_wait3A_989, %dma_wait3A_990] : memref<6250x128xf32, #tpu.memory_space<hbm>> -> memref<184x128xf32, #tpu.memory_space<hbm>>
      tpu.wait_dma2 semaphore(%arg17 : memref<!tpu.dma_semaphore, #tpu.memory_space<semaphore_mem>>) src(%dma_wait3A_991 : memref<184x128xf32, #tpu.memory_space<hbm>>) dst(%dma_wait3A_988 : memref<184x128xf32, #tpu.memory_space<vmem>>)
      %dma_wait3A_992 = arith.constant 0 : i32
      %dma_wait3A_993 = tpu.memref_slice %arg8[%dma_wait3A_992] : memref<1568xi32, #tpu.memory_space<vmem>> -> memref<1480xi32, #tpu.memory_space<vmem>>
      %dma_wait3A_994 = arith.constant 23520 : i32
      %dma_wait3A_995 = tpu.memref_slice %arg4[%dma_wait3A_994] : memref<25000xi32, #tpu.memory_space<hbm>> -> memref<1480xi32, #tpu.memory_space<hbm>>
      %dma_wait3A_996 = arith.constant 0 : i32
      %dma_wait3A_997 = tpu.memref_slice %arg8[%dma_wait3A_996] : memref<1568xi32, #tpu.memory_space<vmem>> -> memref<1480xi32, #tpu.memory_space<vmem>>
      %dma_wait3A_998 = arith.constant 23520 : i32
      %dma_wait3A_999 = tpu.memref_slice %arg4[%dma_wait3A_998] : memref<25000xi32, #tpu.memory_space<hbm>> -> memref<1480xi32, #tpu.memory_space<hbm>>
      tpu.wait_dma2 semaphore(%arg17 : memref<!tpu.dma_semaphore, #tpu.memory_space<semaphore_mem>>) src(%dma_wait3A_999 : memref<1480xi32, #tpu.memory_space<hbm>>) dst(%dma_wait3A_997 : memref<1480xi32, #tpu.memory_space<vmem>>)
      "tpu.region"() ({
        %run_scoped3A = tpu.sem_alloc : memref<!tpu.dma_semaphore, #tpu.memory_space<semaphore_mem>>
        %dma_start3A_1000 = arith.constant 0 : i32
        %dma_start3A_1001 = arith.constant 0 : i32
        %dma_start3A_1002 = tpu.memref_slice %arg12[%dma_start3A_1000, %dma_start3A_1001] : memref<200x128xf32, #tpu.memory_space<vmem>> -> memref<184x128xf32, #tpu.memory_space<vmem>>
        %dma_start3A_1003 = arith.constant 6064 : i32
        %dma_start3A_1004 = arith.constant 0 : i32
        %dma_start3A_1005 = tpu.memref_slice %arg6[%dma_start3A_1003, %dma_start3A_1004] : memref<6256x128xf32, #tpu.memory_space<vmem_shared>> -> memref<184x128xf32, #tpu.memory_space<vmem_shared>>
        %dma_start3A_1006 = arith.constant 6064 : i32
        %dma_start3A_1007 = arith.constant 0 : i32
        %dma_start3A_1008 = tpu.memref_slice %arg6[%dma_start3A_1006, %dma_start3A_1007] : memref<6256x128xf32, #tpu.memory_space<vmem_shared>> -> memref<184x128xf32, #tpu.memory_space<vmem_shared>>
        %dma_start3A_1009 = arith.constant 0 : i32
        %dma_start3A_1010 = arith.constant 0 : i32
        %dma_start3A_1011 = tpu.memref_slice %arg12[%dma_start3A_1009, %dma_start3A_1010] : memref<200x128xf32, #tpu.memory_space<vmem>> -> memref<184x128xf32, #tpu.memory_space<vmem>>
        tpu.enqueue_dma source(%dma_start3A_1011 : memref<184x128xf32, #tpu.memory_space<vmem>>) target(%dma_start3A_1008 : memref<184x128xf32, #tpu.memory_space<vmem_shared>>) target_semaphore(%run_scoped3A : memref<!tpu.dma_semaphore, #tpu.memory_space<semaphore_mem>>)
        %dma_wait3A_1012 = arith.constant 0 : i32
        %dma_wait3A_1013 = arith.constant 0 : i32
        %dma_wait3A_1014 = tpu.memref_slice %arg12[%dma_wait3A_1012, %dma_wait3A_1013] : memref<200x128xf32, #tpu.memory_space<vmem>> -> memref<184x128xf32, #tpu.memory_space<vmem>>
        %dma_wait3A_1015 = arith.constant 6064 : i32
        %dma_wait3A_1016 = arith.constant 0 : i32
        %dma_wait3A_1017 = tpu.memref_slice %arg6[%dma_wait3A_1015, %dma_wait3A_1016] : memref<6256x128xf32, #tpu.memory_space<vmem_shared>> -> memref<184x128xf32, #tpu.memory_space<vmem_shared>>
        %dma_wait3A_1018 = arith.constant 6064 : i32
        %dma_wait3A_1019 = arith.constant 0 : i32
        %dma_wait3A_1020 = tpu.memref_slice %arg6[%dma_wait3A_1018, %dma_wait3A_1019] : memref<6256x128xf32, #tpu.memory_space<vmem_shared>> -> memref<184x128xf32, #tpu.memory_space<vmem_shared>>
        %dma_wait3A_1021 = arith.constant 0 : i32
        %dma_wait3A_1022 = arith.constant 0 : i32
        %dma_wait3A_1023 = tpu.memref_slice %arg12[%dma_wait3A_1021, %dma_wait3A_1022] : memref<200x128xf32, #tpu.memory_space<vmem>> -> memref<184x128xf32, #tpu.memory_space<vmem>>
        tpu.wait_dma2 semaphore(%run_scoped3A : memref<!tpu.dma_semaphore, #tpu.memory_space<semaphore_mem>>) src(%dma_wait3A_1023 : memref<184x128xf32, #tpu.memory_space<vmem>>) dst(%dma_wait3A_1020 : memref<184x128xf32, #tpu.memory_space<vmem_shared>>)
        tpu.yield
      }) : () -> ()
      "tpu.region"() ({
        %run_scoped3A = tpu.sem_alloc : memref<!tpu.dma_semaphore, #tpu.memory_space<semaphore_mem>>
        %dma_start3A_1000 = arith.constant 0 : i32
        %dma_start3A_1001 = tpu.memref_slice %arg8[%dma_start3A_1000] : memref<1568xi32, #tpu.memory_space<vmem>> -> memref<1480xi32, #tpu.memory_space<vmem>>
        %dma_start3A_1002 = arith.constant 23520 : i32
        %dma_start3A_1003 = tpu.memref_slice %arg7[%dma_start3A_1002] : memref<25000xi32, #tpu.memory_space<vmem_shared>> -> memref<1480xi32, #tpu.memory_space<vmem_shared>>
        %dma_start3A_1004 = arith.constant 23520 : i32
        %dma_start3A_1005 = tpu.memref_slice %arg7[%dma_start3A_1004] : memref<25000xi32, #tpu.memory_space<vmem_shared>> -> memref<1480xi32, #tpu.memory_space<vmem_shared>>
        %dma_start3A_1006 = arith.constant 0 : i32
        %dma_start3A_1007 = tpu.memref_slice %arg8[%dma_start3A_1006] : memref<1568xi32, #tpu.memory_space<vmem>> -> memref<1480xi32, #tpu.memory_space<vmem>>
        tpu.enqueue_dma source(%dma_start3A_1007 : memref<1480xi32, #tpu.memory_space<vmem>>) target(%dma_start3A_1005 : memref<1480xi32, #tpu.memory_space<vmem_shared>>) target_semaphore(%run_scoped3A : memref<!tpu.dma_semaphore, #tpu.memory_space<semaphore_mem>>)
        %dma_wait3A_1008 = arith.constant 0 : i32
        %dma_wait3A_1009 = tpu.memref_slice %arg8[%dma_wait3A_1008] : memref<1568xi32, #tpu.memory_space<vmem>> -> memref<1480xi32, #tpu.memory_space<vmem>>
        %dma_wait3A_1010 = arith.constant 23520 : i32
        %dma_wait3A_1011 = tpu.memref_slice %arg7[%dma_wait3A_1010] : memref<25000xi32, #tpu.memory_space<vmem_shared>> -> memref<1480xi32, #tpu.memory_space<vmem_shared>>
        %dma_wait3A_1012 = arith.constant 23520 : i32
        %dma_wait3A_1013 = tpu.memref_slice %arg7[%dma_wait3A_1012] : memref<25000xi32, #tpu.memory_space<vmem_shared>> -> memref<1480xi32, #tpu.memory_space<vmem_shared>>
        %dma_wait3A_1014 = arith.constant 0 : i32
        %dma_wait3A_1015 = tpu.memref_slice %arg8[%dma_wait3A_1014] : memref<1568xi32, #tpu.memory_space<vmem>> -> memref<1480xi32, #tpu.memory_space<vmem>>
        tpu.wait_dma2 semaphore(%run_scoped3A : memref<!tpu.dma_semaphore, #tpu.memory_space<semaphore_mem>>) src(%dma_wait3A_1015 : memref<1480xi32, #tpu.memory_space<vmem>>) dst(%dma_wait3A_1013 : memref<1480xi32, #tpu.memory_space<vmem_shared>>)
        tpu.yield
      }) : () -> ()
    } else {
    }
    %add3A_181 = arith.constant 0 : i32
    %add3A_182 = arith.addi %add3A, %add3A_181 : i32
    %mul3A_183 = arith.constant 200 : i32
    %mul3A_184 = arith.muli %add3A_182, %mul3A_183 : i32
    %dma_wait3A = arith.constant 0 : i32
    %dma_wait3A_185 = tpu.memref_slice %arg9[%dma_wait3A] : memref<3200xi32, #tpu.memory_space<vmem>> -> memref<200xi32, #tpu.memory_space<vmem>>
    %dma_wait3A_186 = tpu.memref_slice %arg3[%mul3A_184] : memref<100000xi32, #tpu.memory_space<hbm>> -> memref<200xi32, #tpu.memory_space<hbm>>
    %dma_wait3A_187 = arith.constant 0 : i32
    %dma_wait3A_188 = tpu.memref_slice %arg9[%dma_wait3A_187] : memref<3200xi32, #tpu.memory_space<vmem>> -> memref<200xi32, #tpu.memory_space<vmem>>
    %dma_wait3A_189 = tpu.memref_slice %arg3[%mul3A_184] : memref<100000xi32, #tpu.memory_space<hbm>> -> memref<200xi32, #tpu.memory_space<hbm>>
    tpu.wait_dma2 semaphore(%arg15 : memref<!tpu.dma_semaphore, #tpu.memory_space<semaphore_mem>>) src(%dma_wait3A_189 : memref<200xi32, #tpu.memory_space<hbm>>) dst(%dma_wait3A_188 : memref<200xi32, #tpu.memory_space<vmem>>)
    %add3A_190 = arith.constant 32 : i32
    %add3A_191 = arith.addi %add3A, %add3A_190 : i32
    %mul3A_192 = arith.constant 200 : i32
    %mul3A_193 = arith.muli %add3A_191, %mul3A_192 : i32
    %dma_wait3A_194 = arith.constant 200 : i32
    %dma_wait3A_195 = tpu.memref_slice %arg9[%dma_wait3A_194] : memref<3200xi32, #tpu.memory_space<vmem>> -> memref<200xi32, #tpu.memory_space<vmem>>
    %dma_wait3A_196 = tpu.memref_slice %arg3[%mul3A_193] : memref<100000xi32, #tpu.memory_space<hbm>> -> memref<200xi32, #tpu.memory_space<hbm>>
    %dma_wait3A_197 = arith.constant 200 : i32
    %dma_wait3A_198 = tpu.memref_slice %arg9[%dma_wait3A_197] : memref<3200xi32, #tpu.memory_space<vmem>> -> memref<200xi32, #tpu.memory_space<vmem>>
    %dma_wait3A_199 = tpu.memref_slice %arg3[%mul3A_193] : memref<100000xi32, #tpu.memory_space<hbm>> -> memref<200xi32, #tpu.memory_space<hbm>>
    tpu.wait_dma2 semaphore(%arg15 : memref<!tpu.dma_semaphore, #tpu.memory_space<semaphore_mem>>) src(%dma_wait3A_199 : memref<200xi32, #tpu.memory_space<hbm>>) dst(%dma_wait3A_198 : memref<200xi32, #tpu.memory_space<vmem>>)
    %add3A_200 = arith.constant 64 : i32
    %add3A_201 = arith.addi %add3A, %add3A_200 : i32
    %mul3A_202 = arith.constant 200 : i32
    %mul3A_203 = arith.muli %add3A_201, %mul3A_202 : i32
    %dma_wait3A_204 = arith.constant 400 : i32
    %dma_wait3A_205 = tpu.memref_slice %arg9[%dma_wait3A_204] : memref<3200xi32, #tpu.memory_space<vmem>> -> memref<200xi32, #tpu.memory_space<vmem>>
    %dma_wait3A_206 = tpu.memref_slice %arg3[%mul3A_203] : memref<100000xi32, #tpu.memory_space<hbm>> -> memref<200xi32, #tpu.memory_space<hbm>>
    %dma_wait3A_207 = arith.constant 400 : i32
    %dma_wait3A_208 = tpu.memref_slice %arg9[%dma_wait3A_207] : memref<3200xi32, #tpu.memory_space<vmem>> -> memref<200xi32, #tpu.memory_space<vmem>>
    %dma_wait3A_209 = tpu.memref_slice %arg3[%mul3A_203] : memref<100000xi32, #tpu.memory_space<hbm>> -> memref<200xi32, #tpu.memory_space<hbm>>
    tpu.wait_dma2 semaphore(%arg15 : memref<!tpu.dma_semaphore, #tpu.memory_space<semaphore_mem>>) src(%dma_wait3A_209 : memref<200xi32, #tpu.memory_space<hbm>>) dst(%dma_wait3A_208 : memref<200xi32, #tpu.memory_space<vmem>>)
    %add3A_210 = arith.constant 96 : i32
    %add3A_211 = arith.addi %add3A, %add3A_210 : i32
    %mul3A_212 = arith.constant 200 : i32
    %mul3A_213 = arith.muli %add3A_211, %mul3A_212 : i32
    %dma_wait3A_214 = arith.constant 600 : i32
    %dma_wait3A_215 = tpu.memref_slice %arg9[%dma_wait3A_214] : memref<3200xi32, #tpu.memory_space<vmem>> -> memref<200xi32, #tpu.memory_space<vmem>>
    %dma_wait3A_216 = tpu.memref_slice %arg3[%mul3A_213] : memref<100000xi32, #tpu.memory_space<hbm>> -> memref<200xi32, #tpu.memory_space<hbm>>
    %dma_wait3A_217 = arith.constant 600 : i32
    %dma_wait3A_218 = tpu.memref_slice %arg9[%dma_wait3A_217] : memref<3200xi32, #tpu.memory_space<vmem>> -> memref<200xi32, #tpu.memory_space<vmem>>
    %dma_wait3A_219 = tpu.memref_slice %arg3[%mul3A_213] : memref<100000xi32, #tpu.memory_space<hbm>> -> memref<200xi32, #tpu.memory_space<hbm>>
    tpu.wait_dma2 semaphore(%arg15 : memref<!tpu.dma_semaphore, #tpu.memory_space<semaphore_mem>>) src(%dma_wait3A_219 : memref<200xi32, #tpu.memory_space<hbm>>) dst(%dma_wait3A_218 : memref<200xi32, #tpu.memory_space<vmem>>)
    %add3A_220 = arith.constant 128 : i32
    %add3A_221 = arith.addi %add3A, %add3A_220 : i32
    %mul3A_222 = arith.constant 200 : i32
    %mul3A_223 = arith.muli %add3A_221, %mul3A_222 : i32
    %dma_wait3A_224 = arith.constant 800 : i32
    %dma_wait3A_225 = tpu.memref_slice %arg9[%dma_wait3A_224] : memref<3200xi32, #tpu.memory_space<vmem>> -> memref<200xi32, #tpu.memory_space<vmem>>
    %dma_wait3A_226 = tpu.memref_slice %arg3[%mul3A_223] : memref<100000xi32, #tpu.memory_space<hbm>> -> memref<200xi32, #tpu.memory_space<hbm>>
    %dma_wait3A_227 = arith.constant 800 : i32
    %dma_wait3A_228 = tpu.memref_slice %arg9[%dma_wait3A_227] : memref<3200xi32, #tpu.memory_space<vmem>> -> memref<200xi32, #tpu.memory_space<vmem>>
    %dma_wait3A_229 = tpu.memref_slice %arg3[%mul3A_223] : memref<100000xi32, #tpu.memory_space<hbm>> -> memref<200xi32, #tpu.memory_space<hbm>>
    tpu.wait_dma2 semaphore(%arg15 : memref<!tpu.dma_semaphore, #tpu.memory_space<semaphore_mem>>) src(%dma_wait3A_229 : memref<200xi32, #tpu.memory_space<hbm>>) dst(%dma_wait3A_228 : memref<200xi32, #tpu.memory_space<vmem>>)
    %add3A_230 = arith.constant 160 : i32
    %add3A_231 = arith.addi %add3A, %add3A_230 : i32
    %mul3A_232 = arith.constant 200 : i32
    %mul3A_233 = arith.muli %add3A_231, %mul3A_232 : i32
    %dma_wait3A_234 = arith.constant 1000 : i32
    %dma_wait3A_235 = tpu.memref_slice %arg9[%dma_wait3A_234] : memref<3200xi32, #tpu.memory_space<vmem>> -> memref<200xi32, #tpu.memory_space<vmem>>
    %dma_wait3A_236 = tpu.memref_slice %arg3[%mul3A_233] : memref<100000xi32, #tpu.memory_space<hbm>> -> memref<200xi32, #tpu.memory_space<hbm>>
    %dma_wait3A_237 = arith.constant 1000 : i32
    %dma_wait3A_238 = tpu.memref_slice %arg9[%dma_wait3A_237] : memref<3200xi32, #tpu.memory_space<vmem>> -> memref<200xi32, #tpu.memory_space<vmem>>
    %dma_wait3A_239 = tpu.memref_slice %arg3[%mul3A_233] : memref<100000xi32, #tpu.memory_space<hbm>> -> memref<200xi32, #tpu.memory_space<hbm>>
    tpu.wait_dma2 semaphore(%arg15 : memref<!tpu.dma_semaphore, #tpu.memory_space<semaphore_mem>>) src(%dma_wait3A_239 : memref<200xi32, #tpu.memory_space<hbm>>) dst(%dma_wait3A_238 : memref<200xi32, #tpu.memory_space<vmem>>)
    %add3A_240 = arith.constant 192 : i32
    %add3A_241 = arith.addi %add3A, %add3A_240 : i32
    %mul3A_242 = arith.constant 200 : i32
    %mul3A_243 = arith.muli %add3A_241, %mul3A_242 : i32
    %dma_wait3A_244 = arith.constant 1200 : i32
    %dma_wait3A_245 = tpu.memref_slice %arg9[%dma_wait3A_244] : memref<3200xi32, #tpu.memory_space<vmem>> -> memref<200xi32, #tpu.memory_space<vmem>>
    %dma_wait3A_246 = tpu.memref_slice %arg3[%mul3A_243] : memref<100000xi32, #tpu.memory_space<hbm>> -> memref<200xi32, #tpu.memory_space<hbm>>
    %dma_wait3A_247 = arith.constant 1200 : i32
    %dma_wait3A_248 = tpu.memref_slice %arg9[%dma_wait3A_247] : memref<3200xi32, #tpu.memory_space<vmem>> -> memref<200xi32, #tpu.memory_space<vmem>>
    %dma_wait3A_249 = tpu.memref_slice %arg3[%mul3A_243] : memref<100000xi32, #tpu.memory_space<hbm>> -> memref<200xi32, #tpu.memory_space<hbm>>
    tpu.wait_dma2 semaphore(%arg15 : memref<!tpu.dma_semaphore, #tpu.memory_space<semaphore_mem>>) src(%dma_wait3A_249 : memref<200xi32, #tpu.memory_space<hbm>>) dst(%dma_wait3A_248 : memref<200xi32, #tpu.memory_space<vmem>>)
    %add3A_250 = arith.constant 224 : i32
    %add3A_251 = arith.addi %add3A, %add3A_250 : i32
    %mul3A_252 = arith.constant 200 : i32
    %mul3A_253 = arith.muli %add3A_251, %mul3A_252 : i32
    %dma_wait3A_254 = arith.constant 1400 : i32
    %dma_wait3A_255 = tpu.memref_slice %arg9[%dma_wait3A_254] : memref<3200xi32, #tpu.memory_space<vmem>> -> memref<200xi32, #tpu.memory_space<vmem>>
    %dma_wait3A_256 = tpu.memref_slice %arg3[%mul3A_253] : memref<100000xi32, #tpu.memory_space<hbm>> -> memref<200xi32, #tpu.memory_space<hbm>>
    %dma_wait3A_257 = arith.constant 1400 : i32
    %dma_wait3A_258 = tpu.memref_slice %arg9[%dma_wait3A_257] : memref<3200xi32, #tpu.memory_space<vmem>> -> memref<200xi32, #tpu.memory_space<vmem>>
    %dma_wait3A_259 = tpu.memref_slice %arg3[%mul3A_253] : memref<100000xi32, #tpu.memory_space<hbm>> -> memref<200xi32, #tpu.memory_space<hbm>>
    tpu.wait_dma2 semaphore(%arg15 : memref<!tpu.dma_semaphore, #tpu.memory_space<semaphore_mem>>) src(%dma_wait3A_259 : memref<200xi32, #tpu.memory_space<hbm>>) dst(%dma_wait3A_258 : memref<200xi32, #tpu.memory_space<vmem>>)
    %add3A_260 = arith.constant 256 : i32
    %add3A_261 = arith.addi %add3A, %add3A_260 : i32
    %mul3A_262 = arith.constant 200 : i32
    %mul3A_263 = arith.muli %add3A_261, %mul3A_262 : i32
    %dma_wait3A_264 = arith.constant 1600 : i32
    %dma_wait3A_265 = tpu.memref_slice %arg9[%dma_wait3A_264] : memref<3200xi32, #tpu.memory_space<vmem>> -> memref<200xi32, #tpu.memory_space<vmem>>
    %dma_wait3A_266 = tpu.memref_slice %arg3[%mul3A_263] : memref<100000xi32, #tpu.memory_space<hbm>> -> memref<200xi32, #tpu.memory_space<hbm>>
    %dma_wait3A_267 = arith.constant 1600 : i32
    %dma_wait3A_268 = tpu.memref_slice %arg9[%dma_wait3A_267] : memref<3200xi32, #tpu.memory_space<vmem>> -> memref<200xi32, #tpu.memory_space<vmem>>
    %dma_wait3A_269 = tpu.memref_slice %arg3[%mul3A_263] : memref<100000xi32, #tpu.memory_space<hbm>> -> memref<200xi32, #tpu.memory_space<hbm>>
    tpu.wait_dma2 semaphore(%arg15 : memref<!tpu.dma_semaphore, #tpu.memory_space<semaphore_mem>>) src(%dma_wait3A_269 : memref<200xi32, #tpu.memory_space<hbm>>) dst(%dma_wait3A_268 : memref<200xi32, #tpu.memory_space<vmem>>)
    %add3A_270 = arith.constant 288 : i32
    %add3A_271 = arith.addi %add3A, %add3A_270 : i32
    %mul3A_272 = arith.constant 200 : i32
    %mul3A_273 = arith.muli %add3A_271, %mul3A_272 : i32
    %dma_wait3A_274 = arith.constant 1800 : i32
    %dma_wait3A_275 = tpu.memref_slice %arg9[%dma_wait3A_274] : memref<3200xi32, #tpu.memory_space<vmem>> -> memref<200xi32, #tpu.memory_space<vmem>>
    %dma_wait3A_276 = tpu.memref_slice %arg3[%mul3A_273] : memref<100000xi32, #tpu.memory_space<hbm>> -> memref<200xi32, #tpu.memory_space<hbm>>
    %dma_wait3A_277 = arith.constant 1800 : i32
    %dma_wait3A_278 = tpu.memref_slice %arg9[%dma_wait3A_277] : memref<3200xi32, #tpu.memory_space<vmem>> -> memref<200xi32, #tpu.memory_space<vmem>>
    %dma_wait3A_279 = tpu.memref_slice %arg3[%mul3A_273] : memref<100000xi32, #tpu.memory_space<hbm>> -> memref<200xi32, #tpu.memory_space<hbm>>
    tpu.wait_dma2 semaphore(%arg15 : memref<!tpu.dma_semaphore, #tpu.memory_space<semaphore_mem>>) src(%dma_wait3A_279 : memref<200xi32, #tpu.memory_space<hbm>>) dst(%dma_wait3A_278 : memref<200xi32, #tpu.memory_space<vmem>>)
    %add3A_280 = arith.constant 320 : i32
    %add3A_281 = arith.addi %add3A, %add3A_280 : i32
    %mul3A_282 = arith.constant 200 : i32
    %mul3A_283 = arith.muli %add3A_281, %mul3A_282 : i32
    %dma_wait3A_284 = arith.constant 2000 : i32
    %dma_wait3A_285 = tpu.memref_slice %arg9[%dma_wait3A_284] : memref<3200xi32, #tpu.memory_space<vmem>> -> memref<200xi32, #tpu.memory_space<vmem>>
    %dma_wait3A_286 = tpu.memref_slice %arg3[%mul3A_283] : memref<100000xi32, #tpu.memory_space<hbm>> -> memref<200xi32, #tpu.memory_space<hbm>>
    %dma_wait3A_287 = arith.constant 2000 : i32
    %dma_wait3A_288 = tpu.memref_slice %arg9[%dma_wait3A_287] : memref<3200xi32, #tpu.memory_space<vmem>> -> memref<200xi32, #tpu.memory_space<vmem>>
    %dma_wait3A_289 = tpu.memref_slice %arg3[%mul3A_283] : memref<100000xi32, #tpu.memory_space<hbm>> -> memref<200xi32, #tpu.memory_space<hbm>>
    tpu.wait_dma2 semaphore(%arg15 : memref<!tpu.dma_semaphore, #tpu.memory_space<semaphore_mem>>) src(%dma_wait3A_289 : memref<200xi32, #tpu.memory_space<hbm>>) dst(%dma_wait3A_288 : memref<200xi32, #tpu.memory_space<vmem>>)
    %add3A_290 = arith.constant 352 : i32
    %add3A_291 = arith.addi %add3A, %add3A_290 : i32
    %mul3A_292 = arith.constant 200 : i32
    %mul3A_293 = arith.muli %add3A_291, %mul3A_292 : i32
    %dma_wait3A_294 = arith.constant 2200 : i32
    %dma_wait3A_295 = tpu.memref_slice %arg9[%dma_wait3A_294] : memref<3200xi32, #tpu.memory_space<vmem>> -> memref<200xi32, #tpu.memory_space<vmem>>
    %dma_wait3A_296 = tpu.memref_slice %arg3[%mul3A_293] : memref<100000xi32, #tpu.memory_space<hbm>> -> memref<200xi32, #tpu.memory_space<hbm>>
    %dma_wait3A_297 = arith.constant 2200 : i32
    %dma_wait3A_298 = tpu.memref_slice %arg9[%dma_wait3A_297] : memref<3200xi32, #tpu.memory_space<vmem>> -> memref<200xi32, #tpu.memory_space<vmem>>
    %dma_wait3A_299 = tpu.memref_slice %arg3[%mul3A_293] : memref<100000xi32, #tpu.memory_space<hbm>> -> memref<200xi32, #tpu.memory_space<hbm>>
    tpu.wait_dma2 semaphore(%arg15 : memref<!tpu.dma_semaphore, #tpu.memory_space<semaphore_mem>>) src(%dma_wait3A_299 : memref<200xi32, #tpu.memory_space<hbm>>) dst(%dma_wait3A_298 : memref<200xi32, #tpu.memory_space<vmem>>)
    %add3A_300 = arith.constant 384 : i32
    %add3A_301 = arith.addi %add3A, %add3A_300 : i32
    %mul3A_302 = arith.constant 200 : i32
    %mul3A_303 = arith.muli %add3A_301, %mul3A_302 : i32
    %dma_wait3A_304 = arith.constant 2400 : i32
    %dma_wait3A_305 = tpu.memref_slice %arg9[%dma_wait3A_304] : memref<3200xi32, #tpu.memory_space<vmem>> -> memref<200xi32, #tpu.memory_space<vmem>>
    %dma_wait3A_306 = tpu.memref_slice %arg3[%mul3A_303] : memref<100000xi32, #tpu.memory_space<hbm>> -> memref<200xi32, #tpu.memory_space<hbm>>
    %dma_wait3A_307 = arith.constant 2400 : i32
    %dma_wait3A_308 = tpu.memref_slice %arg9[%dma_wait3A_307] : memref<3200xi32, #tpu.memory_space<vmem>> -> memref<200xi32, #tpu.memory_space<vmem>>
    %dma_wait3A_309 = tpu.memref_slice %arg3[%mul3A_303] : memref<100000xi32, #tpu.memory_space<hbm>> -> memref<200xi32, #tpu.memory_space<hbm>>
    tpu.wait_dma2 semaphore(%arg15 : memref<!tpu.dma_semaphore, #tpu.memory_space<semaphore_mem>>) src(%dma_wait3A_309 : memref<200xi32, #tpu.memory_space<hbm>>) dst(%dma_wait3A_308 : memref<200xi32, #tpu.memory_space<vmem>>)
    %add3A_310 = arith.constant 416 : i32
    %add3A_311 = arith.addi %add3A, %add3A_310 : i32
    %mul3A_312 = arith.constant 200 : i32
    %mul3A_313 = arith.muli %add3A_311, %mul3A_312 : i32
    %dma_wait3A_314 = arith.constant 2600 : i32
    %dma_wait3A_315 = tpu.memref_slice %arg9[%dma_wait3A_314] : memref<3200xi32, #tpu.memory_space<vmem>> -> memref<200xi32, #tpu.memory_space<vmem>>
    %dma_wait3A_316 = tpu.memref_slice %arg3[%mul3A_313] : memref<100000xi32, #tpu.memory_space<hbm>> -> memref<200xi32, #tpu.memory_space<hbm>>
    %dma_wait3A_317 = arith.constant 2600 : i32
    %dma_wait3A_318 = tpu.memref_slice %arg9[%dma_wait3A_317] : memref<3200xi32, #tpu.memory_space<vmem>> -> memref<200xi32, #tpu.memory_space<vmem>>
    %dma_wait3A_319 = tpu.memref_slice %arg3[%mul3A_313] : memref<100000xi32, #tpu.memory_space<hbm>> -> memref<200xi32, #tpu.memory_space<hbm>>
    tpu.wait_dma2 semaphore(%arg15 : memref<!tpu.dma_semaphore, #tpu.memory_space<semaphore_mem>>) src(%dma_wait3A_319 : memref<200xi32, #tpu.memory_space<hbm>>) dst(%dma_wait3A_318 : memref<200xi32, #tpu.memory_space<vmem>>)
    %add3A_320 = arith.constant 448 : i32
    %add3A_321 = arith.addi %add3A, %add3A_320 : i32
    %mul3A_322 = arith.constant 200 : i32
    %mul3A_323 = arith.muli %add3A_321, %mul3A_322 : i32
    %dma_wait3A_324 = arith.constant 2800 : i32
    %dma_wait3A_325 = tpu.memref_slice %arg9[%dma_wait3A_324] : memref<3200xi32, #tpu.memory_space<vmem>> -> memref<200xi32, #tpu.memory_space<vmem>>
    %dma_wait3A_326 = tpu.memref_slice %arg3[%mul3A_323] : memref<100000xi32, #tpu.memory_space<hbm>> -> memref<200xi32, #tpu.memory_space<hbm>>
    %dma_wait3A_327 = arith.constant 2800 : i32
    %dma_wait3A_328 = tpu.memref_slice %arg9[%dma_wait3A_327] : memref<3200xi32, #tpu.memory_space<vmem>> -> memref<200xi32, #tpu.memory_space<vmem>>
    %dma_wait3A_329 = tpu.memref_slice %arg3[%mul3A_323] : memref<100000xi32, #tpu.memory_space<hbm>> -> memref<200xi32, #tpu.memory_space<hbm>>
    tpu.wait_dma2 semaphore(%arg15 : memref<!tpu.dma_semaphore, #tpu.memory_space<semaphore_mem>>) src(%dma_wait3A_329 : memref<200xi32, #tpu.memory_space<hbm>>) dst(%dma_wait3A_328 : memref<200xi32, #tpu.memory_space<vmem>>)
    %add3A_330 = arith.constant 480 : i32
    %add3A_331 = arith.addi %add3A, %add3A_330 : i32
    %mul3A_332 = arith.constant 200 : i32
    %mul3A_333 = arith.muli %add3A_331, %mul3A_332 : i32
    %add3A_334 = arith.constant 480 : i32
    %add3A_335 = arith.addi %add3A, %add3A_334 : i32
    %lt3A_336 = arith.constant 500 : i32
    %lt3A_337 = arith.cmpi slt, %add3A_335, %lt3A_336 : i32
    %jit3A_338 = arith.constant 0 : i32
    %select_n3A_339 = arith.select %lt3A_337, %mul3A_333, %jit3A_338 : i32
    %dma_wait3A_340 = arith.constant 3000 : i32
    %dma_wait3A_341 = tpu.memref_slice %arg9[%dma_wait3A_340] : memref<3200xi32, #tpu.memory_space<vmem>> -> memref<200xi32, #tpu.memory_space<vmem>>
    %dma_wait3A_342 = tpu.memref_slice %arg3[%select_n3A_339] : memref<100000xi32, #tpu.memory_space<hbm>> -> memref<200xi32, #tpu.memory_space<hbm>>
    %dma_wait3A_343 = arith.constant 3000 : i32
    %dma_wait3A_344 = tpu.memref_slice %arg9[%dma_wait3A_343] : memref<3200xi32, #tpu.memory_space<vmem>> -> memref<200xi32, #tpu.memory_space<vmem>>
    %dma_wait3A_345 = tpu.memref_slice %arg3[%select_n3A_339] : memref<100000xi32, #tpu.memory_space<hbm>> -> memref<200xi32, #tpu.memory_space<hbm>>
    tpu.wait_dma2 semaphore(%arg15 : memref<!tpu.dma_semaphore, #tpu.memory_space<semaphore_mem>>) src(%dma_wait3A_345 : memref<200xi32, #tpu.memory_space<hbm>>) dst(%dma_wait3A_344 : memref<200xi32, #tpu.memory_space<vmem>>)
    %eq3A_346 = arith.constant 0 : i32
    %eq3A_347 = arith.cmpi eq, %arg1, %eq3A_346 : i32
    %convert_element_type3A_348 = arith.extui %eq3A_347 : i1 to i32
    %cond3A_349 = arith.constant 0 : i32
    %cond3A_350 = arith.cmpi ne, %convert_element_type3A_348, %cond3A_349 : i32
    scf.if %cond3A_350 {
      %dma_wait3A_948 = arith.constant 0 : i32
      %dma_wait3A_949 = arith.constant 0 : i32
      %dma_wait3A_950 = tpu.memref_slice %arg2[%dma_wait3A_948, %dma_wait3A_949] : memref<6250x128xf32, #tpu.memory_space<hbm>> -> memref<6250x128xf32, #tpu.memory_space<hbm>>
      tpu.wait_indirect_dma semaphore(%arg18 : memref<!tpu.dma_semaphore, #tpu.memory_space<semaphore_mem>>) src(%dma_wait3A_950 : memref<6250x128xf32, #tpu.memory_space<hbm>>) dst(%arg14 : memref<16x128xf32, #tpu.memory_space<vmem>>)
      "tpu.region"() ({
        %run_scoped3A = tpu.sem_alloc : memref<!tpu.dma_semaphore, #tpu.memory_space<semaphore_mem>>
        %dma_start3A_951 = arith.constant 0 : i32
        %dma_start3A_952 = arith.constant 0 : i32
        %dma_start3A_953 = tpu.memref_slice %arg14[%dma_start3A_951, %dma_start3A_952] : memref<16x128xf32, #tpu.memory_space<vmem>> -> memref<8x128xf32, #tpu.memory_space<vmem>>
        %dma_start3A_954 = arith.constant 6248 : i32
        %dma_start3A_955 = arith.constant 0 : i32
        %dma_start3A_956 = tpu.memref_slice %arg6[%dma_start3A_954, %dma_start3A_955] : memref<6256x128xf32, #tpu.memory_space<vmem_shared>> -> memref<8x128xf32, #tpu.memory_space<vmem_shared>>
        %dma_start3A_957 = arith.constant 6248 : i32
        %dma_start3A_958 = arith.constant 0 : i32
        %dma_start3A_959 = tpu.memref_slice %arg6[%dma_start3A_957, %dma_start3A_958] : memref<6256x128xf32, #tpu.memory_space<vmem_shared>> -> memref<8x128xf32, #tpu.memory_space<vmem_shared>>
        %dma_start3A_960 = arith.constant 0 : i32
        %dma_start3A_961 = arith.constant 0 : i32
        %dma_start3A_962 = tpu.memref_slice %arg14[%dma_start3A_960, %dma_start3A_961] : memref<16x128xf32, #tpu.memory_space<vmem>> -> memref<8x128xf32, #tpu.memory_space<vmem>>
        tpu.enqueue_dma source(%dma_start3A_962 : memref<8x128xf32, #tpu.memory_space<vmem>>) target(%dma_start3A_959 : memref<8x128xf32, #tpu.memory_space<vmem_shared>>) target_semaphore(%run_scoped3A : memref<!tpu.dma_semaphore, #tpu.memory_space<semaphore_mem>>)
        %dma_wait3A_963 = arith.constant 0 : i32
        %dma_wait3A_964 = arith.constant 0 : i32
        %dma_wait3A_965 = tpu.memref_slice %arg14[%dma_wait3A_963, %dma_wait3A_964] : memref<16x128xf32, #tpu.memory_space<vmem>> -> memref<8x128xf32, #tpu.memory_space<vmem>>
        %dma_wait3A_966 = arith.constant 6248 : i32
        %dma_wait3A_967 = arith.constant 0 : i32
        %dma_wait3A_968 = tpu.memref_slice %arg6[%dma_wait3A_966, %dma_wait3A_967] : memref<6256x128xf32, #tpu.memory_space<vmem_shared>> -> memref<8x128xf32, #tpu.memory_space<vmem_shared>>
        %dma_wait3A_969 = arith.constant 6248 : i32
        %dma_wait3A_970 = arith.constant 0 : i32
        %dma_wait3A_971 = tpu.memref_slice %arg6[%dma_wait3A_969, %dma_wait3A_970] : memref<6256x128xf32, #tpu.memory_space<vmem_shared>> -> memref<8x128xf32, #tpu.memory_space<vmem_shared>>
        %dma_wait3A_972 = arith.constant 0 : i32
        %dma_wait3A_973 = arith.constant 0 : i32
        %dma_wait3A_974 = tpu.memref_slice %arg14[%dma_wait3A_972, %dma_wait3A_973] : memref<16x128xf32, #tpu.memory_space<vmem>> -> memref<8x128xf32, #tpu.memory_space<vmem>>
        tpu.wait_dma2 semaphore(%run_scoped3A : memref<!tpu.dma_semaphore, #tpu.memory_space<semaphore_mem>>) src(%dma_wait3A_974 : memref<8x128xf32, #tpu.memory_space<vmem>>) dst(%dma_wait3A_971 : memref<8x128xf32, #tpu.memory_space<vmem_shared>>)
        tpu.yield
      }) : () -> ()
    } else {
    }
    %barrier3A = arith.constant 0 : index
    tpu.barrier barrier_id(%barrier3A)
    %dma_start3A_351 = arith.constant 0 : i32
    %dma_start3A_352 = tpu.memref_slice %arg10[%dma_start3A_351] : memref<3200xi32, #tpu.memory_space<vmem>> -> memref<200xi32, #tpu.memory_space<vmem>>
    %dma_start3A_353 = arith.constant 0 : i32
    %dma_start3A_354 = tpu.memref_slice %arg9[%dma_start3A_353] : memref<3200xi32, #tpu.memory_space<vmem>> -> memref<200xi32, #tpu.memory_space<vmem>>
    %dma_start3A_355 = arith.constant 0 : i32
    %dma_start3A_356 = tpu.memref_slice %arg7[%dma_start3A_355] : memref<25000xi32, #tpu.memory_space<vmem_shared>> -> memref<25000xi32, #tpu.memory_space<vmem_shared>>
    tpu.enqueue_indirect_dma source(%dma_start3A_356 : memref<25000xi32, #tpu.memory_space<vmem_shared>>) target(%dma_start3A_352 : memref<200xi32, #tpu.memory_space<vmem>>) offsets(%dma_start3A_354 : memref<200xi32, #tpu.memory_space<vmem>>) semaphore(%arg15 : memref<!tpu.dma_semaphore, #tpu.memory_space<semaphore_mem>>)
    %dma_wait3A_357 = arith.constant 0 : i32
    %dma_wait3A_358 = tpu.memref_slice %arg10[%dma_wait3A_357] : memref<3200xi32, #tpu.memory_space<vmem>> -> memref<200xi32, #tpu.memory_space<vmem>>
    %dma_wait3A_359 = arith.constant 0 : i32
    %dma_wait3A_360 = tpu.memref_slice %arg9[%dma_wait3A_359] : memref<3200xi32, #tpu.memory_space<vmem>> -> memref<200xi32, #tpu.memory_space<vmem>>
    %dma_wait3A_361 = arith.constant 0 : i32
    %dma_wait3A_362 = tpu.memref_slice %arg7[%dma_wait3A_361] : memref<25000xi32, #tpu.memory_space<vmem_shared>> -> memref<25000xi32, #tpu.memory_space<vmem_shared>>
    tpu.wait_indirect_dma semaphore(%arg15 : memref<!tpu.dma_semaphore, #tpu.memory_space<semaphore_mem>>) src(%dma_wait3A_362 : memref<25000xi32, #tpu.memory_space<vmem_shared>>) dst(%dma_wait3A_358 : memref<200xi32, #tpu.memory_space<vmem>>)
    %dma_start3A_363 = arith.constant 200 : i32
    %dma_start3A_364 = tpu.memref_slice %arg10[%dma_start3A_363] : memref<3200xi32, #tpu.memory_space<vmem>> -> memref<200xi32, #tpu.memory_space<vmem>>
    %dma_start3A_365 = arith.constant 200 : i32
    %dma_start3A_366 = tpu.memref_slice %arg9[%dma_start3A_365] : memref<3200xi32, #tpu.memory_space<vmem>> -> memref<200xi32, #tpu.memory_space<vmem>>
    %dma_start3A_367 = arith.constant 0 : i32
    %dma_start3A_368 = tpu.memref_slice %arg7[%dma_start3A_367] : memref<25000xi32, #tpu.memory_space<vmem_shared>> -> memref<25000xi32, #tpu.memory_space<vmem_shared>>
    tpu.enqueue_indirect_dma source(%dma_start3A_368 : memref<25000xi32, #tpu.memory_space<vmem_shared>>) target(%dma_start3A_364 : memref<200xi32, #tpu.memory_space<vmem>>) offsets(%dma_start3A_366 : memref<200xi32, #tpu.memory_space<vmem>>) semaphore(%arg15 : memref<!tpu.dma_semaphore, #tpu.memory_space<semaphore_mem>>)
    %dma_start3A_369 = arith.constant 0 : i32
    %dma_start3A_370 = tpu.memref_slice %arg10[%dma_start3A_369] : memref<3200xi32, #tpu.memory_space<vmem>> -> memref<200xi32, #tpu.memory_space<vmem>>
    %dma_start3A_371 = arith.constant 0 : i32
    %dma_start3A_372 = arith.constant 0 : i32
    %dma_start3A_373 = tpu.memref_slice %arg6[%dma_start3A_371, %dma_start3A_372] : memref<6256x128xf32, #tpu.memory_space<vmem_shared>> -> memref<6256x128xf32, #tpu.memory_space<vmem_shared>>
    tpu.enqueue_indirect_dma source(%dma_start3A_373 : memref<6256x128xf32, #tpu.memory_space<vmem_shared>>) target(%arg11 : memref<200x128xf32, #tpu.memory_space<vmem>>) offsets(%dma_start3A_370 : memref<200xi32, #tpu.memory_space<vmem>>) semaphore(%arg16 : memref<!tpu.dma_semaphore, #tpu.memory_space<semaphore_mem>>)
    %dma_wait3A_374 = arith.constant 200 : i32
    %dma_wait3A_375 = tpu.memref_slice %arg10[%dma_wait3A_374] : memref<3200xi32, #tpu.memory_space<vmem>> -> memref<200xi32, #tpu.memory_space<vmem>>
    %dma_wait3A_376 = arith.constant 200 : i32
    %dma_wait3A_377 = tpu.memref_slice %arg9[%dma_wait3A_376] : memref<3200xi32, #tpu.memory_space<vmem>> -> memref<200xi32, #tpu.memory_space<vmem>>
    %dma_wait3A_378 = arith.constant 0 : i32
    %dma_wait3A_379 = tpu.memref_slice %arg7[%dma_wait3A_378] : memref<25000xi32, #tpu.memory_space<vmem_shared>> -> memref<25000xi32, #tpu.memory_space<vmem_shared>>
    tpu.wait_indirect_dma semaphore(%arg15 : memref<!tpu.dma_semaphore, #tpu.memory_space<semaphore_mem>>) src(%dma_wait3A_379 : memref<25000xi32, #tpu.memory_space<vmem_shared>>) dst(%dma_wait3A_375 : memref<200xi32, #tpu.memory_space<vmem>>)
    %dma_start3A_380 = arith.constant 400 : i32
    %dma_start3A_381 = tpu.memref_slice %arg10[%dma_start3A_380] : memref<3200xi32, #tpu.memory_space<vmem>> -> memref<200xi32, #tpu.memory_space<vmem>>
    %dma_start3A_382 = arith.constant 400 : i32
    %dma_start3A_383 = tpu.memref_slice %arg9[%dma_start3A_382] : memref<3200xi32, #tpu.memory_space<vmem>> -> memref<200xi32, #tpu.memory_space<vmem>>
    %dma_start3A_384 = arith.constant 0 : i32
    %dma_start3A_385 = tpu.memref_slice %arg7[%dma_start3A_384] : memref<25000xi32, #tpu.memory_space<vmem_shared>> -> memref<25000xi32, #tpu.memory_space<vmem_shared>>
    tpu.enqueue_indirect_dma source(%dma_start3A_385 : memref<25000xi32, #tpu.memory_space<vmem_shared>>) target(%dma_start3A_381 : memref<200xi32, #tpu.memory_space<vmem>>) offsets(%dma_start3A_383 : memref<200xi32, #tpu.memory_space<vmem>>) semaphore(%arg15 : memref<!tpu.dma_semaphore, #tpu.memory_space<semaphore_mem>>)
    %dma_start3A_386 = arith.constant 200 : i32
    %dma_start3A_387 = tpu.memref_slice %arg10[%dma_start3A_386] : memref<3200xi32, #tpu.memory_space<vmem>> -> memref<200xi32, #tpu.memory_space<vmem>>
    %dma_start3A_388 = arith.constant 0 : i32
    %dma_start3A_389 = arith.constant 0 : i32
    %dma_start3A_390 = tpu.memref_slice %arg6[%dma_start3A_388, %dma_start3A_389] : memref<6256x128xf32, #tpu.memory_space<vmem_shared>> -> memref<6256x128xf32, #tpu.memory_space<vmem_shared>>
    tpu.enqueue_indirect_dma source(%dma_start3A_390 : memref<6256x128xf32, #tpu.memory_space<vmem_shared>>) target(%arg12 : memref<200x128xf32, #tpu.memory_space<vmem>>) offsets(%dma_start3A_387 : memref<200xi32, #tpu.memory_space<vmem>>) semaphore(%arg17 : memref<!tpu.dma_semaphore, #tpu.memory_space<semaphore_mem>>)
    %dma_wait3A_391 = arith.constant 0 : i32
    %dma_wait3A_392 = tpu.memref_slice %arg10[%dma_wait3A_391] : memref<3200xi32, #tpu.memory_space<vmem>> -> memref<200xi32, #tpu.memory_space<vmem>>
    %dma_wait3A_393 = arith.constant 0 : i32
    %dma_wait3A_394 = arith.constant 0 : i32
    %dma_wait3A_395 = tpu.memref_slice %arg6[%dma_wait3A_393, %dma_wait3A_394] : memref<6256x128xf32, #tpu.memory_space<vmem_shared>> -> memref<6256x128xf32, #tpu.memory_space<vmem_shared>>
    tpu.wait_indirect_dma semaphore(%arg16 : memref<!tpu.dma_semaphore, #tpu.memory_space<semaphore_mem>>) src(%dma_wait3A_395 : memref<6256x128xf32, #tpu.memory_space<vmem_shared>>) dst(%arg11 : memref<200x128xf32, #tpu.memory_space<vmem>>)
    %add3A_396 = arith.constant 0 : i32
    %add3A_397 = arith.addi %add3A, %add3A_396 : i32
    %mul3A_398 = arith.constant 200 : i32
    %mul3A_399 = arith.muli %add3A_397, %mul3A_398 : i32
    %dma_start3A_400 = arith.constant 0 : i32
    %dma_start3A_401 = tpu.memref_slice %arg5[%mul3A_399, %dma_start3A_400] : memref<100000x128xf32, #tpu.memory_space<hbm>> -> memref<200x128xf32, #tpu.memory_space<hbm>>
    %dma_start3A_402 = arith.constant 0 : i32
    %dma_start3A_403 = tpu.memref_slice %arg5[%mul3A_399, %dma_start3A_402] : memref<100000x128xf32, #tpu.memory_space<hbm>> -> memref<200x128xf32, #tpu.memory_space<hbm>>
    tpu.enqueue_dma source(%arg11 : memref<200x128xf32, #tpu.memory_space<vmem>>) target(%dma_start3A_403 : memref<200x128xf32, #tpu.memory_space<hbm>>) target_semaphore(%arg18 : memref<!tpu.dma_semaphore, #tpu.memory_space<semaphore_mem>>)
    %dma_wait3A_404 = arith.constant 400 : i32
    %dma_wait3A_405 = tpu.memref_slice %arg10[%dma_wait3A_404] : memref<3200xi32, #tpu.memory_space<vmem>> -> memref<200xi32, #tpu.memory_space<vmem>>
    %dma_wait3A_406 = arith.constant 400 : i32
    %dma_wait3A_407 = tpu.memref_slice %arg9[%dma_wait3A_406] : memref<3200xi32, #tpu.memory_space<vmem>> -> memref<200xi32, #tpu.memory_space<vmem>>
    %dma_wait3A_408 = arith.constant 0 : i32
    %dma_wait3A_409 = tpu.memref_slice %arg7[%dma_wait3A_408] : memref<25000xi32, #tpu.memory_space<vmem_shared>> -> memref<25000xi32, #tpu.memory_space<vmem_shared>>
    tpu.wait_indirect_dma semaphore(%arg15 : memref<!tpu.dma_semaphore, #tpu.memory_space<semaphore_mem>>) src(%dma_wait3A_409 : memref<25000xi32, #tpu.memory_space<vmem_shared>>) dst(%dma_wait3A_405 : memref<200xi32, #tpu.memory_space<vmem>>)
    %dma_start3A_410 = arith.constant 600 : i32
    %dma_start3A_411 = tpu.memref_slice %arg10[%dma_start3A_410] : memref<3200xi32, #tpu.memory_space<vmem>> -> memref<200xi32, #tpu.memory_space<vmem>>
    %dma_start3A_412 = arith.constant 600 : i32
    %dma_start3A_413 = tpu.memref_slice %arg9[%dma_start3A_412] : memref<3200xi32, #tpu.memory_space<vmem>> -> memref<200xi32, #tpu.memory_space<vmem>>
    %dma_start3A_414 = arith.constant 0 : i32
    %dma_start3A_415 = tpu.memref_slice %arg7[%dma_start3A_414] : memref<25000xi32, #tpu.memory_space<vmem_shared>> -> memref<25000xi32, #tpu.memory_space<vmem_shared>>
    tpu.enqueue_indirect_dma source(%dma_start3A_415 : memref<25000xi32, #tpu.memory_space<vmem_shared>>) target(%dma_start3A_411 : memref<200xi32, #tpu.memory_space<vmem>>) offsets(%dma_start3A_413 : memref<200xi32, #tpu.memory_space<vmem>>) semaphore(%arg15 : memref<!tpu.dma_semaphore, #tpu.memory_space<semaphore_mem>>)
    %add3A_416 = arith.constant 0 : i32
    %add3A_417 = arith.addi %add3A, %add3A_416 : i32
    %mul3A_418 = arith.constant 200 : i32
    %mul3A_419 = arith.muli %add3A_417, %mul3A_418 : i32
    %dma_wait3A_420 = arith.constant 0 : i32
    %dma_wait3A_421 = tpu.memref_slice %arg5[%mul3A_419, %dma_wait3A_420] : memref<100000x128xf32, #tpu.memory_space<hbm>> -> memref<200x128xf32, #tpu.memory_space<hbm>>
    %dma_wait3A_422 = arith.constant 0 : i32
    %dma_wait3A_423 = tpu.memref_slice %arg5[%mul3A_419, %dma_wait3A_422] : memref<100000x128xf32, #tpu.memory_space<hbm>> -> memref<200x128xf32, #tpu.memory_space<hbm>>
    tpu.wait_dma2 semaphore(%arg18 : memref<!tpu.dma_semaphore, #tpu.memory_space<semaphore_mem>>) src(%arg11 : memref<200x128xf32, #tpu.memory_space<vmem>>) dst(%dma_wait3A_423 : memref<200x128xf32, #tpu.memory_space<hbm>>)
    %dma_start3A_424 = arith.constant 400 : i32
    %dma_start3A_425 = tpu.memref_slice %arg10[%dma_start3A_424] : memref<3200xi32, #tpu.memory_space<vmem>> -> memref<200xi32, #tpu.memory_space<vmem>>
    %dma_start3A_426 = arith.constant 0 : i32
    %dma_start3A_427 = arith.constant 0 : i32
    %dma_start3A_428 = tpu.memref_slice %arg6[%dma_start3A_426, %dma_start3A_427] : memref<6256x128xf32, #tpu.memory_space<vmem_shared>> -> memref<6256x128xf32, #tpu.memory_space<vmem_shared>>
    tpu.enqueue_indirect_dma source(%dma_start3A_428 : memref<6256x128xf32, #tpu.memory_space<vmem_shared>>) target(%arg11 : memref<200x128xf32, #tpu.memory_space<vmem>>) offsets(%dma_start3A_425 : memref<200xi32, #tpu.memory_space<vmem>>) semaphore(%arg16 : memref<!tpu.dma_semaphore, #tpu.memory_space<semaphore_mem>>)
    %dma_wait3A_429 = arith.constant 200 : i32
    %dma_wait3A_430 = tpu.memref_slice %arg10[%dma_wait3A_429] : memref<3200xi32, #tpu.memory_space<vmem>> -> memref<200xi32, #tpu.memory_space<vmem>>
    %dma_wait3A_431 = arith.constant 0 : i32
    %dma_wait3A_432 = arith.constant 0 : i32
    %dma_wait3A_433 = tpu.memref_slice %arg6[%dma_wait3A_431, %dma_wait3A_432] : memref<6256x128xf32, #tpu.memory_space<vmem_shared>> -> memref<6256x128xf32, #tpu.memory_space<vmem_shared>>
    tpu.wait_indirect_dma semaphore(%arg17 : memref<!tpu.dma_semaphore, #tpu.memory_space<semaphore_mem>>) src(%dma_wait3A_433 : memref<6256x128xf32, #tpu.memory_space<vmem_shared>>) dst(%arg12 : memref<200x128xf32, #tpu.memory_space<vmem>>)
    %add3A_434 = arith.constant 32 : i32
    %add3A_435 = arith.addi %add3A, %add3A_434 : i32
    %mul3A_436 = arith.constant 200 : i32
    %mul3A_437 = arith.muli %add3A_435, %mul3A_436 : i32
    %dma_start3A_438 = arith.constant 0 : i32
    %dma_start3A_439 = tpu.memref_slice %arg5[%mul3A_437, %dma_start3A_438] : memref<100000x128xf32, #tpu.memory_space<hbm>> -> memref<200x128xf32, #tpu.memory_space<hbm>>
    %dma_start3A_440 = arith.constant 0 : i32
    %dma_start3A_441 = tpu.memref_slice %arg5[%mul3A_437, %dma_start3A_440] : memref<100000x128xf32, #tpu.memory_space<hbm>> -> memref<200x128xf32, #tpu.memory_space<hbm>>
    tpu.enqueue_dma source(%arg12 : memref<200x128xf32, #tpu.memory_space<vmem>>) target(%dma_start3A_441 : memref<200x128xf32, #tpu.memory_space<hbm>>) target_semaphore(%arg19 : memref<!tpu.dma_semaphore, #tpu.memory_space<semaphore_mem>>)
    %dma_wait3A_442 = arith.constant 600 : i32
    %dma_wait3A_443 = tpu.memref_slice %arg10[%dma_wait3A_442] : memref<3200xi32, #tpu.memory_space<vmem>> -> memref<200xi32, #tpu.memory_space<vmem>>
    %dma_wait3A_444 = arith.constant 600 : i32
    %dma_wait3A_445 = tpu.memref_slice %arg9[%dma_wait3A_444] : memref<3200xi32, #tpu.memory_space<vmem>> -> memref<200xi32, #tpu.memory_space<vmem>>
    %dma_wait3A_446 = arith.constant 0 : i32
    %dma_wait3A_447 = tpu.memref_slice %arg7[%dma_wait3A_446] : memref<25000xi32, #tpu.memory_space<vmem_shared>> -> memref<25000xi32, #tpu.memory_space<vmem_shared>>
    tpu.wait_indirect_dma semaphore(%arg15 : memref<!tpu.dma_semaphore, #tpu.memory_space<semaphore_mem>>) src(%dma_wait3A_447 : memref<25000xi32, #tpu.memory_space<vmem_shared>>) dst(%dma_wait3A_443 : memref<200xi32, #tpu.memory_space<vmem>>)
    %dma_start3A_448 = arith.constant 800 : i32
    %dma_start3A_449 = tpu.memref_slice %arg10[%dma_start3A_448] : memref<3200xi32, #tpu.memory_space<vmem>> -> memref<200xi32, #tpu.memory_space<vmem>>
    %dma_start3A_450 = arith.constant 800 : i32
    %dma_start3A_451 = tpu.memref_slice %arg9[%dma_start3A_450] : memref<3200xi32, #tpu.memory_space<vmem>> -> memref<200xi32, #tpu.memory_space<vmem>>
    %dma_start3A_452 = arith.constant 0 : i32
    %dma_start3A_453 = tpu.memref_slice %arg7[%dma_start3A_452] : memref<25000xi32, #tpu.memory_space<vmem_shared>> -> memref<25000xi32, #tpu.memory_space<vmem_shared>>
    tpu.enqueue_indirect_dma source(%dma_start3A_453 : memref<25000xi32, #tpu.memory_space<vmem_shared>>) target(%dma_start3A_449 : memref<200xi32, #tpu.memory_space<vmem>>) offsets(%dma_start3A_451 : memref<200xi32, #tpu.memory_space<vmem>>) semaphore(%arg15 : memref<!tpu.dma_semaphore, #tpu.memory_space<semaphore_mem>>)
    %add3A_454 = arith.constant 32 : i32
    %add3A_455 = arith.addi %add3A, %add3A_454 : i32
    %mul3A_456 = arith.constant 200 : i32
    %mul3A_457 = arith.muli %add3A_455, %mul3A_456 : i32
    %dma_wait3A_458 = arith.constant 0 : i32
    %dma_wait3A_459 = tpu.memref_slice %arg5[%mul3A_457, %dma_wait3A_458] : memref<100000x128xf32, #tpu.memory_space<hbm>> -> memref<200x128xf32, #tpu.memory_space<hbm>>
    %dma_wait3A_460 = arith.constant 0 : i32
    %dma_wait3A_461 = tpu.memref_slice %arg5[%mul3A_457, %dma_wait3A_460] : memref<100000x128xf32, #tpu.memory_space<hbm>> -> memref<200x128xf32, #tpu.memory_space<hbm>>
    tpu.wait_dma2 semaphore(%arg19 : memref<!tpu.dma_semaphore, #tpu.memory_space<semaphore_mem>>) src(%arg12 : memref<200x128xf32, #tpu.memory_space<vmem>>) dst(%dma_wait3A_461 : memref<200x128xf32, #tpu.memory_space<hbm>>)
    %dma_start3A_462 = arith.constant 600 : i32
    %dma_start3A_463 = tpu.memref_slice %arg10[%dma_start3A_462] : memref<3200xi32, #tpu.memory_space<vmem>> -> memref<200xi32, #tpu.memory_space<vmem>>
    %dma_start3A_464 = arith.constant 0 : i32
    %dma_start3A_465 = arith.constant 0 : i32
    %dma_start3A_466 = tpu.memref_slice %arg6[%dma_start3A_464, %dma_start3A_465] : memref<6256x128xf32, #tpu.memory_space<vmem_shared>> -> memref<6256x128xf32, #tpu.memory_space<vmem_shared>>
    tpu.enqueue_indirect_dma source(%dma_start3A_466 : memref<6256x128xf32, #tpu.memory_space<vmem_shared>>) target(%arg12 : memref<200x128xf32, #tpu.memory_space<vmem>>) offsets(%dma_start3A_463 : memref<200xi32, #tpu.memory_space<vmem>>) semaphore(%arg17 : memref<!tpu.dma_semaphore, #tpu.memory_space<semaphore_mem>>)
    %dma_wait3A_467 = arith.constant 400 : i32
    %dma_wait3A_468 = tpu.memref_slice %arg10[%dma_wait3A_467] : memref<3200xi32, #tpu.memory_space<vmem>> -> memref<200xi32, #tpu.memory_space<vmem>>
    %dma_wait3A_469 = arith.constant 0 : i32
    %dma_wait3A_470 = arith.constant 0 : i32
    %dma_wait3A_471 = tpu.memref_slice %arg6[%dma_wait3A_469, %dma_wait3A_470] : memref<6256x128xf32, #tpu.memory_space<vmem_shared>> -> memref<6256x128xf32, #tpu.memory_space<vmem_shared>>
    tpu.wait_indirect_dma semaphore(%arg16 : memref<!tpu.dma_semaphore, #tpu.memory_space<semaphore_mem>>) src(%dma_wait3A_471 : memref<6256x128xf32, #tpu.memory_space<vmem_shared>>) dst(%arg11 : memref<200x128xf32, #tpu.memory_space<vmem>>)
    %add3A_472 = arith.constant 64 : i32
    %add3A_473 = arith.addi %add3A, %add3A_472 : i32
    %mul3A_474 = arith.constant 200 : i32
    %mul3A_475 = arith.muli %add3A_473, %mul3A_474 : i32
    %dma_start3A_476 = arith.constant 0 : i32
    %dma_start3A_477 = tpu.memref_slice %arg5[%mul3A_475, %dma_start3A_476] : memref<100000x128xf32, #tpu.memory_space<hbm>> -> memref<200x128xf32, #tpu.memory_space<hbm>>
    %dma_start3A_478 = arith.constant 0 : i32
    %dma_start3A_479 = tpu.memref_slice %arg5[%mul3A_475, %dma_start3A_478] : memref<100000x128xf32, #tpu.memory_space<hbm>> -> memref<200x128xf32, #tpu.memory_space<hbm>>
    tpu.enqueue_dma source(%arg11 : memref<200x128xf32, #tpu.memory_space<vmem>>) target(%dma_start3A_479 : memref<200x128xf32, #tpu.memory_space<hbm>>) target_semaphore(%arg18 : memref<!tpu.dma_semaphore, #tpu.memory_space<semaphore_mem>>)
    %dma_wait3A_480 = arith.constant 800 : i32
    %dma_wait3A_481 = tpu.memref_slice %arg10[%dma_wait3A_480] : memref<3200xi32, #tpu.memory_space<vmem>> -> memref<200xi32, #tpu.memory_space<vmem>>
    %dma_wait3A_482 = arith.constant 800 : i32
    %dma_wait3A_483 = tpu.memref_slice %arg9[%dma_wait3A_482] : memref<3200xi32, #tpu.memory_space<vmem>> -> memref<200xi32, #tpu.memory_space<vmem>>
    %dma_wait3A_484 = arith.constant 0 : i32
    %dma_wait3A_485 = tpu.memref_slice %arg7[%dma_wait3A_484] : memref<25000xi32, #tpu.memory_space<vmem_shared>> -> memref<25000xi32, #tpu.memory_space<vmem_shared>>
    tpu.wait_indirect_dma semaphore(%arg15 : memref<!tpu.dma_semaphore, #tpu.memory_space<semaphore_mem>>) src(%dma_wait3A_485 : memref<25000xi32, #tpu.memory_space<vmem_shared>>) dst(%dma_wait3A_481 : memref<200xi32, #tpu.memory_space<vmem>>)
    %dma_start3A_486 = arith.constant 1000 : i32
    %dma_start3A_487 = tpu.memref_slice %arg10[%dma_start3A_486] : memref<3200xi32, #tpu.memory_space<vmem>> -> memref<200xi32, #tpu.memory_space<vmem>>
    %dma_start3A_488 = arith.constant 1000 : i32
    %dma_start3A_489 = tpu.memref_slice %arg9[%dma_start3A_488] : memref<3200xi32, #tpu.memory_space<vmem>> -> memref<200xi32, #tpu.memory_space<vmem>>
    %dma_start3A_490 = arith.constant 0 : i32
    %dma_start3A_491 = tpu.memref_slice %arg7[%dma_start3A_490] : memref<25000xi32, #tpu.memory_space<vmem_shared>> -> memref<25000xi32, #tpu.memory_space<vmem_shared>>
    tpu.enqueue_indirect_dma source(%dma_start3A_491 : memref<25000xi32, #tpu.memory_space<vmem_shared>>) target(%dma_start3A_487 : memref<200xi32, #tpu.memory_space<vmem>>) offsets(%dma_start3A_489 : memref<200xi32, #tpu.memory_space<vmem>>) semaphore(%arg15 : memref<!tpu.dma_semaphore, #tpu.memory_space<semaphore_mem>>)
    %add3A_492 = arith.constant 64 : i32
    %add3A_493 = arith.addi %add3A, %add3A_492 : i32
    %mul3A_494 = arith.constant 200 : i32
    %mul3A_495 = arith.muli %add3A_493, %mul3A_494 : i32
    %dma_wait3A_496 = arith.constant 0 : i32
    %dma_wait3A_497 = tpu.memref_slice %arg5[%mul3A_495, %dma_wait3A_496] : memref<100000x128xf32, #tpu.memory_space<hbm>> -> memref<200x128xf32, #tpu.memory_space<hbm>>
    %dma_wait3A_498 = arith.constant 0 : i32
    %dma_wait3A_499 = tpu.memref_slice %arg5[%mul3A_495, %dma_wait3A_498] : memref<100000x128xf32, #tpu.memory_space<hbm>> -> memref<200x128xf32, #tpu.memory_space<hbm>>
    tpu.wait_dma2 semaphore(%arg18 : memref<!tpu.dma_semaphore, #tpu.memory_space<semaphore_mem>>) src(%arg11 : memref<200x128xf32, #tpu.memory_space<vmem>>) dst(%dma_wait3A_499 : memref<200x128xf32, #tpu.memory_space<hbm>>)
    %dma_start3A_500 = arith.constant 800 : i32
    %dma_start3A_501 = tpu.memref_slice %arg10[%dma_start3A_500] : memref<3200xi32, #tpu.memory_space<vmem>> -> memref<200xi32, #tpu.memory_space<vmem>>
    %dma_start3A_502 = arith.constant 0 : i32
    %dma_start3A_503 = arith.constant 0 : i32
    %dma_start3A_504 = tpu.memref_slice %arg6[%dma_start3A_502, %dma_start3A_503] : memref<6256x128xf32, #tpu.memory_space<vmem_shared>> -> memref<6256x128xf32, #tpu.memory_space<vmem_shared>>
    tpu.enqueue_indirect_dma source(%dma_start3A_504 : memref<6256x128xf32, #tpu.memory_space<vmem_shared>>) target(%arg11 : memref<200x128xf32, #tpu.memory_space<vmem>>) offsets(%dma_start3A_501 : memref<200xi32, #tpu.memory_space<vmem>>) semaphore(%arg16 : memref<!tpu.dma_semaphore, #tpu.memory_space<semaphore_mem>>)
    %dma_wait3A_505 = arith.constant 600 : i32
    %dma_wait3A_506 = tpu.memref_slice %arg10[%dma_wait3A_505] : memref<3200xi32, #tpu.memory_space<vmem>> -> memref<200xi32, #tpu.memory_space<vmem>>
    %dma_wait3A_507 = arith.constant 0 : i32
    %dma_wait3A_508 = arith.constant 0 : i32
    %dma_wait3A_509 = tpu.memref_slice %arg6[%dma_wait3A_507, %dma_wait3A_508] : memref<6256x128xf32, #tpu.memory_space<vmem_shared>> -> memref<6256x128xf32, #tpu.memory_space<vmem_shared>>
    tpu.wait_indirect_dma semaphore(%arg17 : memref<!tpu.dma_semaphore, #tpu.memory_space<semaphore_mem>>) src(%dma_wait3A_509 : memref<6256x128xf32, #tpu.memory_space<vmem_shared>>) dst(%arg12 : memref<200x128xf32, #tpu.memory_space<vmem>>)
    %add3A_510 = arith.constant 96 : i32
    %add3A_511 = arith.addi %add3A, %add3A_510 : i32
    %mul3A_512 = arith.constant 200 : i32
    %mul3A_513 = arith.muli %add3A_511, %mul3A_512 : i32
    %dma_start3A_514 = arith.constant 0 : i32
    %dma_start3A_515 = tpu.memref_slice %arg5[%mul3A_513, %dma_start3A_514] : memref<100000x128xf32, #tpu.memory_space<hbm>> -> memref<200x128xf32, #tpu.memory_space<hbm>>
    %dma_start3A_516 = arith.constant 0 : i32
    %dma_start3A_517 = tpu.memref_slice %arg5[%mul3A_513, %dma_start3A_516] : memref<100000x128xf32, #tpu.memory_space<hbm>> -> memref<200x128xf32, #tpu.memory_space<hbm>>
    tpu.enqueue_dma source(%arg12 : memref<200x128xf32, #tpu.memory_space<vmem>>) target(%dma_start3A_517 : memref<200x128xf32, #tpu.memory_space<hbm>>) target_semaphore(%arg19 : memref<!tpu.dma_semaphore, #tpu.memory_space<semaphore_mem>>)
    %dma_wait3A_518 = arith.constant 1000 : i32
    %dma_wait3A_519 = tpu.memref_slice %arg10[%dma_wait3A_518] : memref<3200xi32, #tpu.memory_space<vmem>> -> memref<200xi32, #tpu.memory_space<vmem>>
    %dma_wait3A_520 = arith.constant 1000 : i32
    %dma_wait3A_521 = tpu.memref_slice %arg9[%dma_wait3A_520] : memref<3200xi32, #tpu.memory_space<vmem>> -> memref<200xi32, #tpu.memory_space<vmem>>
    %dma_wait3A_522 = arith.constant 0 : i32
    %dma_wait3A_523 = tpu.memref_slice %arg7[%dma_wait3A_522] : memref<25000xi32, #tpu.memory_space<vmem_shared>> -> memref<25000xi32, #tpu.memory_space<vmem_shared>>
    tpu.wait_indirect_dma semaphore(%arg15 : memref<!tpu.dma_semaphore, #tpu.memory_space<semaphore_mem>>) src(%dma_wait3A_523 : memref<25000xi32, #tpu.memory_space<vmem_shared>>) dst(%dma_wait3A_519 : memref<200xi32, #tpu.memory_space<vmem>>)
    %dma_start3A_524 = arith.constant 1200 : i32
    %dma_start3A_525 = tpu.memref_slice %arg10[%dma_start3A_524] : memref<3200xi32, #tpu.memory_space<vmem>> -> memref<200xi32, #tpu.memory_space<vmem>>
    %dma_start3A_526 = arith.constant 1200 : i32
    %dma_start3A_527 = tpu.memref_slice %arg9[%dma_start3A_526] : memref<3200xi32, #tpu.memory_space<vmem>> -> memref<200xi32, #tpu.memory_space<vmem>>
    %dma_start3A_528 = arith.constant 0 : i32
    %dma_start3A_529 = tpu.memref_slice %arg7[%dma_start3A_528] : memref<25000xi32, #tpu.memory_space<vmem_shared>> -> memref<25000xi32, #tpu.memory_space<vmem_shared>>
    tpu.enqueue_indirect_dma source(%dma_start3A_529 : memref<25000xi32, #tpu.memory_space<vmem_shared>>) target(%dma_start3A_525 : memref<200xi32, #tpu.memory_space<vmem>>) offsets(%dma_start3A_527 : memref<200xi32, #tpu.memory_space<vmem>>) semaphore(%arg15 : memref<!tpu.dma_semaphore, #tpu.memory_space<semaphore_mem>>)
    %add3A_530 = arith.constant 96 : i32
    %add3A_531 = arith.addi %add3A, %add3A_530 : i32
    %mul3A_532 = arith.constant 200 : i32
    %mul3A_533 = arith.muli %add3A_531, %mul3A_532 : i32
    %dma_wait3A_534 = arith.constant 0 : i32
    %dma_wait3A_535 = tpu.memref_slice %arg5[%mul3A_533, %dma_wait3A_534] : memref<100000x128xf32, #tpu.memory_space<hbm>> -> memref<200x128xf32, #tpu.memory_space<hbm>>
    %dma_wait3A_536 = arith.constant 0 : i32
    %dma_wait3A_537 = tpu.memref_slice %arg5[%mul3A_533, %dma_wait3A_536] : memref<100000x128xf32, #tpu.memory_space<hbm>> -> memref<200x128xf32, #tpu.memory_space<hbm>>
    tpu.wait_dma2 semaphore(%arg19 : memref<!tpu.dma_semaphore, #tpu.memory_space<semaphore_mem>>) src(%arg12 : memref<200x128xf32, #tpu.memory_space<vmem>>) dst(%dma_wait3A_537 : memref<200x128xf32, #tpu.memory_space<hbm>>)
    %dma_start3A_538 = arith.constant 1000 : i32
    %dma_start3A_539 = tpu.memref_slice %arg10[%dma_start3A_538] : memref<3200xi32, #tpu.memory_space<vmem>> -> memref<200xi32, #tpu.memory_space<vmem>>
    %dma_start3A_540 = arith.constant 0 : i32
    %dma_start3A_541 = arith.constant 0 : i32
    %dma_start3A_542 = tpu.memref_slice %arg6[%dma_start3A_540, %dma_start3A_541] : memref<6256x128xf32, #tpu.memory_space<vmem_shared>> -> memref<6256x128xf32, #tpu.memory_space<vmem_shared>>
    tpu.enqueue_indirect_dma source(%dma_start3A_542 : memref<6256x128xf32, #tpu.memory_space<vmem_shared>>) target(%arg12 : memref<200x128xf32, #tpu.memory_space<vmem>>) offsets(%dma_start3A_539 : memref<200xi32, #tpu.memory_space<vmem>>) semaphore(%arg17 : memref<!tpu.dma_semaphore, #tpu.memory_space<semaphore_mem>>)
    %dma_wait3A_543 = arith.constant 800 : i32
    %dma_wait3A_544 = tpu.memref_slice %arg10[%dma_wait3A_543] : memref<3200xi32, #tpu.memory_space<vmem>> -> memref<200xi32, #tpu.memory_space<vmem>>
    %dma_wait3A_545 = arith.constant 0 : i32
    %dma_wait3A_546 = arith.constant 0 : i32
    %dma_wait3A_547 = tpu.memref_slice %arg6[%dma_wait3A_545, %dma_wait3A_546] : memref<6256x128xf32, #tpu.memory_space<vmem_shared>> -> memref<6256x128xf32, #tpu.memory_space<vmem_shared>>
    tpu.wait_indirect_dma semaphore(%arg16 : memref<!tpu.dma_semaphore, #tpu.memory_space<semaphore_mem>>) src(%dma_wait3A_547 : memref<6256x128xf32, #tpu.memory_space<vmem_shared>>) dst(%arg11 : memref<200x128xf32, #tpu.memory_space<vmem>>)
    %add3A_548 = arith.constant 128 : i32
    %add3A_549 = arith.addi %add3A, %add3A_548 : i32
    %mul3A_550 = arith.constant 200 : i32
    %mul3A_551 = arith.muli %add3A_549, %mul3A_550 : i32
    %dma_start3A_552 = arith.constant 0 : i32
    %dma_start3A_553 = tpu.memref_slice %arg5[%mul3A_551, %dma_start3A_552] : memref<100000x128xf32, #tpu.memory_space<hbm>> -> memref<200x128xf32, #tpu.memory_space<hbm>>
    %dma_start3A_554 = arith.constant 0 : i32
    %dma_start3A_555 = tpu.memref_slice %arg5[%mul3A_551, %dma_start3A_554] : memref<100000x128xf32, #tpu.memory_space<hbm>> -> memref<200x128xf32, #tpu.memory_space<hbm>>
    tpu.enqueue_dma source(%arg11 : memref<200x128xf32, #tpu.memory_space<vmem>>) target(%dma_start3A_555 : memref<200x128xf32, #tpu.memory_space<hbm>>) target_semaphore(%arg18 : memref<!tpu.dma_semaphore, #tpu.memory_space<semaphore_mem>>)
    %dma_wait3A_556 = arith.constant 1200 : i32
    %dma_wait3A_557 = tpu.memref_slice %arg10[%dma_wait3A_556] : memref<3200xi32, #tpu.memory_space<vmem>> -> memref<200xi32, #tpu.memory_space<vmem>>
    %dma_wait3A_558 = arith.constant 1200 : i32
    %dma_wait3A_559 = tpu.memref_slice %arg9[%dma_wait3A_558] : memref<3200xi32, #tpu.memory_space<vmem>> -> memref<200xi32, #tpu.memory_space<vmem>>
    %dma_wait3A_560 = arith.constant 0 : i32
    %dma_wait3A_561 = tpu.memref_slice %arg7[%dma_wait3A_560] : memref<25000xi32, #tpu.memory_space<vmem_shared>> -> memref<25000xi32, #tpu.memory_space<vmem_shared>>
    tpu.wait_indirect_dma semaphore(%arg15 : memref<!tpu.dma_semaphore, #tpu.memory_space<semaphore_mem>>) src(%dma_wait3A_561 : memref<25000xi32, #tpu.memory_space<vmem_shared>>) dst(%dma_wait3A_557 : memref<200xi32, #tpu.memory_space<vmem>>)
    %dma_start3A_562 = arith.constant 1400 : i32
    %dma_start3A_563 = tpu.memref_slice %arg10[%dma_start3A_562] : memref<3200xi32, #tpu.memory_space<vmem>> -> memref<200xi32, #tpu.memory_space<vmem>>
    %dma_start3A_564 = arith.constant 1400 : i32
    %dma_start3A_565 = tpu.memref_slice %arg9[%dma_start3A_564] : memref<3200xi32, #tpu.memory_space<vmem>> -> memref<200xi32, #tpu.memory_space<vmem>>
    %dma_start3A_566 = arith.constant 0 : i32
    %dma_start3A_567 = tpu.memref_slice %arg7[%dma_start3A_566] : memref<25000xi32, #tpu.memory_space<vmem_shared>> -> memref<25000xi32, #tpu.memory_space<vmem_shared>>
    tpu.enqueue_indirect_dma source(%dma_start3A_567 : memref<25000xi32, #tpu.memory_space<vmem_shared>>) target(%dma_start3A_563 : memref<200xi32, #tpu.memory_space<vmem>>) offsets(%dma_start3A_565 : memref<200xi32, #tpu.memory_space<vmem>>) semaphore(%arg15 : memref<!tpu.dma_semaphore, #tpu.memory_space<semaphore_mem>>)
    %add3A_568 = arith.constant 128 : i32
    %add3A_569 = arith.addi %add3A, %add3A_568 : i32
    %mul3A_570 = arith.constant 200 : i32
    %mul3A_571 = arith.muli %add3A_569, %mul3A_570 : i32
    %dma_wait3A_572 = arith.constant 0 : i32
    %dma_wait3A_573 = tpu.memref_slice %arg5[%mul3A_571, %dma_wait3A_572] : memref<100000x128xf32, #tpu.memory_space<hbm>> -> memref<200x128xf32, #tpu.memory_space<hbm>>
    %dma_wait3A_574 = arith.constant 0 : i32
    %dma_wait3A_575 = tpu.memref_slice %arg5[%mul3A_571, %dma_wait3A_574] : memref<100000x128xf32, #tpu.memory_space<hbm>> -> memref<200x128xf32, #tpu.memory_space<hbm>>
    tpu.wait_dma2 semaphore(%arg18 : memref<!tpu.dma_semaphore, #tpu.memory_space<semaphore_mem>>) src(%arg11 : memref<200x128xf32, #tpu.memory_space<vmem>>) dst(%dma_wait3A_575 : memref<200x128xf32, #tpu.memory_space<hbm>>)
    %dma_start3A_576 = arith.constant 1200 : i32
    %dma_start3A_577 = tpu.memref_slice %arg10[%dma_start3A_576] : memref<3200xi32, #tpu.memory_space<vmem>> -> memref<200xi32, #tpu.memory_space<vmem>>
    %dma_start3A_578 = arith.constant 0 : i32
    %dma_start3A_579 = arith.constant 0 : i32
    %dma_start3A_580 = tpu.memref_slice %arg6[%dma_start3A_578, %dma_start3A_579] : memref<6256x128xf32, #tpu.memory_space<vmem_shared>> -> memref<6256x128xf32, #tpu.memory_space<vmem_shared>>
    tpu.enqueue_indirect_dma source(%dma_start3A_580 : memref<6256x128xf32, #tpu.memory_space<vmem_shared>>) target(%arg11 : memref<200x128xf32, #tpu.memory_space<vmem>>) offsets(%dma_start3A_577 : memref<200xi32, #tpu.memory_space<vmem>>) semaphore(%arg16 : memref<!tpu.dma_semaphore, #tpu.memory_space<semaphore_mem>>)
    %dma_wait3A_581 = arith.constant 1000 : i32
    %dma_wait3A_582 = tpu.memref_slice %arg10[%dma_wait3A_581] : memref<3200xi32, #tpu.memory_space<vmem>> -> memref<200xi32, #tpu.memory_space<vmem>>
    %dma_wait3A_583 = arith.constant 0 : i32
    %dma_wait3A_584 = arith.constant 0 : i32
    %dma_wait3A_585 = tpu.memref_slice %arg6[%dma_wait3A_583, %dma_wait3A_584] : memref<6256x128xf32, #tpu.memory_space<vmem_shared>> -> memref<6256x128xf32, #tpu.memory_space<vmem_shared>>
    tpu.wait_indirect_dma semaphore(%arg17 : memref<!tpu.dma_semaphore, #tpu.memory_space<semaphore_mem>>) src(%dma_wait3A_585 : memref<6256x128xf32, #tpu.memory_space<vmem_shared>>) dst(%arg12 : memref<200x128xf32, #tpu.memory_space<vmem>>)
    %add3A_586 = arith.constant 160 : i32
    %add3A_587 = arith.addi %add3A, %add3A_586 : i32
    %mul3A_588 = arith.constant 200 : i32
    %mul3A_589 = arith.muli %add3A_587, %mul3A_588 : i32
    %dma_start3A_590 = arith.constant 0 : i32
    %dma_start3A_591 = tpu.memref_slice %arg5[%mul3A_589, %dma_start3A_590] : memref<100000x128xf32, #tpu.memory_space<hbm>> -> memref<200x128xf32, #tpu.memory_space<hbm>>
    %dma_start3A_592 = arith.constant 0 : i32
    %dma_start3A_593 = tpu.memref_slice %arg5[%mul3A_589, %dma_start3A_592] : memref<100000x128xf32, #tpu.memory_space<hbm>> -> memref<200x128xf32, #tpu.memory_space<hbm>>
    tpu.enqueue_dma source(%arg12 : memref<200x128xf32, #tpu.memory_space<vmem>>) target(%dma_start3A_593 : memref<200x128xf32, #tpu.memory_space<hbm>>) target_semaphore(%arg19 : memref<!tpu.dma_semaphore, #tpu.memory_space<semaphore_mem>>)
    %dma_wait3A_594 = arith.constant 1400 : i32
    %dma_wait3A_595 = tpu.memref_slice %arg10[%dma_wait3A_594] : memref<3200xi32, #tpu.memory_space<vmem>> -> memref<200xi32, #tpu.memory_space<vmem>>
    %dma_wait3A_596 = arith.constant 1400 : i32
    %dma_wait3A_597 = tpu.memref_slice %arg9[%dma_wait3A_596] : memref<3200xi32, #tpu.memory_space<vmem>> -> memref<200xi32, #tpu.memory_space<vmem>>
    %dma_wait3A_598 = arith.constant 0 : i32
    %dma_wait3A_599 = tpu.memref_slice %arg7[%dma_wait3A_598] : memref<25000xi32, #tpu.memory_space<vmem_shared>> -> memref<25000xi32, #tpu.memory_space<vmem_shared>>
    tpu.wait_indirect_dma semaphore(%arg15 : memref<!tpu.dma_semaphore, #tpu.memory_space<semaphore_mem>>) src(%dma_wait3A_599 : memref<25000xi32, #tpu.memory_space<vmem_shared>>) dst(%dma_wait3A_595 : memref<200xi32, #tpu.memory_space<vmem>>)
    %dma_start3A_600 = arith.constant 1600 : i32
    %dma_start3A_601 = tpu.memref_slice %arg10[%dma_start3A_600] : memref<3200xi32, #tpu.memory_space<vmem>> -> memref<200xi32, #tpu.memory_space<vmem>>
    %dma_start3A_602 = arith.constant 1600 : i32
    %dma_start3A_603 = tpu.memref_slice %arg9[%dma_start3A_602] : memref<3200xi32, #tpu.memory_space<vmem>> -> memref<200xi32, #tpu.memory_space<vmem>>
    %dma_start3A_604 = arith.constant 0 : i32
    %dma_start3A_605 = tpu.memref_slice %arg7[%dma_start3A_604] : memref<25000xi32, #tpu.memory_space<vmem_shared>> -> memref<25000xi32, #tpu.memory_space<vmem_shared>>
    tpu.enqueue_indirect_dma source(%dma_start3A_605 : memref<25000xi32, #tpu.memory_space<vmem_shared>>) target(%dma_start3A_601 : memref<200xi32, #tpu.memory_space<vmem>>) offsets(%dma_start3A_603 : memref<200xi32, #tpu.memory_space<vmem>>) semaphore(%arg15 : memref<!tpu.dma_semaphore, #tpu.memory_space<semaphore_mem>>)
    %add3A_606 = arith.constant 160 : i32
    %add3A_607 = arith.addi %add3A, %add3A_606 : i32
    %mul3A_608 = arith.constant 200 : i32
    %mul3A_609 = arith.muli %add3A_607, %mul3A_608 : i32
    %dma_wait3A_610 = arith.constant 0 : i32
    %dma_wait3A_611 = tpu.memref_slice %arg5[%mul3A_609, %dma_wait3A_610] : memref<100000x128xf32, #tpu.memory_space<hbm>> -> memref<200x128xf32, #tpu.memory_space<hbm>>
    %dma_wait3A_612 = arith.constant 0 : i32
    %dma_wait3A_613 = tpu.memref_slice %arg5[%mul3A_609, %dma_wait3A_612] : memref<100000x128xf32, #tpu.memory_space<hbm>> -> memref<200x128xf32, #tpu.memory_space<hbm>>
    tpu.wait_dma2 semaphore(%arg19 : memref<!tpu.dma_semaphore, #tpu.memory_space<semaphore_mem>>) src(%arg12 : memref<200x128xf32, #tpu.memory_space<vmem>>) dst(%dma_wait3A_613 : memref<200x128xf32, #tpu.memory_space<hbm>>)
    %dma_start3A_614 = arith.constant 1400 : i32
    %dma_start3A_615 = tpu.memref_slice %arg10[%dma_start3A_614] : memref<3200xi32, #tpu.memory_space<vmem>> -> memref<200xi32, #tpu.memory_space<vmem>>
    %dma_start3A_616 = arith.constant 0 : i32
    %dma_start3A_617 = arith.constant 0 : i32
    %dma_start3A_618 = tpu.memref_slice %arg6[%dma_start3A_616, %dma_start3A_617] : memref<6256x128xf32, #tpu.memory_space<vmem_shared>> -> memref<6256x128xf32, #tpu.memory_space<vmem_shared>>
    tpu.enqueue_indirect_dma source(%dma_start3A_618 : memref<6256x128xf32, #tpu.memory_space<vmem_shared>>) target(%arg12 : memref<200x128xf32, #tpu.memory_space<vmem>>) offsets(%dma_start3A_615 : memref<200xi32, #tpu.memory_space<vmem>>) semaphore(%arg17 : memref<!tpu.dma_semaphore, #tpu.memory_space<semaphore_mem>>)
    %dma_wait3A_619 = arith.constant 1200 : i32
    %dma_wait3A_620 = tpu.memref_slice %arg10[%dma_wait3A_619] : memref<3200xi32, #tpu.memory_space<vmem>> -> memref<200xi32, #tpu.memory_space<vmem>>
    %dma_wait3A_621 = arith.constant 0 : i32
    %dma_wait3A_622 = arith.constant 0 : i32
    %dma_wait3A_623 = tpu.memref_slice %arg6[%dma_wait3A_621, %dma_wait3A_622] : memref<6256x128xf32, #tpu.memory_space<vmem_shared>> -> memref<6256x128xf32, #tpu.memory_space<vmem_shared>>
    tpu.wait_indirect_dma semaphore(%arg16 : memref<!tpu.dma_semaphore, #tpu.memory_space<semaphore_mem>>) src(%dma_wait3A_623 : memref<6256x128xf32, #tpu.memory_space<vmem_shared>>) dst(%arg11 : memref<200x128xf32, #tpu.memory_space<vmem>>)
    %add3A_624 = arith.constant 192 : i32
    %add3A_625 = arith.addi %add3A, %add3A_624 : i32
    %mul3A_626 = arith.constant 200 : i32
    %mul3A_627 = arith.muli %add3A_625, %mul3A_626 : i32
    %dma_start3A_628 = arith.constant 0 : i32
    %dma_start3A_629 = tpu.memref_slice %arg5[%mul3A_627, %dma_start3A_628] : memref<100000x128xf32, #tpu.memory_space<hbm>> -> memref<200x128xf32, #tpu.memory_space<hbm>>
    %dma_start3A_630 = arith.constant 0 : i32
    %dma_start3A_631 = tpu.memref_slice %arg5[%mul3A_627, %dma_start3A_630] : memref<100000x128xf32, #tpu.memory_space<hbm>> -> memref<200x128xf32, #tpu.memory_space<hbm>>
    tpu.enqueue_dma source(%arg11 : memref<200x128xf32, #tpu.memory_space<vmem>>) target(%dma_start3A_631 : memref<200x128xf32, #tpu.memory_space<hbm>>) target_semaphore(%arg18 : memref<!tpu.dma_semaphore, #tpu.memory_space<semaphore_mem>>)
    %dma_wait3A_632 = arith.constant 1600 : i32
    %dma_wait3A_633 = tpu.memref_slice %arg10[%dma_wait3A_632] : memref<3200xi32, #tpu.memory_space<vmem>> -> memref<200xi32, #tpu.memory_space<vmem>>
    %dma_wait3A_634 = arith.constant 1600 : i32
    %dma_wait3A_635 = tpu.memref_slice %arg9[%dma_wait3A_634] : memref<3200xi32, #tpu.memory_space<vmem>> -> memref<200xi32, #tpu.memory_space<vmem>>
    %dma_wait3A_636 = arith.constant 0 : i32
    %dma_wait3A_637 = tpu.memref_slice %arg7[%dma_wait3A_636] : memref<25000xi32, #tpu.memory_space<vmem_shared>> -> memref<25000xi32, #tpu.memory_space<vmem_shared>>
    tpu.wait_indirect_dma semaphore(%arg15 : memref<!tpu.dma_semaphore, #tpu.memory_space<semaphore_mem>>) src(%dma_wait3A_637 : memref<25000xi32, #tpu.memory_space<vmem_shared>>) dst(%dma_wait3A_633 : memref<200xi32, #tpu.memory_space<vmem>>)
    %dma_start3A_638 = arith.constant 1800 : i32
    %dma_start3A_639 = tpu.memref_slice %arg10[%dma_start3A_638] : memref<3200xi32, #tpu.memory_space<vmem>> -> memref<200xi32, #tpu.memory_space<vmem>>
    %dma_start3A_640 = arith.constant 1800 : i32
    %dma_start3A_641 = tpu.memref_slice %arg9[%dma_start3A_640] : memref<3200xi32, #tpu.memory_space<vmem>> -> memref<200xi32, #tpu.memory_space<vmem>>
    %dma_start3A_642 = arith.constant 0 : i32
    %dma_start3A_643 = tpu.memref_slice %arg7[%dma_start3A_642] : memref<25000xi32, #tpu.memory_space<vmem_shared>> -> memref<25000xi32, #tpu.memory_space<vmem_shared>>
    tpu.enqueue_indirect_dma source(%dma_start3A_643 : memref<25000xi32, #tpu.memory_space<vmem_shared>>) target(%dma_start3A_639 : memref<200xi32, #tpu.memory_space<vmem>>) offsets(%dma_start3A_641 : memref<200xi32, #tpu.memory_space<vmem>>) semaphore(%arg15 : memref<!tpu.dma_semaphore, #tpu.memory_space<semaphore_mem>>)
    %add3A_644 = arith.constant 192 : i32
    %add3A_645 = arith.addi %add3A, %add3A_644 : i32
    %mul3A_646 = arith.constant 200 : i32
    %mul3A_647 = arith.muli %add3A_645, %mul3A_646 : i32
    %dma_wait3A_648 = arith.constant 0 : i32
    %dma_wait3A_649 = tpu.memref_slice %arg5[%mul3A_647, %dma_wait3A_648] : memref<100000x128xf32, #tpu.memory_space<hbm>> -> memref<200x128xf32, #tpu.memory_space<hbm>>
    %dma_wait3A_650 = arith.constant 0 : i32
    %dma_wait3A_651 = tpu.memref_slice %arg5[%mul3A_647, %dma_wait3A_650] : memref<100000x128xf32, #tpu.memory_space<hbm>> -> memref<200x128xf32, #tpu.memory_space<hbm>>
    tpu.wait_dma2 semaphore(%arg18 : memref<!tpu.dma_semaphore, #tpu.memory_space<semaphore_mem>>) src(%arg11 : memref<200x128xf32, #tpu.memory_space<vmem>>) dst(%dma_wait3A_651 : memref<200x128xf32, #tpu.memory_space<hbm>>)
    %dma_start3A_652 = arith.constant 1600 : i32
    %dma_start3A_653 = tpu.memref_slice %arg10[%dma_start3A_652] : memref<3200xi32, #tpu.memory_space<vmem>> -> memref<200xi32, #tpu.memory_space<vmem>>
    %dma_start3A_654 = arith.constant 0 : i32
    %dma_start3A_655 = arith.constant 0 : i32
    %dma_start3A_656 = tpu.memref_slice %arg6[%dma_start3A_654, %dma_start3A_655] : memref<6256x128xf32, #tpu.memory_space<vmem_shared>> -> memref<6256x128xf32, #tpu.memory_space<vmem_shared>>
    tpu.enqueue_indirect_dma source(%dma_start3A_656 : memref<6256x128xf32, #tpu.memory_space<vmem_shared>>) target(%arg11 : memref<200x128xf32, #tpu.memory_space<vmem>>) offsets(%dma_start3A_653 : memref<200xi32, #tpu.memory_space<vmem>>) semaphore(%arg16 : memref<!tpu.dma_semaphore, #tpu.memory_space<semaphore_mem>>)
    %dma_wait3A_657 = arith.constant 1400 : i32
    %dma_wait3A_658 = tpu.memref_slice %arg10[%dma_wait3A_657] : memref<3200xi32, #tpu.memory_space<vmem>> -> memref<200xi32, #tpu.memory_space<vmem>>
    %dma_wait3A_659 = arith.constant 0 : i32
    %dma_wait3A_660 = arith.constant 0 : i32
    %dma_wait3A_661 = tpu.memref_slice %arg6[%dma_wait3A_659, %dma_wait3A_660] : memref<6256x128xf32, #tpu.memory_space<vmem_shared>> -> memref<6256x128xf32, #tpu.memory_space<vmem_shared>>
    tpu.wait_indirect_dma semaphore(%arg17 : memref<!tpu.dma_semaphore, #tpu.memory_space<semaphore_mem>>) src(%dma_wait3A_661 : memref<6256x128xf32, #tpu.memory_space<vmem_shared>>) dst(%arg12 : memref<200x128xf32, #tpu.memory_space<vmem>>)
    %add3A_662 = arith.constant 224 : i32
    %add3A_663 = arith.addi %add3A, %add3A_662 : i32
    %mul3A_664 = arith.constant 200 : i32
    %mul3A_665 = arith.muli %add3A_663, %mul3A_664 : i32
    %dma_start3A_666 = arith.constant 0 : i32
    %dma_start3A_667 = tpu.memref_slice %arg5[%mul3A_665, %dma_start3A_666] : memref<100000x128xf32, #tpu.memory_space<hbm>> -> memref<200x128xf32, #tpu.memory_space<hbm>>
    %dma_start3A_668 = arith.constant 0 : i32
    %dma_start3A_669 = tpu.memref_slice %arg5[%mul3A_665, %dma_start3A_668] : memref<100000x128xf32, #tpu.memory_space<hbm>> -> memref<200x128xf32, #tpu.memory_space<hbm>>
    tpu.enqueue_dma source(%arg12 : memref<200x128xf32, #tpu.memory_space<vmem>>) target(%dma_start3A_669 : memref<200x128xf32, #tpu.memory_space<hbm>>) target_semaphore(%arg19 : memref<!tpu.dma_semaphore, #tpu.memory_space<semaphore_mem>>)
    %dma_wait3A_670 = arith.constant 1800 : i32
    %dma_wait3A_671 = tpu.memref_slice %arg10[%dma_wait3A_670] : memref<3200xi32, #tpu.memory_space<vmem>> -> memref<200xi32, #tpu.memory_space<vmem>>
    %dma_wait3A_672 = arith.constant 1800 : i32
    %dma_wait3A_673 = tpu.memref_slice %arg9[%dma_wait3A_672] : memref<3200xi32, #tpu.memory_space<vmem>> -> memref<200xi32, #tpu.memory_space<vmem>>
    %dma_wait3A_674 = arith.constant 0 : i32
    %dma_wait3A_675 = tpu.memref_slice %arg7[%dma_wait3A_674] : memref<25000xi32, #tpu.memory_space<vmem_shared>> -> memref<25000xi32, #tpu.memory_space<vmem_shared>>
    tpu.wait_indirect_dma semaphore(%arg15 : memref<!tpu.dma_semaphore, #tpu.memory_space<semaphore_mem>>) src(%dma_wait3A_675 : memref<25000xi32, #tpu.memory_space<vmem_shared>>) dst(%dma_wait3A_671 : memref<200xi32, #tpu.memory_space<vmem>>)
    %dma_start3A_676 = arith.constant 2000 : i32
    %dma_start3A_677 = tpu.memref_slice %arg10[%dma_start3A_676] : memref<3200xi32, #tpu.memory_space<vmem>> -> memref<200xi32, #tpu.memory_space<vmem>>
    %dma_start3A_678 = arith.constant 2000 : i32
    %dma_start3A_679 = tpu.memref_slice %arg9[%dma_start3A_678] : memref<3200xi32, #tpu.memory_space<vmem>> -> memref<200xi32, #tpu.memory_space<vmem>>
    %dma_start3A_680 = arith.constant 0 : i32
    %dma_start3A_681 = tpu.memref_slice %arg7[%dma_start3A_680] : memref<25000xi32, #tpu.memory_space<vmem_shared>> -> memref<25000xi32, #tpu.memory_space<vmem_shared>>
    tpu.enqueue_indirect_dma source(%dma_start3A_681 : memref<25000xi32, #tpu.memory_space<vmem_shared>>) target(%dma_start3A_677 : memref<200xi32, #tpu.memory_space<vmem>>) offsets(%dma_start3A_679 : memref<200xi32, #tpu.memory_space<vmem>>) semaphore(%arg15 : memref<!tpu.dma_semaphore, #tpu.memory_space<semaphore_mem>>)
    %add3A_682 = arith.constant 224 : i32
    %add3A_683 = arith.addi %add3A, %add3A_682 : i32
    %mul3A_684 = arith.constant 200 : i32
    %mul3A_685 = arith.muli %add3A_683, %mul3A_684 : i32
    %dma_wait3A_686 = arith.constant 0 : i32
    %dma_wait3A_687 = tpu.memref_slice %arg5[%mul3A_685, %dma_wait3A_686] : memref<100000x128xf32, #tpu.memory_space<hbm>> -> memref<200x128xf32, #tpu.memory_space<hbm>>
    %dma_wait3A_688 = arith.constant 0 : i32
    %dma_wait3A_689 = tpu.memref_slice %arg5[%mul3A_685, %dma_wait3A_688] : memref<100000x128xf32, #tpu.memory_space<hbm>> -> memref<200x128xf32, #tpu.memory_space<hbm>>
    tpu.wait_dma2 semaphore(%arg19 : memref<!tpu.dma_semaphore, #tpu.memory_space<semaphore_mem>>) src(%arg12 : memref<200x128xf32, #tpu.memory_space<vmem>>) dst(%dma_wait3A_689 : memref<200x128xf32, #tpu.memory_space<hbm>>)
    %dma_start3A_690 = arith.constant 1800 : i32
    %dma_start3A_691 = tpu.memref_slice %arg10[%dma_start3A_690] : memref<3200xi32, #tpu.memory_space<vmem>> -> memref<200xi32, #tpu.memory_space<vmem>>
    %dma_start3A_692 = arith.constant 0 : i32
    %dma_start3A_693 = arith.constant 0 : i32
    %dma_start3A_694 = tpu.memref_slice %arg6[%dma_start3A_692, %dma_start3A_693] : memref<6256x128xf32, #tpu.memory_space<vmem_shared>> -> memref<6256x128xf32, #tpu.memory_space<vmem_shared>>
    tpu.enqueue_indirect_dma source(%dma_start3A_694 : memref<6256x128xf32, #tpu.memory_space<vmem_shared>>) target(%arg12 : memref<200x128xf32, #tpu.memory_space<vmem>>) offsets(%dma_start3A_691 : memref<200xi32, #tpu.memory_space<vmem>>) semaphore(%arg17 : memref<!tpu.dma_semaphore, #tpu.memory_space<semaphore_mem>>)
    %dma_wait3A_695 = arith.constant 1600 : i32
    %dma_wait3A_696 = tpu.memref_slice %arg10[%dma_wait3A_695] : memref<3200xi32, #tpu.memory_space<vmem>> -> memref<200xi32, #tpu.memory_space<vmem>>
    %dma_wait3A_697 = arith.constant 0 : i32
    %dma_wait3A_698 = arith.constant 0 : i32
    %dma_wait3A_699 = tpu.memref_slice %arg6[%dma_wait3A_697, %dma_wait3A_698] : memref<6256x128xf32, #tpu.memory_space<vmem_shared>> -> memref<6256x128xf32, #tpu.memory_space<vmem_shared>>
    tpu.wait_indirect_dma semaphore(%arg16 : memref<!tpu.dma_semaphore, #tpu.memory_space<semaphore_mem>>) src(%dma_wait3A_699 : memref<6256x128xf32, #tpu.memory_space<vmem_shared>>) dst(%arg11 : memref<200x128xf32, #tpu.memory_space<vmem>>)
    %add3A_700 = arith.constant 256 : i32
    %add3A_701 = arith.addi %add3A, %add3A_700 : i32
    %mul3A_702 = arith.constant 200 : i32
    %mul3A_703 = arith.muli %add3A_701, %mul3A_702 : i32
    %dma_start3A_704 = arith.constant 0 : i32
    %dma_start3A_705 = tpu.memref_slice %arg5[%mul3A_703, %dma_start3A_704] : memref<100000x128xf32, #tpu.memory_space<hbm>> -> memref<200x128xf32, #tpu.memory_space<hbm>>
    %dma_start3A_706 = arith.constant 0 : i32
    %dma_start3A_707 = tpu.memref_slice %arg5[%mul3A_703, %dma_start3A_706] : memref<100000x128xf32, #tpu.memory_space<hbm>> -> memref<200x128xf32, #tpu.memory_space<hbm>>
    tpu.enqueue_dma source(%arg11 : memref<200x128xf32, #tpu.memory_space<vmem>>) target(%dma_start3A_707 : memref<200x128xf32, #tpu.memory_space<hbm>>) target_semaphore(%arg18 : memref<!tpu.dma_semaphore, #tpu.memory_space<semaphore_mem>>)
    %dma_wait3A_708 = arith.constant 2000 : i32
    %dma_wait3A_709 = tpu.memref_slice %arg10[%dma_wait3A_708] : memref<3200xi32, #tpu.memory_space<vmem>> -> memref<200xi32, #tpu.memory_space<vmem>>
    %dma_wait3A_710 = arith.constant 2000 : i32
    %dma_wait3A_711 = tpu.memref_slice %arg9[%dma_wait3A_710] : memref<3200xi32, #tpu.memory_space<vmem>> -> memref<200xi32, #tpu.memory_space<vmem>>
    %dma_wait3A_712 = arith.constant 0 : i32
    %dma_wait3A_713 = tpu.memref_slice %arg7[%dma_wait3A_712] : memref<25000xi32, #tpu.memory_space<vmem_shared>> -> memref<25000xi32, #tpu.memory_space<vmem_shared>>
    tpu.wait_indirect_dma semaphore(%arg15 : memref<!tpu.dma_semaphore, #tpu.memory_space<semaphore_mem>>) src(%dma_wait3A_713 : memref<25000xi32, #tpu.memory_space<vmem_shared>>) dst(%dma_wait3A_709 : memref<200xi32, #tpu.memory_space<vmem>>)
    %dma_start3A_714 = arith.constant 2200 : i32
    %dma_start3A_715 = tpu.memref_slice %arg10[%dma_start3A_714] : memref<3200xi32, #tpu.memory_space<vmem>> -> memref<200xi32, #tpu.memory_space<vmem>>
    %dma_start3A_716 = arith.constant 2200 : i32
    %dma_start3A_717 = tpu.memref_slice %arg9[%dma_start3A_716] : memref<3200xi32, #tpu.memory_space<vmem>> -> memref<200xi32, #tpu.memory_space<vmem>>
    %dma_start3A_718 = arith.constant 0 : i32
    %dma_start3A_719 = tpu.memref_slice %arg7[%dma_start3A_718] : memref<25000xi32, #tpu.memory_space<vmem_shared>> -> memref<25000xi32, #tpu.memory_space<vmem_shared>>
    tpu.enqueue_indirect_dma source(%dma_start3A_719 : memref<25000xi32, #tpu.memory_space<vmem_shared>>) target(%dma_start3A_715 : memref<200xi32, #tpu.memory_space<vmem>>) offsets(%dma_start3A_717 : memref<200xi32, #tpu.memory_space<vmem>>) semaphore(%arg15 : memref<!tpu.dma_semaphore, #tpu.memory_space<semaphore_mem>>)
    %add3A_720 = arith.constant 256 : i32
    %add3A_721 = arith.addi %add3A, %add3A_720 : i32
    %mul3A_722 = arith.constant 200 : i32
    %mul3A_723 = arith.muli %add3A_721, %mul3A_722 : i32
    %dma_wait3A_724 = arith.constant 0 : i32
    %dma_wait3A_725 = tpu.memref_slice %arg5[%mul3A_723, %dma_wait3A_724] : memref<100000x128xf32, #tpu.memory_space<hbm>> -> memref<200x128xf32, #tpu.memory_space<hbm>>
    %dma_wait3A_726 = arith.constant 0 : i32
    %dma_wait3A_727 = tpu.memref_slice %arg5[%mul3A_723, %dma_wait3A_726] : memref<100000x128xf32, #tpu.memory_space<hbm>> -> memref<200x128xf32, #tpu.memory_space<hbm>>
    tpu.wait_dma2 semaphore(%arg18 : memref<!tpu.dma_semaphore, #tpu.memory_space<semaphore_mem>>) src(%arg11 : memref<200x128xf32, #tpu.memory_space<vmem>>) dst(%dma_wait3A_727 : memref<200x128xf32, #tpu.memory_space<hbm>>)
    %dma_start3A_728 = arith.constant 2000 : i32
    %dma_start3A_729 = tpu.memref_slice %arg10[%dma_start3A_728] : memref<3200xi32, #tpu.memory_space<vmem>> -> memref<200xi32, #tpu.memory_space<vmem>>
    %dma_start3A_730 = arith.constant 0 : i32
    %dma_start3A_731 = arith.constant 0 : i32
    %dma_start3A_732 = tpu.memref_slice %arg6[%dma_start3A_730, %dma_start3A_731] : memref<6256x128xf32, #tpu.memory_space<vmem_shared>> -> memref<6256x128xf32, #tpu.memory_space<vmem_shared>>
    tpu.enqueue_indirect_dma source(%dma_start3A_732 : memref<6256x128xf32, #tpu.memory_space<vmem_shared>>) target(%arg11 : memref<200x128xf32, #tpu.memory_space<vmem>>) offsets(%dma_start3A_729 : memref<200xi32, #tpu.memory_space<vmem>>) semaphore(%arg16 : memref<!tpu.dma_semaphore, #tpu.memory_space<semaphore_mem>>)
    %dma_wait3A_733 = arith.constant 1800 : i32
    %dma_wait3A_734 = tpu.memref_slice %arg10[%dma_wait3A_733] : memref<3200xi32, #tpu.memory_space<vmem>> -> memref<200xi32, #tpu.memory_space<vmem>>
    %dma_wait3A_735 = arith.constant 0 : i32
    %dma_wait3A_736 = arith.constant 0 : i32
    %dma_wait3A_737 = tpu.memref_slice %arg6[%dma_wait3A_735, %dma_wait3A_736] : memref<6256x128xf32, #tpu.memory_space<vmem_shared>> -> memref<6256x128xf32, #tpu.memory_space<vmem_shared>>
    tpu.wait_indirect_dma semaphore(%arg17 : memref<!tpu.dma_semaphore, #tpu.memory_space<semaphore_mem>>) src(%dma_wait3A_737 : memref<6256x128xf32, #tpu.memory_space<vmem_shared>>) dst(%arg12 : memref<200x128xf32, #tpu.memory_space<vmem>>)
    %add3A_738 = arith.constant 288 : i32
    %add3A_739 = arith.addi %add3A, %add3A_738 : i32
    %mul3A_740 = arith.constant 200 : i32
    %mul3A_741 = arith.muli %add3A_739, %mul3A_740 : i32
    %dma_start3A_742 = arith.constant 0 : i32
    %dma_start3A_743 = tpu.memref_slice %arg5[%mul3A_741, %dma_start3A_742] : memref<100000x128xf32, #tpu.memory_space<hbm>> -> memref<200x128xf32, #tpu.memory_space<hbm>>
    %dma_start3A_744 = arith.constant 0 : i32
    %dma_start3A_745 = tpu.memref_slice %arg5[%mul3A_741, %dma_start3A_744] : memref<100000x128xf32, #tpu.memory_space<hbm>> -> memref<200x128xf32, #tpu.memory_space<hbm>>
    tpu.enqueue_dma source(%arg12 : memref<200x128xf32, #tpu.memory_space<vmem>>) target(%dma_start3A_745 : memref<200x128xf32, #tpu.memory_space<hbm>>) target_semaphore(%arg19 : memref<!tpu.dma_semaphore, #tpu.memory_space<semaphore_mem>>)
    %dma_wait3A_746 = arith.constant 2200 : i32
    %dma_wait3A_747 = tpu.memref_slice %arg10[%dma_wait3A_746] : memref<3200xi32, #tpu.memory_space<vmem>> -> memref<200xi32, #tpu.memory_space<vmem>>
    %dma_wait3A_748 = arith.constant 2200 : i32
    %dma_wait3A_749 = tpu.memref_slice %arg9[%dma_wait3A_748] : memref<3200xi32, #tpu.memory_space<vmem>> -> memref<200xi32, #tpu.memory_space<vmem>>
    %dma_wait3A_750 = arith.constant 0 : i32
    %dma_wait3A_751 = tpu.memref_slice %arg7[%dma_wait3A_750] : memref<25000xi32, #tpu.memory_space<vmem_shared>> -> memref<25000xi32, #tpu.memory_space<vmem_shared>>
    tpu.wait_indirect_dma semaphore(%arg15 : memref<!tpu.dma_semaphore, #tpu.memory_space<semaphore_mem>>) src(%dma_wait3A_751 : memref<25000xi32, #tpu.memory_space<vmem_shared>>) dst(%dma_wait3A_747 : memref<200xi32, #tpu.memory_space<vmem>>)
    %dma_start3A_752 = arith.constant 2400 : i32
    %dma_start3A_753 = tpu.memref_slice %arg10[%dma_start3A_752] : memref<3200xi32, #tpu.memory_space<vmem>> -> memref<200xi32, #tpu.memory_space<vmem>>
    %dma_start3A_754 = arith.constant 2400 : i32
    %dma_start3A_755 = tpu.memref_slice %arg9[%dma_start3A_754] : memref<3200xi32, #tpu.memory_space<vmem>> -> memref<200xi32, #tpu.memory_space<vmem>>
    %dma_start3A_756 = arith.constant 0 : i32
    %dma_start3A_757 = tpu.memref_slice %arg7[%dma_start3A_756] : memref<25000xi32, #tpu.memory_space<vmem_shared>> -> memref<25000xi32, #tpu.memory_space<vmem_shared>>
    tpu.enqueue_indirect_dma source(%dma_start3A_757 : memref<25000xi32, #tpu.memory_space<vmem_shared>>) target(%dma_start3A_753 : memref<200xi32, #tpu.memory_space<vmem>>) offsets(%dma_start3A_755 : memref<200xi32, #tpu.memory_space<vmem>>) semaphore(%arg15 : memref<!tpu.dma_semaphore, #tpu.memory_space<semaphore_mem>>)
    %add3A_758 = arith.constant 288 : i32
    %add3A_759 = arith.addi %add3A, %add3A_758 : i32
    %mul3A_760 = arith.constant 200 : i32
    %mul3A_761 = arith.muli %add3A_759, %mul3A_760 : i32
    %dma_wait3A_762 = arith.constant 0 : i32
    %dma_wait3A_763 = tpu.memref_slice %arg5[%mul3A_761, %dma_wait3A_762] : memref<100000x128xf32, #tpu.memory_space<hbm>> -> memref<200x128xf32, #tpu.memory_space<hbm>>
    %dma_wait3A_764 = arith.constant 0 : i32
    %dma_wait3A_765 = tpu.memref_slice %arg5[%mul3A_761, %dma_wait3A_764] : memref<100000x128xf32, #tpu.memory_space<hbm>> -> memref<200x128xf32, #tpu.memory_space<hbm>>
    tpu.wait_dma2 semaphore(%arg19 : memref<!tpu.dma_semaphore, #tpu.memory_space<semaphore_mem>>) src(%arg12 : memref<200x128xf32, #tpu.memory_space<vmem>>) dst(%dma_wait3A_765 : memref<200x128xf32, #tpu.memory_space<hbm>>)
    %dma_start3A_766 = arith.constant 2200 : i32
    %dma_start3A_767 = tpu.memref_slice %arg10[%dma_start3A_766] : memref<3200xi32, #tpu.memory_space<vmem>> -> memref<200xi32, #tpu.memory_space<vmem>>
    %dma_start3A_768 = arith.constant 0 : i32
    %dma_start3A_769 = arith.constant 0 : i32
    %dma_start3A_770 = tpu.memref_slice %arg6[%dma_start3A_768, %dma_start3A_769] : memref<6256x128xf32, #tpu.memory_space<vmem_shared>> -> memref<6256x128xf32, #tpu.memory_space<vmem_shared>>
    tpu.enqueue_indirect_dma source(%dma_start3A_770 : memref<6256x128xf32, #tpu.memory_space<vmem_shared>>) target(%arg12 : memref<200x128xf32, #tpu.memory_space<vmem>>) offsets(%dma_start3A_767 : memref<200xi32, #tpu.memory_space<vmem>>) semaphore(%arg17 : memref<!tpu.dma_semaphore, #tpu.memory_space<semaphore_mem>>)
    %dma_wait3A_771 = arith.constant 2000 : i32
    %dma_wait3A_772 = tpu.memref_slice %arg10[%dma_wait3A_771] : memref<3200xi32, #tpu.memory_space<vmem>> -> memref<200xi32, #tpu.memory_space<vmem>>
    %dma_wait3A_773 = arith.constant 0 : i32
    %dma_wait3A_774 = arith.constant 0 : i32
    %dma_wait3A_775 = tpu.memref_slice %arg6[%dma_wait3A_773, %dma_wait3A_774] : memref<6256x128xf32, #tpu.memory_space<vmem_shared>> -> memref<6256x128xf32, #tpu.memory_space<vmem_shared>>
    tpu.wait_indirect_dma semaphore(%arg16 : memref<!tpu.dma_semaphore, #tpu.memory_space<semaphore_mem>>) src(%dma_wait3A_775 : memref<6256x128xf32, #tpu.memory_space<vmem_shared>>) dst(%arg11 : memref<200x128xf32, #tpu.memory_space<vmem>>)
    %add3A_776 = arith.constant 320 : i32
    %add3A_777 = arith.addi %add3A, %add3A_776 : i32
    %mul3A_778 = arith.constant 200 : i32
    %mul3A_779 = arith.muli %add3A_777, %mul3A_778 : i32
    %dma_start3A_780 = arith.constant 0 : i32
    %dma_start3A_781 = tpu.memref_slice %arg5[%mul3A_779, %dma_start3A_780] : memref<100000x128xf32, #tpu.memory_space<hbm>> -> memref<200x128xf32, #tpu.memory_space<hbm>>
    %dma_start3A_782 = arith.constant 0 : i32
    %dma_start3A_783 = tpu.memref_slice %arg5[%mul3A_779, %dma_start3A_782] : memref<100000x128xf32, #tpu.memory_space<hbm>> -> memref<200x128xf32, #tpu.memory_space<hbm>>
    tpu.enqueue_dma source(%arg11 : memref<200x128xf32, #tpu.memory_space<vmem>>) target(%dma_start3A_783 : memref<200x128xf32, #tpu.memory_space<hbm>>) target_semaphore(%arg18 : memref<!tpu.dma_semaphore, #tpu.memory_space<semaphore_mem>>)
    %dma_wait3A_784 = arith.constant 2400 : i32
    %dma_wait3A_785 = tpu.memref_slice %arg10[%dma_wait3A_784] : memref<3200xi32, #tpu.memory_space<vmem>> -> memref<200xi32, #tpu.memory_space<vmem>>
    %dma_wait3A_786 = arith.constant 2400 : i32
    %dma_wait3A_787 = tpu.memref_slice %arg9[%dma_wait3A_786] : memref<3200xi32, #tpu.memory_space<vmem>> -> memref<200xi32, #tpu.memory_space<vmem>>
    %dma_wait3A_788 = arith.constant 0 : i32
    %dma_wait3A_789 = tpu.memref_slice %arg7[%dma_wait3A_788] : memref<25000xi32, #tpu.memory_space<vmem_shared>> -> memref<25000xi32, #tpu.memory_space<vmem_shared>>
    tpu.wait_indirect_dma semaphore(%arg15 : memref<!tpu.dma_semaphore, #tpu.memory_space<semaphore_mem>>) src(%dma_wait3A_789 : memref<25000xi32, #tpu.memory_space<vmem_shared>>) dst(%dma_wait3A_785 : memref<200xi32, #tpu.memory_space<vmem>>)
    %dma_start3A_790 = arith.constant 2600 : i32
    %dma_start3A_791 = tpu.memref_slice %arg10[%dma_start3A_790] : memref<3200xi32, #tpu.memory_space<vmem>> -> memref<200xi32, #tpu.memory_space<vmem>>
    %dma_start3A_792 = arith.constant 2600 : i32
    %dma_start3A_793 = tpu.memref_slice %arg9[%dma_start3A_792] : memref<3200xi32, #tpu.memory_space<vmem>> -> memref<200xi32, #tpu.memory_space<vmem>>
    %dma_start3A_794 = arith.constant 0 : i32
    %dma_start3A_795 = tpu.memref_slice %arg7[%dma_start3A_794] : memref<25000xi32, #tpu.memory_space<vmem_shared>> -> memref<25000xi32, #tpu.memory_space<vmem_shared>>
    tpu.enqueue_indirect_dma source(%dma_start3A_795 : memref<25000xi32, #tpu.memory_space<vmem_shared>>) target(%dma_start3A_791 : memref<200xi32, #tpu.memory_space<vmem>>) offsets(%dma_start3A_793 : memref<200xi32, #tpu.memory_space<vmem>>) semaphore(%arg15 : memref<!tpu.dma_semaphore, #tpu.memory_space<semaphore_mem>>)
    %add3A_796 = arith.constant 320 : i32
    %add3A_797 = arith.addi %add3A, %add3A_796 : i32
    %mul3A_798 = arith.constant 200 : i32
    %mul3A_799 = arith.muli %add3A_797, %mul3A_798 : i32
    %dma_wait3A_800 = arith.constant 0 : i32
    %dma_wait3A_801 = tpu.memref_slice %arg5[%mul3A_799, %dma_wait3A_800] : memref<100000x128xf32, #tpu.memory_space<hbm>> -> memref<200x128xf32, #tpu.memory_space<hbm>>
    %dma_wait3A_802 = arith.constant 0 : i32
    %dma_wait3A_803 = tpu.memref_slice %arg5[%mul3A_799, %dma_wait3A_802] : memref<100000x128xf32, #tpu.memory_space<hbm>> -> memref<200x128xf32, #tpu.memory_space<hbm>>
    tpu.wait_dma2 semaphore(%arg18 : memref<!tpu.dma_semaphore, #tpu.memory_space<semaphore_mem>>) src(%arg11 : memref<200x128xf32, #tpu.memory_space<vmem>>) dst(%dma_wait3A_803 : memref<200x128xf32, #tpu.memory_space<hbm>>)
    %dma_start3A_804 = arith.constant 2400 : i32
    %dma_start3A_805 = tpu.memref_slice %arg10[%dma_start3A_804] : memref<3200xi32, #tpu.memory_space<vmem>> -> memref<200xi32, #tpu.memory_space<vmem>>
    %dma_start3A_806 = arith.constant 0 : i32
    %dma_start3A_807 = arith.constant 0 : i32
    %dma_start3A_808 = tpu.memref_slice %arg6[%dma_start3A_806, %dma_start3A_807] : memref<6256x128xf32, #tpu.memory_space<vmem_shared>> -> memref<6256x128xf32, #tpu.memory_space<vmem_shared>>
    tpu.enqueue_indirect_dma source(%dma_start3A_808 : memref<6256x128xf32, #tpu.memory_space<vmem_shared>>) target(%arg11 : memref<200x128xf32, #tpu.memory_space<vmem>>) offsets(%dma_start3A_805 : memref<200xi32, #tpu.memory_space<vmem>>) semaphore(%arg16 : memref<!tpu.dma_semaphore, #tpu.memory_space<semaphore_mem>>)
    %dma_wait3A_809 = arith.constant 2200 : i32
    %dma_wait3A_810 = tpu.memref_slice %arg10[%dma_wait3A_809] : memref<3200xi32, #tpu.memory_space<vmem>> -> memref<200xi32, #tpu.memory_space<vmem>>
    %dma_wait3A_811 = arith.constant 0 : i32
    %dma_wait3A_812 = arith.constant 0 : i32
    %dma_wait3A_813 = tpu.memref_slice %arg6[%dma_wait3A_811, %dma_wait3A_812] : memref<6256x128xf32, #tpu.memory_space<vmem_shared>> -> memref<6256x128xf32, #tpu.memory_space<vmem_shared>>
    tpu.wait_indirect_dma semaphore(%arg17 : memref<!tpu.dma_semaphore, #tpu.memory_space<semaphore_mem>>) src(%dma_wait3A_813 : memref<6256x128xf32, #tpu.memory_space<vmem_shared>>) dst(%arg12 : memref<200x128xf32, #tpu.memory_space<vmem>>)
    %add3A_814 = arith.constant 352 : i32
    %add3A_815 = arith.addi %add3A, %add3A_814 : i32
    %mul3A_816 = arith.constant 200 : i32
    %mul3A_817 = arith.muli %add3A_815, %mul3A_816 : i32
    %dma_start3A_818 = arith.constant 0 : i32
    %dma_start3A_819 = tpu.memref_slice %arg5[%mul3A_817, %dma_start3A_818] : memref<100000x128xf32, #tpu.memory_space<hbm>> -> memref<200x128xf32, #tpu.memory_space<hbm>>
    %dma_start3A_820 = arith.constant 0 : i32
    %dma_start3A_821 = tpu.memref_slice %arg5[%mul3A_817, %dma_start3A_820] : memref<100000x128xf32, #tpu.memory_space<hbm>> -> memref<200x128xf32, #tpu.memory_space<hbm>>
    tpu.enqueue_dma source(%arg12 : memref<200x128xf32, #tpu.memory_space<vmem>>) target(%dma_start3A_821 : memref<200x128xf32, #tpu.memory_space<hbm>>) target_semaphore(%arg19 : memref<!tpu.dma_semaphore, #tpu.memory_space<semaphore_mem>>)
    %dma_wait3A_822 = arith.constant 2600 : i32
    %dma_wait3A_823 = tpu.memref_slice %arg10[%dma_wait3A_822] : memref<3200xi32, #tpu.memory_space<vmem>> -> memref<200xi32, #tpu.memory_space<vmem>>
    %dma_wait3A_824 = arith.constant 2600 : i32
    %dma_wait3A_825 = tpu.memref_slice %arg9[%dma_wait3A_824] : memref<3200xi32, #tpu.memory_space<vmem>> -> memref<200xi32, #tpu.memory_space<vmem>>
    %dma_wait3A_826 = arith.constant 0 : i32
    %dma_wait3A_827 = tpu.memref_slice %arg7[%dma_wait3A_826] : memref<25000xi32, #tpu.memory_space<vmem_shared>> -> memref<25000xi32, #tpu.memory_space<vmem_shared>>
    tpu.wait_indirect_dma semaphore(%arg15 : memref<!tpu.dma_semaphore, #tpu.memory_space<semaphore_mem>>) src(%dma_wait3A_827 : memref<25000xi32, #tpu.memory_space<vmem_shared>>) dst(%dma_wait3A_823 : memref<200xi32, #tpu.memory_space<vmem>>)
    %dma_start3A_828 = arith.constant 2800 : i32
    %dma_start3A_829 = tpu.memref_slice %arg10[%dma_start3A_828] : memref<3200xi32, #tpu.memory_space<vmem>> -> memref<200xi32, #tpu.memory_space<vmem>>
    %dma_start3A_830 = arith.constant 2800 : i32
    %dma_start3A_831 = tpu.memref_slice %arg9[%dma_start3A_830] : memref<3200xi32, #tpu.memory_space<vmem>> -> memref<200xi32, #tpu.memory_space<vmem>>
    %dma_start3A_832 = arith.constant 0 : i32
    %dma_start3A_833 = tpu.memref_slice %arg7[%dma_start3A_832] : memref<25000xi32, #tpu.memory_space<vmem_shared>> -> memref<25000xi32, #tpu.memory_space<vmem_shared>>
    tpu.enqueue_indirect_dma source(%dma_start3A_833 : memref<25000xi32, #tpu.memory_space<vmem_shared>>) target(%dma_start3A_829 : memref<200xi32, #tpu.memory_space<vmem>>) offsets(%dma_start3A_831 : memref<200xi32, #tpu.memory_space<vmem>>) semaphore(%arg15 : memref<!tpu.dma_semaphore, #tpu.memory_space<semaphore_mem>>)
    %add3A_834 = arith.constant 352 : i32
    %add3A_835 = arith.addi %add3A, %add3A_834 : i32
    %mul3A_836 = arith.constant 200 : i32
    %mul3A_837 = arith.muli %add3A_835, %mul3A_836 : i32
    %dma_wait3A_838 = arith.constant 0 : i32
    %dma_wait3A_839 = tpu.memref_slice %arg5[%mul3A_837, %dma_wait3A_838] : memref<100000x128xf32, #tpu.memory_space<hbm>> -> memref<200x128xf32, #tpu.memory_space<hbm>>
    %dma_wait3A_840 = arith.constant 0 : i32
    %dma_wait3A_841 = tpu.memref_slice %arg5[%mul3A_837, %dma_wait3A_840] : memref<100000x128xf32, #tpu.memory_space<hbm>> -> memref<200x128xf32, #tpu.memory_space<hbm>>
    tpu.wait_dma2 semaphore(%arg19 : memref<!tpu.dma_semaphore, #tpu.memory_space<semaphore_mem>>) src(%arg12 : memref<200x128xf32, #tpu.memory_space<vmem>>) dst(%dma_wait3A_841 : memref<200x128xf32, #tpu.memory_space<hbm>>)
    %dma_start3A_842 = arith.constant 2600 : i32
    %dma_start3A_843 = tpu.memref_slice %arg10[%dma_start3A_842] : memref<3200xi32, #tpu.memory_space<vmem>> -> memref<200xi32, #tpu.memory_space<vmem>>
    %dma_start3A_844 = arith.constant 0 : i32
    %dma_start3A_845 = arith.constant 0 : i32
    %dma_start3A_846 = tpu.memref_slice %arg6[%dma_start3A_844, %dma_start3A_845] : memref<6256x128xf32, #tpu.memory_space<vmem_shared>> -> memref<6256x128xf32, #tpu.memory_space<vmem_shared>>
    tpu.enqueue_indirect_dma source(%dma_start3A_846 : memref<6256x128xf32, #tpu.memory_space<vmem_shared>>) target(%arg12 : memref<200x128xf32, #tpu.memory_space<vmem>>) offsets(%dma_start3A_843 : memref<200xi32, #tpu.memory_space<vmem>>) semaphore(%arg17 : memref<!tpu.dma_semaphore, #tpu.memory_space<semaphore_mem>>)
    %dma_wait3A_847 = arith.constant 2400 : i32
    %dma_wait3A_848 = tpu.memref_slice %arg10[%dma_wait3A_847] : memref<3200xi32, #tpu.memory_space<vmem>> -> memref<200xi32, #tpu.memory_space<vmem>>
    %dma_wait3A_849 = arith.constant 0 : i32
    %dma_wait3A_850 = arith.constant 0 : i32
    %dma_wait3A_851 = tpu.memref_slice %arg6[%dma_wait3A_849, %dma_wait3A_850] : memref<6256x128xf32, #tpu.memory_space<vmem_shared>> -> memref<6256x128xf32, #tpu.memory_space<vmem_shared>>
    tpu.wait_indirect_dma semaphore(%arg16 : memref<!tpu.dma_semaphore, #tpu.memory_space<semaphore_mem>>) src(%dma_wait3A_851 : memref<6256x128xf32, #tpu.memory_space<vmem_shared>>) dst(%arg11 : memref<200x128xf32, #tpu.memory_space<vmem>>)
    %add3A_852 = arith.constant 384 : i32
    %add3A_853 = arith.addi %add3A, %add3A_852 : i32
    %mul3A_854 = arith.constant 200 : i32
    %mul3A_855 = arith.muli %add3A_853, %mul3A_854 : i32
    %dma_start3A_856 = arith.constant 0 : i32
    %dma_start3A_857 = tpu.memref_slice %arg5[%mul3A_855, %dma_start3A_856] : memref<100000x128xf32, #tpu.memory_space<hbm>> -> memref<200x128xf32, #tpu.memory_space<hbm>>
    %dma_start3A_858 = arith.constant 0 : i32
    %dma_start3A_859 = tpu.memref_slice %arg5[%mul3A_855, %dma_start3A_858] : memref<100000x128xf32, #tpu.memory_space<hbm>> -> memref<200x128xf32, #tpu.memory_space<hbm>>
    tpu.enqueue_dma source(%arg11 : memref<200x128xf32, #tpu.memory_space<vmem>>) target(%dma_start3A_859 : memref<200x128xf32, #tpu.memory_space<hbm>>) target_semaphore(%arg18 : memref<!tpu.dma_semaphore, #tpu.memory_space<semaphore_mem>>)
    %dma_wait3A_860 = arith.constant 2800 : i32
    %dma_wait3A_861 = tpu.memref_slice %arg10[%dma_wait3A_860] : memref<3200xi32, #tpu.memory_space<vmem>> -> memref<200xi32, #tpu.memory_space<vmem>>
    %dma_wait3A_862 = arith.constant 2800 : i32
    %dma_wait3A_863 = tpu.memref_slice %arg9[%dma_wait3A_862] : memref<3200xi32, #tpu.memory_space<vmem>> -> memref<200xi32, #tpu.memory_space<vmem>>
    %dma_wait3A_864 = arith.constant 0 : i32
    %dma_wait3A_865 = tpu.memref_slice %arg7[%dma_wait3A_864] : memref<25000xi32, #tpu.memory_space<vmem_shared>> -> memref<25000xi32, #tpu.memory_space<vmem_shared>>
    tpu.wait_indirect_dma semaphore(%arg15 : memref<!tpu.dma_semaphore, #tpu.memory_space<semaphore_mem>>) src(%dma_wait3A_865 : memref<25000xi32, #tpu.memory_space<vmem_shared>>) dst(%dma_wait3A_861 : memref<200xi32, #tpu.memory_space<vmem>>)
    %dma_start3A_866 = arith.constant 3000 : i32
    %dma_start3A_867 = tpu.memref_slice %arg10[%dma_start3A_866] : memref<3200xi32, #tpu.memory_space<vmem>> -> memref<200xi32, #tpu.memory_space<vmem>>
    %dma_start3A_868 = arith.constant 3000 : i32
    %dma_start3A_869 = tpu.memref_slice %arg9[%dma_start3A_868] : memref<3200xi32, #tpu.memory_space<vmem>> -> memref<200xi32, #tpu.memory_space<vmem>>
    %dma_start3A_870 = arith.constant 0 : i32
    %dma_start3A_871 = tpu.memref_slice %arg7[%dma_start3A_870] : memref<25000xi32, #tpu.memory_space<vmem_shared>> -> memref<25000xi32, #tpu.memory_space<vmem_shared>>
    tpu.enqueue_indirect_dma source(%dma_start3A_871 : memref<25000xi32, #tpu.memory_space<vmem_shared>>) target(%dma_start3A_867 : memref<200xi32, #tpu.memory_space<vmem>>) offsets(%dma_start3A_869 : memref<200xi32, #tpu.memory_space<vmem>>) semaphore(%arg15 : memref<!tpu.dma_semaphore, #tpu.memory_space<semaphore_mem>>)
    %add3A_872 = arith.constant 384 : i32
    %add3A_873 = arith.addi %add3A, %add3A_872 : i32
    %mul3A_874 = arith.constant 200 : i32
    %mul3A_875 = arith.muli %add3A_873, %mul3A_874 : i32
    %dma_wait3A_876 = arith.constant 0 : i32
    %dma_wait3A_877 = tpu.memref_slice %arg5[%mul3A_875, %dma_wait3A_876] : memref<100000x128xf32, #tpu.memory_space<hbm>> -> memref<200x128xf32, #tpu.memory_space<hbm>>
    %dma_wait3A_878 = arith.constant 0 : i32
    %dma_wait3A_879 = tpu.memref_slice %arg5[%mul3A_875, %dma_wait3A_878] : memref<100000x128xf32, #tpu.memory_space<hbm>> -> memref<200x128xf32, #tpu.memory_space<hbm>>
    tpu.wait_dma2 semaphore(%arg18 : memref<!tpu.dma_semaphore, #tpu.memory_space<semaphore_mem>>) src(%arg11 : memref<200x128xf32, #tpu.memory_space<vmem>>) dst(%dma_wait3A_879 : memref<200x128xf32, #tpu.memory_space<hbm>>)
    %dma_start3A_880 = arith.constant 2800 : i32
    %dma_start3A_881 = tpu.memref_slice %arg10[%dma_start3A_880] : memref<3200xi32, #tpu.memory_space<vmem>> -> memref<200xi32, #tpu.memory_space<vmem>>
    %dma_start3A_882 = arith.constant 0 : i32
    %dma_start3A_883 = arith.constant 0 : i32
    %dma_start3A_884 = tpu.memref_slice %arg6[%dma_start3A_882, %dma_start3A_883] : memref<6256x128xf32, #tpu.memory_space<vmem_shared>> -> memref<6256x128xf32, #tpu.memory_space<vmem_shared>>
    tpu.enqueue_indirect_dma source(%dma_start3A_884 : memref<6256x128xf32, #tpu.memory_space<vmem_shared>>) target(%arg11 : memref<200x128xf32, #tpu.memory_space<vmem>>) offsets(%dma_start3A_881 : memref<200xi32, #tpu.memory_space<vmem>>) semaphore(%arg16 : memref<!tpu.dma_semaphore, #tpu.memory_space<semaphore_mem>>)
    %dma_wait3A_885 = arith.constant 2600 : i32
    %dma_wait3A_886 = tpu.memref_slice %arg10[%dma_wait3A_885] : memref<3200xi32, #tpu.memory_space<vmem>> -> memref<200xi32, #tpu.memory_space<vmem>>
    %dma_wait3A_887 = arith.constant 0 : i32
    %dma_wait3A_888 = arith.constant 0 : i32
    %dma_wait3A_889 = tpu.memref_slice %arg6[%dma_wait3A_887, %dma_wait3A_888] : memref<6256x128xf32, #tpu.memory_space<vmem_shared>> -> memref<6256x128xf32, #tpu.memory_space<vmem_shared>>
    tpu.wait_indirect_dma semaphore(%arg17 : memref<!tpu.dma_semaphore, #tpu.memory_space<semaphore_mem>>) src(%dma_wait3A_889 : memref<6256x128xf32, #tpu.memory_space<vmem_shared>>) dst(%arg12 : memref<200x128xf32, #tpu.memory_space<vmem>>)
    %add3A_890 = arith.constant 416 : i32
    %add3A_891 = arith.addi %add3A, %add3A_890 : i32
    %mul3A_892 = arith.constant 200 : i32
    %mul3A_893 = arith.muli %add3A_891, %mul3A_892 : i32
    %dma_start3A_894 = arith.constant 0 : i32
    %dma_start3A_895 = tpu.memref_slice %arg5[%mul3A_893, %dma_start3A_894] : memref<100000x128xf32, #tpu.memory_space<hbm>> -> memref<200x128xf32, #tpu.memory_space<hbm>>
    %dma_start3A_896 = arith.constant 0 : i32
    %dma_start3A_897 = tpu.memref_slice %arg5[%mul3A_893, %dma_start3A_896] : memref<100000x128xf32, #tpu.memory_space<hbm>> -> memref<200x128xf32, #tpu.memory_space<hbm>>
    tpu.enqueue_dma source(%arg12 : memref<200x128xf32, #tpu.memory_space<vmem>>) target(%dma_start3A_897 : memref<200x128xf32, #tpu.memory_space<hbm>>) target_semaphore(%arg19 : memref<!tpu.dma_semaphore, #tpu.memory_space<semaphore_mem>>)
    %add3A_898 = arith.constant 480 : i32
    %add3A_899 = arith.addi %add3A, %add3A_898 : i32
    %lt3A_900 = arith.constant 500 : i32
    %lt3A_901 = arith.cmpi slt, %add3A_899, %lt3A_900 : i32
    %convert_element_type3A_902 = arith.extui %lt3A_901 : i1 to i32
    %cond3A_903 = arith.constant 0 : i32
    %cond3A_904 = arith.cmpi ne, %convert_element_type3A_902, %cond3A_903 : i32
    scf.if %cond3A_904 {
      %dma_wait3A_948 = arith.constant 3000 : i32
      %dma_wait3A_949 = tpu.memref_slice %arg10[%dma_wait3A_948] : memref<3200xi32, #tpu.memory_space<vmem>> -> memref<200xi32, #tpu.memory_space<vmem>>
      %dma_wait3A_950 = arith.constant 3000 : i32
      %dma_wait3A_951 = tpu.memref_slice %arg9[%dma_wait3A_950] : memref<3200xi32, #tpu.memory_space<vmem>> -> memref<200xi32, #tpu.memory_space<vmem>>
      %dma_wait3A_952 = arith.constant 0 : i32
      %dma_wait3A_953 = tpu.memref_slice %arg7[%dma_wait3A_952] : memref<25000xi32, #tpu.memory_space<vmem_shared>> -> memref<25000xi32, #tpu.memory_space<vmem_shared>>
      tpu.wait_indirect_dma semaphore(%arg15 : memref<!tpu.dma_semaphore, #tpu.memory_space<semaphore_mem>>) src(%dma_wait3A_953 : memref<25000xi32, #tpu.memory_space<vmem_shared>>) dst(%dma_wait3A_949 : memref<200xi32, #tpu.memory_space<vmem>>)
      %add3A_954 = arith.constant 416 : i32
      %add3A_955 = arith.addi %add3A, %add3A_954 : i32
      %mul3A_956 = arith.constant 200 : i32
      %mul3A_957 = arith.muli %add3A_955, %mul3A_956 : i32
      %dma_wait3A_958 = arith.constant 0 : i32
      %dma_wait3A_959 = tpu.memref_slice %arg5[%mul3A_957, %dma_wait3A_958] : memref<100000x128xf32, #tpu.memory_space<hbm>> -> memref<200x128xf32, #tpu.memory_space<hbm>>
      %dma_wait3A_960 = arith.constant 0 : i32
      %dma_wait3A_961 = tpu.memref_slice %arg5[%mul3A_957, %dma_wait3A_960] : memref<100000x128xf32, #tpu.memory_space<hbm>> -> memref<200x128xf32, #tpu.memory_space<hbm>>
      tpu.wait_dma2 semaphore(%arg19 : memref<!tpu.dma_semaphore, #tpu.memory_space<semaphore_mem>>) src(%arg12 : memref<200x128xf32, #tpu.memory_space<vmem>>) dst(%dma_wait3A_961 : memref<200x128xf32, #tpu.memory_space<hbm>>)
      %dma_start3A_962 = arith.constant 3000 : i32
      %dma_start3A_963 = tpu.memref_slice %arg10[%dma_start3A_962] : memref<3200xi32, #tpu.memory_space<vmem>> -> memref<200xi32, #tpu.memory_space<vmem>>
      %dma_start3A_964 = arith.constant 0 : i32
      %dma_start3A_965 = arith.constant 0 : i32
      %dma_start3A_966 = tpu.memref_slice %arg6[%dma_start3A_964, %dma_start3A_965] : memref<6256x128xf32, #tpu.memory_space<vmem_shared>> -> memref<6256x128xf32, #tpu.memory_space<vmem_shared>>
      tpu.enqueue_indirect_dma source(%dma_start3A_966 : memref<6256x128xf32, #tpu.memory_space<vmem_shared>>) target(%arg12 : memref<200x128xf32, #tpu.memory_space<vmem>>) offsets(%dma_start3A_963 : memref<200xi32, #tpu.memory_space<vmem>>) semaphore(%arg17 : memref<!tpu.dma_semaphore, #tpu.memory_space<semaphore_mem>>)
    } else {
    }
    %dma_wait3A_905 = arith.constant 2800 : i32
    %dma_wait3A_906 = tpu.memref_slice %arg10[%dma_wait3A_905] : memref<3200xi32, #tpu.memory_space<vmem>> -> memref<200xi32, #tpu.memory_space<vmem>>
    %dma_wait3A_907 = arith.constant 0 : i32
    %dma_wait3A_908 = arith.constant 0 : i32
    %dma_wait3A_909 = tpu.memref_slice %arg6[%dma_wait3A_907, %dma_wait3A_908] : memref<6256x128xf32, #tpu.memory_space<vmem_shared>> -> memref<6256x128xf32, #tpu.memory_space<vmem_shared>>
    tpu.wait_indirect_dma semaphore(%arg16 : memref<!tpu.dma_semaphore, #tpu.memory_space<semaphore_mem>>) src(%dma_wait3A_909 : memref<6256x128xf32, #tpu.memory_space<vmem_shared>>) dst(%arg11 : memref<200x128xf32, #tpu.memory_space<vmem>>)
    %add3A_910 = arith.constant 448 : i32
    %add3A_911 = arith.addi %add3A, %add3A_910 : i32
    %mul3A_912 = arith.constant 200 : i32
    %mul3A_913 = arith.muli %add3A_911, %mul3A_912 : i32
    %dma_start3A_914 = arith.constant 0 : i32
    %dma_start3A_915 = tpu.memref_slice %arg5[%mul3A_913, %dma_start3A_914] : memref<100000x128xf32, #tpu.memory_space<hbm>> -> memref<200x128xf32, #tpu.memory_space<hbm>>
    %dma_start3A_916 = arith.constant 0 : i32
    %dma_start3A_917 = tpu.memref_slice %arg5[%mul3A_913, %dma_start3A_916] : memref<100000x128xf32, #tpu.memory_space<hbm>> -> memref<200x128xf32, #tpu.memory_space<hbm>>
    tpu.enqueue_dma source(%arg11 : memref<200x128xf32, #tpu.memory_space<vmem>>) target(%dma_start3A_917 : memref<200x128xf32, #tpu.memory_space<hbm>>) target_semaphore(%arg18 : memref<!tpu.dma_semaphore, #tpu.memory_space<semaphore_mem>>)
    %add3A_918 = arith.constant 480 : i32
    %add3A_919 = arith.addi %add3A, %add3A_918 : i32
    %ge3A_920 = arith.constant 500 : i32
    %ge3A_921 = arith.cmpi sge, %add3A_919, %ge3A_920 : i32
    %convert_element_type3A_922 = arith.extui %ge3A_921 : i1 to i32
    %cond3A_923 = arith.constant 0 : i32
    %cond3A_924 = arith.cmpi ne, %convert_element_type3A_922, %cond3A_923 : i32
    scf.if %cond3A_924 {
      %dma_wait3A_948 = arith.constant 3000 : i32
      %dma_wait3A_949 = tpu.memref_slice %arg10[%dma_wait3A_948] : memref<3200xi32, #tpu.memory_space<vmem>> -> memref<200xi32, #tpu.memory_space<vmem>>
      %dma_wait3A_950 = arith.constant 3000 : i32
      %dma_wait3A_951 = tpu.memref_slice %arg9[%dma_wait3A_950] : memref<3200xi32, #tpu.memory_space<vmem>> -> memref<200xi32, #tpu.memory_space<vmem>>
      %dma_wait3A_952 = arith.constant 0 : i32
      %dma_wait3A_953 = tpu.memref_slice %arg7[%dma_wait3A_952] : memref<25000xi32, #tpu.memory_space<vmem_shared>> -> memref<25000xi32, #tpu.memory_space<vmem_shared>>
      tpu.wait_indirect_dma semaphore(%arg15 : memref<!tpu.dma_semaphore, #tpu.memory_space<semaphore_mem>>) src(%dma_wait3A_953 : memref<25000xi32, #tpu.memory_space<vmem_shared>>) dst(%dma_wait3A_949 : memref<200xi32, #tpu.memory_space<vmem>>)
    } else {
    }
    %add3A_925 = arith.constant 480 : i32
    %add3A_926 = arith.addi %add3A, %add3A_925 : i32
    %lt3A_927 = arith.constant 500 : i32
    %lt3A_928 = arith.cmpi slt, %add3A_926, %lt3A_927 : i32
    %convert_element_type3A_929 = arith.extui %lt3A_928 : i1 to i32
    %cond3A_930 = arith.constant 0 : i32
    %cond3A_931 = arith.cmpi ne, %convert_element_type3A_929, %cond3A_930 : i32
    scf.if %cond3A_931 {
      %dma_wait3A_948 = arith.constant 3000 : i32
      %dma_wait3A_949 = tpu.memref_slice %arg10[%dma_wait3A_948] : memref<3200xi32, #tpu.memory_space<vmem>> -> memref<200xi32, #tpu.memory_space<vmem>>
      %dma_wait3A_950 = arith.constant 0 : i32
      %dma_wait3A_951 = arith.constant 0 : i32
      %dma_wait3A_952 = tpu.memref_slice %arg6[%dma_wait3A_950, %dma_wait3A_951] : memref<6256x128xf32, #tpu.memory_space<vmem_shared>> -> memref<6256x128xf32, #tpu.memory_space<vmem_shared>>
      tpu.wait_indirect_dma semaphore(%arg17 : memref<!tpu.dma_semaphore, #tpu.memory_space<semaphore_mem>>) src(%dma_wait3A_952 : memref<6256x128xf32, #tpu.memory_space<vmem_shared>>) dst(%arg12 : memref<200x128xf32, #tpu.memory_space<vmem>>)
      %add3A_953 = arith.constant 480 : i32
      %add3A_954 = arith.addi %add3A, %add3A_953 : i32
      %mul3A_955 = arith.constant 200 : i32
      %mul3A_956 = arith.muli %add3A_954, %mul3A_955 : i32
      %add3A_957 = arith.constant 480 : i32
      %add3A_958 = arith.addi %add3A, %add3A_957 : i32
      %lt3A_959 = arith.constant 500 : i32
      %lt3A_960 = arith.cmpi slt, %add3A_958, %lt3A_959 : i32
      %jit3A_961 = arith.constant 0 : i32
      %select_n3A_962 = arith.select %lt3A_960, %mul3A_956, %jit3A_961 : i32
      %dma_start3A_963 = arith.constant 0 : i32
      %dma_start3A_964 = tpu.memref_slice %arg5[%select_n3A_962, %dma_start3A_963] : memref<100000x128xf32, #tpu.memory_space<hbm>> -> memref<200x128xf32, #tpu.memory_space<hbm>>
      %dma_start3A_965 = arith.constant 0 : i32
      %dma_start3A_966 = tpu.memref_slice %arg5[%select_n3A_962, %dma_start3A_965] : memref<100000x128xf32, #tpu.memory_space<hbm>> -> memref<200x128xf32, #tpu.memory_space<hbm>>
      tpu.enqueue_dma source(%arg12 : memref<200x128xf32, #tpu.memory_space<vmem>>) target(%dma_start3A_966 : memref<200x128xf32, #tpu.memory_space<hbm>>) target_semaphore(%arg19 : memref<!tpu.dma_semaphore, #tpu.memory_space<semaphore_mem>>)
    } else {
    }
    %add3A_932 = arith.constant 448 : i32
    %add3A_933 = arith.addi %add3A, %add3A_932 : i32
    %mul3A_934 = arith.constant 200 : i32
    %mul3A_935 = arith.muli %add3A_933, %mul3A_934 : i32
    %dma_wait3A_936 = arith.constant 0 : i32
    %dma_wait3A_937 = tpu.memref_slice %arg5[%mul3A_935, %dma_wait3A_936] : memref<100000x128xf32, #tpu.memory_space<hbm>> -> memref<200x128xf32, #tpu.memory_space<hbm>>
    %dma_wait3A_938 = arith.constant 0 : i32
    %dma_wait3A_939 = tpu.memref_slice %arg5[%mul3A_935, %dma_wait3A_938] : memref<100000x128xf32, #tpu.memory_space<hbm>> -> memref<200x128xf32, #tpu.memory_space<hbm>>
    tpu.wait_dma2 semaphore(%arg18 : memref<!tpu.dma_semaphore, #tpu.memory_space<semaphore_mem>>) src(%arg11 : memref<200x128xf32, #tpu.memory_space<vmem>>) dst(%dma_wait3A_939 : memref<200x128xf32, #tpu.memory_space<hbm>>)
    %add3A_940 = arith.constant 416 : i32
    %add3A_941 = arith.addi %add3A, %add3A_940 : i32
    %mul3A_942 = arith.constant 200 : i32
    %mul3A_943 = arith.muli %add3A_941, %mul3A_942 : i32
    %dma_wait3A_944 = arith.constant 0 : i32
    %dma_wait3A_945 = tpu.memref_slice %arg5[%mul3A_943, %dma_wait3A_944] : memref<100000x128xf32, #tpu.memory_space<hbm>> -> memref<200x128xf32, #tpu.memory_space<hbm>>
    %dma_wait3A_946 = arith.constant 0 : i32
    %dma_wait3A_947 = tpu.memref_slice %arg5[%mul3A_943, %dma_wait3A_946] : memref<100000x128xf32, #tpu.memory_space<hbm>> -> memref<200x128xf32, #tpu.memory_space<hbm>>
    tpu.wait_dma2 semaphore(%arg19 : memref<!tpu.dma_semaphore, #tpu.memory_space<semaphore_mem>>) src(%arg12 : memref<200x128xf32, #tpu.memory_space<vmem>>) dst(%dma_wait3A_947 : memref<200x128xf32, #tpu.memory_space<hbm>>)
    return
  }
}

</mosaic_0001>

<sc_bundles>
// kernel: kernel.3.cloned.1.call-start
scs
__scs_entry_jumppad:
0x0: {  	(pc) =	sbr.rel $0x88, $3  }
0x1: {  	(tag) =	ssettag $0x0;
	lr =	simm.s32 $0x1  }
0x2: {  	[smem:$0x3F9E] =	sst lr;
	_ =	strace $0xD0000000  }
0x3: {  	_ = 	snop  }
0x4: {  	_ = 	snop  }
0x5: {  	_ = 	snop  }
0x6: {  	_ = 	snop  }
0x7: {  	_ = 	snop  }
__scs_overlays_trampoline_lowered:
0x8: {  	[smem:$0x3FAD] =	sst s0  }
0x9: {  	[smem:$0x3FAE] =	sst s1  }
0xa: {  	[smem:$0x3FAF] =	sst s2  }
0xb: {  	[smem:$0x3FB0] =	sst s3  }
0xc: {  	[smem:$0x3FB1] =	sst s4  }
0xd: {  	[smem:$0x3FB2] =	sst s5  }
0xe: {  	[smem:$0x3FB3] =	sst s6  }
0xf: {  	[smem:$0x3FB4] =	sst s7  }
0x10: {  	[smem:$0x3FB5] =	sst s8  }
0x11: {  	[smem:$0x3FB6] =	sst s9;
	s0 =	simm.s32 @!p0 $0x0  }
0x12: {  	s1 =	sld [smem:$0x3F9C];
	s0 =	simm.s32 @p0 $0x1  }
0x13: {  	[smem:$0x3FB7] =	sst s0;
	s0 =	simm.s32 @!p1 $0x0  }
0x14: {  	s2 =	sld [smem:$0x3F9B];
	s0 =	simm.s32 @p1 $0x1  }
0x15: {  	[smem:$0x3FB8] =	sst s0;
	s0 =	simm.s32 @!p2 $0x0  }
0x16: {  	s3 =	sld [smem:$0x3FDB];
	s0 =	simm.s32 @p2 $0x1  }
0x17: {  	s4 =	simm.s32 $0x1BF5;
	[smem:$0x3FBA] =	sst s0  }
0x18: {  	s0 =	sld [smem:$0x3F9D];
	_ =	swait.ge [sflag:s4], $0x0  }
0x19: {  	s7 =	sld [smem:$0x3F9E]  }
0x1a: {  	s8 =	sadd.s32 $0xFFFFE003, lr  }
0x1b: {  	s9 =	sadd.s32 $0xFFFFFEF7, lr;
	s5 =	simm.s32 $0xFFFFFFFF;
	p2 =	slt.u32 s8, $0xFFFFF086  }
0x1c: {  	p1 =	slt.u32 s9, $0xF7A;
	s5 =	simm.s32 @!p2 $0x0  }
0x1d: {  	s5 =	simm.s32 @p1 $0x1;
	p0 =	seq.s32 s7, s2  }
0x1e: {  	s7 =	smul.u32 @!p0 $0xF7A, s2;
	p2 =	seq.s32 @!p0 s5, $0x0  }
0x1f: {  	s9 =	smul.u32 $0xF7A, s1;
	s8 =	simm.s32 @!p0 $0x1BF5;
	p2 =	por !p2, p0  }
0x20: {  	[sflag:s8] =	ssyncset.s32 @!p0 $0xFFFFF086;
	s6 =	sadd.s32 @!p0 s3, s7;
	s7 =	simm.s32 @!p0 $0x108  }
0x21: {  	s3 =	sadd.s32 s3, s9;
	s6 =	sadd.s32 @!p0 $0x88, s6;
	s7 =	simm.s32 @p2 $0x1082  }
0x22: {  	[simem:s7], [sflag:s8] =	dma.local @!p0 [hbm:s6], $0xF7A  }
0x23: {  	s9 =	sor.u32 $0xD0000000, s2;
	s6 =	simm.s32 $0x108;
	_ =	swait.ge @!p0 [sflag:s8], $0x0  }
0x24: {  	s3 =	sadd.s32 $0x88, s3;
	s6 =	simm.s32 @!p1 $0x1082;
	[sflag:s4] =	ssyncset.s32 $0xFFFFF086  }
0x25: {  	[simem:s6], [sflag:s4] =	dma.local [hbm:s3], $0xF7A  }
0x26: {  	[smem:$0x3F9E] =	sst s1;
	(tag) =	ssettag s2;
	_ =	strace s9  }
0x27: {  	s1 =	sld [smem:$0x3FAE]  }
0x28: {  	s2 =	sld [smem:$0x3FAF]  }
0x29: {  	s4 =	sld [smem:$0x3FB1]  }
0x2a: {  	p0 =	seq.s32 s5, $0x0;
	s5 =	sld [smem:$0x3FB2]  }
0x2b: {  	s6 =	sld [smem:$0x3FB3]  }
0x2c: {  	s7 =	sld [smem:$0x3FB4]  }
0x2d: {  	s3 =	simm.s32 $0x108;
	s8 =	sld [smem:$0x3FB5]  }
0x2e: {  	s3 =	simm.s32 @!p0 $0x1082;
	s9 =	sld [smem:$0x3FB6]  }
0x2f: {  	lr =	sadd.s32 s0, s3;
	s0 =	sld [smem:$0x3FAD]  }
0x30: {  	s3 =	sld [smem:$0x3FB0]  }
0x31: {  	[smem:$0x3FB9] =	sst s10  }
0x32: {  	s10 =	sld [smem:$0x3FB7];
	_ =	sdelay $0x3  }
0x33: {  	p0 =	seq.s32 s10, $0x1;
	s10 =	sld [smem:$0x3FB9];
	_ =	sdelay $0x3  }
0x34: {  	[smem:$0x3FB9] =	sst s10  }
0x35: {  	s10 =	sld [smem:$0x3FB8];
	_ =	sdelay $0x3  }
0x36: {  	p1 =	seq.s32 s10, $0x1;
	s10 =	sld [smem:$0x3FB9];
	_ =	sdelay $0x3  }
0x37: {  	[smem:$0x3FB9] =	sst s10  }
0x38: {  	s10 =	sld [smem:$0x3FBA]  }
0x39: {  	_ = 	snop;
	(pc) =	sbr.ind lr, $3  }
0x3a: {  	_ = 	snop  }
0x3b: {  	_ = 	snop  }
0x3c: {  	p2 =	seq.s32 s10, $0x1;
	s10 =	sld [smem:$0x3FB9]  }
0x3d: {  	_ =	shalt  }
0x3e: {  	_ =	shalt  }
0x3f: {  	_ =	shalt  }
0x40: {  	_ =	shalt  }
0x41: {  	_ =	shalt  }
0x42: {  	_ =	shalt  }
0x43: {  	_ =	shalt  }
0x44: {  	_ =	shalt  }
0x45: {  	_ =	shalt  }
0x46: {  	_ =	shalt  }
0x47: {  	_ =	shalt  }
0x48: {  	_ =	shalt  }
0x49: {  	_ =	shalt  }
0x4a: {  	_ =	shalt  }
0x4b: {  	_ =	shalt  }
0x4c: {  	_ =	shalt  }
0x4d: {  	_ =	shalt  }
0x4e: {  	_ =	shalt  }
0x4f: {  	_ =	shalt  }
0x50: {  	_ =	shalt  }
0x51: {  	_ =	shalt  }
0x52: {  	_ =	shalt  }
0x53: {  	_ =	shalt  }
0x54: {  	_ =	shalt  }
0x55: {  	_ =	shalt  }
0x56: {  	_ =	shalt  }
0x57: {  	_ =	shalt  }
0x58: {  	_ =	shalt  }
0x59: {  	_ =	shalt  }
0x5a: {  	_ =	shalt  }
0x5b: {  	_ =	shalt  }
0x5c: {  	_ =	shalt  }
0x5d: {  	_ =	shalt  }
0x5e: {  	_ =	shalt  }
0x5f: {  	_ =	shalt  }
0x60: {  	_ =	shalt  }
0x61: {  	_ =	shalt  }
0x62: {  	_ =	shalt  }
0x63: {  	_ =	shalt  }
0x64: {  	_ =	shalt  }
0x65: {  	_ =	shalt  }
0x66: {  	_ =	shalt  }
0x67: {  	_ =	shalt  }
0x68: {  	_ =	shalt  }
0x69: {  	_ =	shalt  }
0x6a: {  	_ =	shalt  }
0x6b: {  	_ =	shalt  }
0x6c: {  	_ =	shalt  }
0x6d: {  	_ =	shalt  }
0x6e: {  	_ =	shalt  }
0x6f: {  	_ =	shalt  }
0x70: {  	_ =	shalt  }
0x71: {  	_ =	shalt  }
0x72: {  	_ =	shalt  }
0x73: {  	_ =	shalt  }
0x74: {  	_ =	shalt  }
0x75: {  	_ =	shalt  }
0x76: {  	_ =	shalt  }
0x77: {  	_ =	shalt  }
0x78: {  	_ =	shalt  }
0x79: {  	_ =	shalt  }
0x7a: {  	_ =	shalt  }
0x7b: {  	_ =	shalt  }
0x7c: {  	_ =	shalt  }
0x7d: {  	_ =	shalt  }
0x7e: {  	_ =	shalt  }
0x7f: {  	_ =	shalt  }
0x80: {  	_ =	shalt  }
0x81: {  	_ =	shalt  }
0x82: {  	_ =	shalt  }
0x83: {  	_ =	shalt  }
0x84: {  	_ =	shalt  }
0x85: {  	_ =	shalt  }
0x86: {  	_ =	shalt  }
0x87: {  	_ =	shalt  }
.Lfunc_end0:
.L_simem_size_0:
called_computation_lowered:
.L_overlay_start_0:
0x88: {  	s2 =	sld [smem:$0x3FD9]  }
0x89: {  	s3 =	sld [smem:$0x3FFE];
	_ =	sdelay $0x1  }
0x8a: {  	s1 =	srdreg.scid  }
0x8b: {  	s0 =	sand.u32 $0x1, s1  }
0x8c: {  	s17 =	sshll.u32 s0, $0xA;
	s2 =	sadd.s32 s3, s2  }
0x8d: {  	s2 =	sadd.s32 s2, s17  }
0x8e: {  	[smem:$0x3FC5] =	sst s2  }
0x8f: {  	_ = 	snop  }
0x90: {  	s2 =	sld [smem:$0x3FC9]  }
0x91: {  	s18 =	sld [smem:$0x3FD0];
	(tm) =	ssettm $0x1  }
0x92: {  	s4 =	sld [smem:$0x3FFB];
	_ =	sdelay $0x3  }
0x93: {  	_ =	strace s4  }
0x94: {  	s4 =	sld [smem:$0x3FFC];
	_ =	sdelay $0x3  }
0x95: {  	_ =	strace s4  }
0x96: {  	s4 =	sld [smem:$0x3FFD];
	_ =	sdelay $0x3  }
0x97: {  	_ =	strace s4  }
0x98: {  	_ =	strace $0x8FFFFFFF  }
0x99: {  	s19 =	sld [smem:$0x3FDB];
	_ =	sdelay $0x1  }
0x9a: {  	s5 =	simm.s32 $_scs_section_size  }
0x9b: {  	s6 =	simm.s32 $_size__tile_overlayer_lowered;
	s7 =	simm.s32 $_tile_overlayer_lowered  }
0x9c: {  	s22 =	simm.s32 $0x1BFF;
	s21 =	sshll.u32 s7, $0x1;
	s4 =	sadd.s32 s5, s19  }
0x9d: {  	s8 =	simm.s32 $0x0;
	s20 =	sshll.u32 s6, $0x1;
	s6 =	sadd.s32 s21, s4  }
0x9e: {  	[timem:s8], [sflag:s22] =	dma.local [hbm:s6], s20  }
0x9f: {  	_ =	swait.ge [sflag:s22], s20  }
0xa0: {  	s5 =	ssub.s32 $0x0, s20;
	[sflag:s22] =	ssyncset.done $0x0  }
0xa1: {  	[sflag:s22] =	ssyncadd.s32 s5;
	_ =	sdelay $0x1  }
0xa2: {  	s23 =	simm.s32 $0x1B8B  }
0xa3: {  	_ =	swait.ge [sflag:s23], $0x1  }
0xa4: {  	[sflag:s23] =	ssyncset.done $0x0  }
0xa5: {  	s25 =	simm.s32 $0x1B8E;
	s24 =	sld [smem:$0x3FFE];
	[sflag:s23] =	ssyncadd.s32 $0xFFFFFFFF  }
0xa6: {  	s26 =	simm.s32 $execute0_lowered;
	[smem:$0x3FD2] =	sst s25  }
0xa7: {  	s6 =	sshll.u32 s26, $0x1;
	_ =	strace $0x80000046;
	[dreg:$0x1] =	wrdreg $0xFFFFFFFF  }
0xa8: {  	s28 =	simm.s32 $_size_execute0_lowered;
	s4 =	sadd.s32 s4, s6;
	[dreg:$0x0] =	wrdreg $0x0  }
0xa9: {  	s6 =	sshll.u32 s28, $0x1;
	[dreg:$0x2] =	wrdreg s4  }
0xaa: {  	[dreg:$0x3] =	wrdreg s6  }
0xab: {  	[dreg:$0x4] =	wrdreg $0xC0  }
0xac: {  	_ =	task [dreg:s8], $0x5FFFF  }
0xad: {  	[dreg:$0x1] =	wrdreg $0xFFFFFFFF  }
0xae: {  	[dreg:$0x0] =	wrdreg $0x60  }
0xaf: {  	[dreg:$0x2] =	wrdreg s2  }
0xb0: {  	[dreg:$0x3] =	wrdreg s24  }
0xb1: {  	[dreg:$0x4] =	wrdreg s18  }
0xb2: {  	[dreg:$0x5] =	wrdreg $0x0  }
0xb3: {  	[dreg:$0x6] =	wrdreg $0xC3800  }
0xb4: {  	[dreg:$0x7] =	wrdreg $0x9  }
0xb5: {  	_ =	task.clear_ibuf [dreg:s8], $0x8FFFF;
	_ =	strace $0x90000046  }
0xb6: {  	s29 =	simm.s32 $0x9;
	_ =	strace $0x80000048  }
0xb7: {  	_ =	swait.ge [sflag:s29], $0x1  }
0xb8: {  	[sflag:s29] =	ssyncadd.s32 $0xFFFFFFFF  }
0xb9: {  	_ =	strace $0x90000048  }
0xba: {  	_ =	sfence  }
0xbb: {  	s30 =	sld [smem:$0x0];
	_ =	sdelay $0x2  }
0xbc: {  	s31 =	sshll.u32 s1, $0xD;
	s1 =	sshrl.u32 s1, $0x2  }
0xbd: {  	s3 =	sand.u32 $0x4000, s31;
	s1 =	sadd.s32 s1, s30  }
0xbe: {  	s0 =	sor.u32 s3, s0;
	s1 =	sshll.u32 s1, $0x11  }
0xbf: {  	s0 =	sor.u32 s1, s0  }
0xc0: {  	s0 =	sadd.s32 $0x8F2B, s0  }
0xc1: {  	[sflag:s0] =	ssyncadd.remote.s32 $0x1  }
0xc2: {  	_ =	sfence.sel $0xFFFF  }
0xc3: {  	[dreg:$0x0] =	wrdreg $0xFFFFFFFF;
	(pc) =	sbr.abs _section_cstart, $3  }
0xc4: {  	[dreg:$0x1] =	wrdreg $0xFFFFFFFF  }
0xc5: {  	_ =	task.clear_ibuf [dreg:s8], $0x2FFFF;
	_ =	strace $0x9FFFFFFF  }
0xc6: {  	(tm) =	ssettm $0x7FFFFFFF  }
0xc7: {  	_ =	shalt  }
tec
execute0_lowered:
.L_overlay_start_1:
0x0: {  	(tag) =	ssettag $0x1  }
0x1: {  	s1 =	srdreg.scid  }
0x2: {  	s0 =	stileid.u32;
	s28 =	rddreg [dreg:$0x1];
	s31 =	simm.s32 $0x1  }
0x3: {  	s1 =	sand.u32 $0x1, s1;
	s2 =	sshll.u32 s0, $0x1;
	s7 =	sadd.s32 $0xE00, s28  }
0x4: {  	p0 =	slt.u32 s0, $0xA;
	p2 =	sne.s32 s0, $0x0;
	s3 =	sor.u32 s1, s2  }
0x5: {  	p3 =	sgt.u32 s0, $0x9;
	s1 =	ssub.s32 $0x2, s1;
	s5 =	smul.u32 $0xC8, s3  }
0x6: {  	p4 =	sgt.u32 s0, $0xC;
	s6 =	smul.u32 $0x19, s3;
	s12 =	sshrl.u32 s1, $0x1  }
0x7: {  	s3 =	smul.u32 $0xC80, s3;
	s22 =	ssub.s32 s1, s12;
	s8 =	sadd.s32 $0x1900, s5  }
0x8: {  	s13 =	sadd.s32 s7, s6;
	s1 =	sadd.s32 $0x3200, s5;
	s6 =	sadd.s32 $0x4B00, s5  }
0x9: {  	s11 =	sadd.s32 $0x6400, s5;
	[smem:$0x7EF] =	sst s13;
	s14 =	sshrl.u32 s8, $0x3  }
0xa: {  	s9 =	sshrl.u32 s1, $0x3;
	s10 =	sshrl.u32 s6, $0x3;
	s15 =	sshrl.u32 s11, $0x3  }
0xb: {  	s8 =	sshll.u32 s8, $0x4;
	s1 =	sshll.u32 s1, $0x4;
	s24 =	sadd.s32 s7, s14  }
0xc: {  	s26 =	sadd.s32 s7, s9;
	s30 =	sadd.s32 s7, s10;
	s16 =	sadd.s32 s7, s15  }
0xd: {  	s9 =	sadd.s32 $0x7D00, s5;
	s10 =	sadd.s32 $0x9600, s5;
	s14 =	sadd.s32 $0xAF00, s5  }
0xe: {  	[smem:$0x7F0] =	sst s16;
	s12 =	sshrl.u32 s9, $0x3;
	s13 =	sshrl.u32 s10, $0x3  }
0xf: {  	s19 =	sshrl.u32 s14, $0x3;
	s17 =	sadd.s32 s7, s12;
	s18 =	sadd.s32 s7, s13  }
0x10: {  	s29 =	sadd.s32 s7, s19;
	s12 =	sadd.s32 $0xC800, s5;
	[smem:$0x7F1] =	sst s17  }
0x11: {  	s13 =	sadd.s32 $0xE100, s5;
	[smem:$0x7F2] =	sst s18;
	s15 =	sshrl.u32 s12, $0x3  }
0x12: {  	s16 =	sshrl.u32 s13, $0x3;
	s17 =	sadd.s32 $0xFA00, s5;
	s18 =	sadd.s32 $0x12C00, s5  }
0x13: {  	s12 =	sshll.u32 s12, $0x4;
	s13 =	sshll.u32 s13, $0x4;
	s20 =	sadd.s32 s7, s15  }
0x14: {  	s25 =	sadd.s32 s7, s16;
	s21 =	sshrl.u32 s17, $0x3;
	s15 =	sadd.s32 $0x11300, s5  }
0x15: {  	s19 =	sshrl.u32 s18, $0x3;
	[smem:$0x7F3] =	sst s20;
	s23 =	sadd.s32 s7, s21  }
0x16: {  	s2 =	sshrl.u32 s15, $0x3;
	s20 =	sadd.s32 $0x14500, s5;
	[smem:$0x7F4] =	sst s23  }
0x17: {  	s23 =	sadd.s32 s7, s19;
	s19 =	sadd.s32 $0x15E00, s5;
	s5 =	sadd.s32 $0x17700, s5  }
0x18: {  	s2 =	sadd.s32 s7, s2;
	s16 =	sshrl.u32 s19, $0x3;
	s21 =	sshrl.u32 s5, $0x3  }
0x19: {  	s4 =	sshrl.u32 s20, $0x3;
	s16 =	sadd.s32 s7, s16;
	s21 =	simm.s32 @!p0 $0x0  }
0x1a: {  	s4 =	sadd.s32 s7, s4;
	[dreg:$0x1b] =	wrdreg s16;
	s7 =	sadd.s32 s7, s21  }
0x1b: {  	s17 =	sshll.u32 s17, $0x4;
	s16 =	simm.s32 $0x0;
	[dreg:$0x6] =	wrdreg s7  }
0x1c: {  	s21 =	sshll.u32 s6, $0x4;
	s6 =	sshll.u32 s11, $0x4;
	s7 =	rddreg [dreg:$0x2]  }
0x1d: {  	s11 =	sshll.u32 s14, $0x4;
	[smem:$0x7FF] =	sst s16;
	s3 =	sadd.s32 s7, s3  }
0x1e: {  	s1 =	sadd.s32 s7, s1;
	s14 =	sadd.s32 s7, s13;
	[dreg:$0x7] =	wrdreg s3  }
0x1f: {  	s3 =	sadd.s32 s7, s8;
	[dreg:$0x9] =	wrdreg s1;
	s1 =	sadd.s32 s7, s6  }
0x20: {  	s8 =	sshll.u32 s9, $0x4;
	s9 =	sshll.u32 s10, $0x4;
	[dreg:$0x10] =	wrdreg s14  }
0x21: {  	s6 =	sshll.u32 s20, $0x4;
	s20 =	smov.u32 s4;
	[dreg:$0x8] =	wrdreg s3  }
0x22: {  	s3 =	sadd.s32 s7, s21;
	[dreg:$0xb] =	wrdreg s1;
	s1 =	sadd.s32 s7, s8  }
0x23: {  	s10 =	sadd.s32 s7, s9;
	s21 =	sshll.u32 s15, $0x4;
	s15 =	smov.u32 s25  }
0x24: {  	s25 =	sshll.u32 s18, $0x4;
	s18 =	smov.u32 s2;
	s2 =	rddreg [dreg:$0x0]  }
0x25: {  	s8 =	sshll.u32 s19, $0x4;
	s19 =	smov.u32 s23;
	[dreg:$0xa] =	wrdreg s3  }
0x26: {  	s9 =	sshll.u32 s5, $0x4;
	s5 =	smul.u32 $0x620, s0;
	[dreg:$0xc] =	wrdreg s1  }
0x27: {  	[dreg:$0xd] =	wrdreg s10;
	s1 =	sadd.s32 s7, s11;
	s3 =	sadd.s32 s7, s25  }
0x28: {  	s10 =	sadd.s32 $0xFFFFFFF3, s0;
	s11 =	smul.u32 $0x180, s0;
	[dreg:$0xe] =	wrdreg s1  }
0x29: {  	s1 =	sadd.s32 s7, s12;
	[dreg:$0x13] =	wrdreg s3;
	s3 =	sadd.s32 s7, s9  }
0x2a: {  	p1 =	sgt.u32 s10, $0x1;
	s12 =	sshrl.u32 s5, $0x3;
	[dreg:$0xf] =	wrdreg s1  }
0x2b: {  	s10 =	smul.u32 $0x188, s0;
	s1 =	sadd.s32 s7, s17;
	[dreg:$0x16] =	wrdreg s3  }
0x2c: {  	s3 =	rddreg [dreg:$0x4];
	s13 =	sadd.s32 s28, s12;
	s14 =	sor.u32 $0x68, s11  }
0x2d: {  	s17 =	sadd.s32 $0xB7C, s28;
	p5 =	sne.s32 @p1 s0, $0xF;
	s28 =	simm.s32 $0x14D20  }
0x2e: {  	[dreg:$0x11] =	wrdreg s1;
	s1 =	sadd.s32 s7, s21;
	s21 =	sshll.u32 s14, $0x4  }
0x2f: {  	s12 =	sadd.s32 s5, s3;
	p5 =	por p5, !p1;
	[dreg:$0x12] =	wrdreg s1  }
0x30: {  	s1 =	sadd.s32 s7, s6;
	s4 =	sadd.s32 s2, s21;
	s6 =	sshll.u32 s14, $0x7  }
0x31: {  	[dreg:$0x14] =	wrdreg s1;
	s1 =	sadd.s32 s7, s8;
	s7 =	sadd.s32 $0x130, s11  }
0x32: {  	s8 =	smov.u32 s30;
	s11 =	smul.u32 $0x1880, s0;
	[dreg:$0x15] =	wrdreg s1  }
0x33: {  	s0 =	smul.u32 $0x31000, s0;
	s30 =	simm.s32 $0x3;
	s1 =	rddreg [dreg:$0x3]  }
0x34: {  	s23 =	sshll.u32 s7, $0x4;
	_ =	strace $0x80000047;
	[dreg:$0x17] =	wrdreg s13  }
0x35: {  	s9 =	sshll.u32 s7, $0x7;
	s7 =	smov.u32 s29;
	[dreg:$0x18] =	wrdreg s17  }
0x36: {  	[dreg:$0x19] =	wrdreg s4;
	s25 =	sadd.s32 s2, s23;
	s4 =	sadd.s32 s6, s1  }
0x37: {  	[dreg:$0x1e] =	wrdreg s12;
	s13 =	sadd.s32 $0xC8, s10;
	s14 =	sadd.s32 s2, s11  }
0x38: {  	s0 =	sshrl.u32 s0, $0x2;
	s6 =	smax.u32 s22, $0x1;
	[dreg:$0x1a] =	wrdreg s25  }
0x39: {  	s22 =	sadd.s32 $0x16E80, s2;
	s23 =	sadd.s32 $0x17B00, s2;
	[dreg:$0x1c] =	wrdreg s4  }
0x3a: {  	s29 =	sadd.s32 $0xC3400, s1;
	s11 =	simm.s32 $0x5;
	[dreg:$0x1f] =	wrdreg s14  }
0x3b: {  	s4 =	sadd.s32 s9, s1;
	s17 =	sshll.u32 s13, $0x4;
	[smem:$0x7F8] =	sst s22  }
0x3c: {  	s0 =	sadd.s32 s0, s1;
	s21 =	sshll.u32 s13, $0x7;
	[smem:$0x7F9] =	sst s23  }
0x3d: {  	s25 =	sadd.s32 $0xBD800, s1;
	[smem:$0x7FD] =	sst s29;
	s23 =	simm.s32 $0xD020  }
0x3e: {  	s22 =	simm.s32 $0xD1B0;
	s9 =	simm.s32 $0x4;
	[dreg:$0x1d] =	wrdreg s4  }
0x3f: {  	s5 =	sadd.s32 s2, s17;
	[smem:$0x7F6] =	sst s0;
	s4 =	smov.u32 s24  }
.Ltmp0:
0x40: {  	s0 =	sadd.s32 s21, s1;
	[smem:$0x7FB] =	sst s25;
	(pc) =	sbr.rel .LBB2_1-.Ltmp0, $4  }
0x41: {  	s24 =	sadd.s32 $0xB7400, s1;
	s2 =	simm.s32 $0xD0E8;
	[smem:$0x7F5] =	sst s5  }
0x42: {  	s25 =	simm.s32 $0xE920;
	s5 =	smov.u32 s26;
	[smem:$0x7F7] =	sst s0  }
0x43: {  	v0 =	vimm.s32 $0x1869;
	vm0 =	vcmask $0x300;
	[smem:$0x7FA] =	sst s24;
	s26 =	sadd.s32 $0x5BE0, s3;
	s24 =	simm.s32 $0xD278  }
0x44: {  	v0 =	vsel vm0, $0x1868, v0;
	s0 =	simm.s32 $0xC8;
	[smem:$0x7FC] =	sst s26;
	s26 =	simm.s32 $0x2  }
.LBB2_5:
0x45: {  	s2 =	sld [smem:$0x7F8];
	_ =	sdelay $0x1  }
0x46: {  	s22 =	simm.s32 @!p5 $0x0;
	s23 =	simm.s32 @!p5 $0xE920  }
0x47: {  	[tilespmem:s23], [sflag:$0x2] =	stream.linear.gather @!p5 [hbm4b:s2+s22], $0x6400, $0x38;
	[tilespmem:$0x1B9A0] =	vst v63  }
0x48: {  	s24 =	simm.s32 @!p5 $0xC9A0;
	s2 =	rddreg [dreg:$0x18]  }
0x49: {  	[tilespmem:s24], [sflag:$0x3] =	stream.linear.gather @!p5 [hbm4b:s2+s22], $0x5C8, $0x38;
	[tilespmem:$0x1B9A0] =	vst v63  }
0x4a: {  	s2 =	simm.s32 @!p5 $0x2  }
0x4b: {  	_ =	swait.ge @!p5 [sflag:s2], $0x6400  }
0x4c: {  	s29 =	sld [smem:$0x7F9]  }
0x4d: {  	[sflag:s2] =	ssyncset.done @!p5 $0x0  }
0x4e: {  	[sflag:s2] =	ssyncadd.s32 @!p5 $0xFFFF9C00;
	s2 =	simm.s32 @!p5 $0x14D20  }
0x4f: {  	[tilespmem:s2], [sflag:$0x3] =	stream.linear.gather @!p5 [hbm4b:s29+s22], $0x5C00, $0x38;
	[tilespmem:$0x1B9A0] =	vst v63  }
0x50: {  	s22 =	sld [smem:$0x7FA];
	_ =	sdelay $0x2  }
0x51: {  	[spmem:s22] =	stream.linear.scatter @!p5 [tilespmem:s23], [sflag:$0x6], $0x6400, $0x38;
	[tilespmem:$0x1B9A0] =	vst v63  }
0x52: {  	s22 =	simm.s32 @!p5 $0x6  }
0x53: {  	_ =	swait.ge @!p5 [sflag:s22], $0x6400  }
0x54: {  	[sflag:s22] =	ssyncset.done @!p5 $0x0  }
0x55: {  	s23 =	simm.s32 @!p5 $0x3;
	[sflag:s22] =	ssyncadd.s32 @!p5 $0xFFFF9C00  }
0x56: {  	_ =	swait.ge @!p5 [sflag:s23], $0x5C00  }
0x57: {  	[sflag:s23] =	ssyncset.done @!p5 $0x0  }
0x58: {  	[sflag:s23] =	ssyncadd.s32 @!p5 $0xFFFFA400  }
0x59: {  	_ =	swait.ge @!p5 [sflag:s23], $0x5C8  }
0x5a: {  	[sflag:s23] =	ssyncset.done @!p5 $0x0  }
0x5b: {  	[sflag:s23] =	ssyncadd.s32 @!p5 $0xFFFFFA38;
	s23 =	sld [smem:$0x7FB];
	_ =	sdelay $0x2  }
0x5c: {  	[spmem:s23] =	stream.linear.scatter @!p5 [tilespmem:s2], [sflag:$0x6], $0x5C00, $0x38;
	[tilespmem:$0x1B9A0] =	vst v63  }
0x5d: {  	_ =	swait.ge @!p5 [sflag:s22], $0x5C00  }
0x5e: {  	s2 =	sld [smem:$0x7FC]  }
0x5f: {  	[sflag:s22] =	ssyncset.done @!p5 $0x0  }
0x60: {  	[sflag:s22] =	ssyncadd.s32 @!p5 $0xFFFFA400  }
0x61: {  	[spmem:s2] =	stream.linear.scatter @!p5 [tilespmem:s24], [sflag:$0x6], $0x5C8, $0x38;
	[tilespmem:$0x1B9A0] =	vst v63  }
0x62: {  	_ =	swait.ge @!p5 [sflag:s22], $0x5C8  }
0x63: {  	s2 =	simm.s32 @!p1 $0x0;
	[sflag:s22] =	ssyncset.done @!p5 $0x0  }
0x64: {  	s23 =	rddreg [dreg:$0x19];
	[sflag:s22] =	ssyncadd.s32 @!p5 $0xFFFFFA38;
	s22 =	simm.s32 @!p1 $0xE920  }
0x65: {  	[tilespmem:s22], [sflag:$0x2] =	stream.linear.gather @!p1 [hbm4b:s23+s2], $0x6400, $0x38;
	[tilespmem:$0x1B9A0] =	vst v63  }
0x66: {  	s24 =	rddreg [dreg:$0x17];
	s23 =	simm.s32 @!p1 $0xC9A0  }
0x67: {  	[tilespmem:s23], [sflag:$0x3] =	stream.linear.gather @!p1 [hbm4b:s24+s2], $0x620, $0x38;
	[tilespmem:$0x1B9A0] =	vst v63  }
0x68: {  	s24 =	simm.s32 @!p1 $0x2  }
0x69: {  	_ =	swait.ge @!p1 [sflag:s24], $0x6400  }
0x6a: {  	[sflag:s24] =	ssyncset.done @!p1 $0x0  }
0x6b: {  	s29 =	rddreg [dreg:$0x1a];
	[sflag:s24] =	ssyncadd.s32 @!p1 $0xFFFF9C00;
	s24 =	simm.s32 @!p1 $0x14D20  }
0x6c: {  	[tilespmem:s24], [sflag:$0x3] =	stream.linear.gather @!p1 [hbm4b:s29+s2], $0x5C00, $0x38;
	[tilespmem:$0x1B9A0] =	vst v63  }
0x6d: {  	s2 =	rddreg [dreg:$0x1c]  }
0x6e: {  	[spmem:s2] =	stream.linear.scatter @!p1 [tilespmem:s22], [sflag:$0x6], $0x6400, $0x38;
	[tilespmem:$0x1B9A0] =	vst v63  }
0x6f: {  	s2 =	simm.s32 @!p1 $0x6  }
0x70: {  	_ =	swait.ge @!p1 [sflag:s2], $0x6400  }
0x71: {  	[sflag:s2] =	ssyncset.done @!p1 $0x0  }
0x72: {  	s22 =	simm.s32 @!p1 $0x3;
	[sflag:s2] =	ssyncadd.s32 @!p1 $0xFFFF9C00  }
0x73: {  	_ =	swait.ge @!p1 [sflag:s22], $0x5C00  }
0x74: {  	[sflag:s22] =	ssyncset.done @!p1 $0x0  }
0x75: {  	[sflag:s22] =	ssyncadd.s32 @!p1 $0xFFFFA400  }
0x76: {  	_ =	swait.ge @!p1 [sflag:s22], $0x620  }
0x77: {  	[sflag:s22] =	ssyncset.done @!p1 $0x0  }
0x78: {  	[sflag:s22] =	ssyncadd.s32 @!p1 $0xFFFFF9E0;
	s22 =	rddreg [dreg:$0x1d]  }
0x79: {  	[spmem:s22] =	stream.linear.scatter @!p1 [tilespmem:s24], [sflag:$0x6], $0x5C00, $0x38;
	[tilespmem:$0x1B9A0] =	vst v63  }
0x7a: {  	_ =	swait.ge @!p1 [sflag:s2], $0x5C00  }
0x7b: {  	s21 =	smov.u32 s20;
	s10 =	smov.u32 s8;
	[sflag:s2] =	ssyncset.done @!p1 $0x0  }
0x7c: {  	s14 =	simm.s32 $0xD660;
	s22 =	rddreg [dreg:$0x1e];
	[sflag:s2] =	ssyncadd.s32 @!p1 $0xFFFFA400  }
0x7d: {  	[spmem:s22] =	stream.linear.scatter @!p1 [tilespmem:s23], [sflag:$0x6], $0x620, $0x38;
	[tilespmem:$0x1B9A0] =	vst v63  }
0x7e: {  	s8 =	smov.u32 s10;
	s10 =	simm.s32 $0xD4D0;
	_ =	swait.ge @!p1 [sflag:s2], $0x620  }
0x7f: {  	s20 =	smov.u32 s21;
	s21 =	simm.s32 $0xD340;
	[sflag:s2] =	ssyncset.done @!p1 $0x0  }
0x80: {  	s29 =	simm.s32 $0xDB10;
	s23 =	simm.s32 $0xD020;
	[sflag:s2] =	ssyncadd.s32 @!p1 $0xFFFFF9E0  }
.LBB2_6:
0x81: {  	_ =	swait.ge [sflag:s31], $0xC8  }
0x82: {  	[sflag:s31] =	ssyncset.done $0x0  }
0x83: {  	[sflag:s31] =	ssyncadd.s32 $0xFFFFFF38  }
0x84: {  	_ =	swait.ge [sflag:s31], $0xC8  }
0x85: {  	[sflag:s31] =	ssyncset.done $0x0  }
0x86: {  	[sflag:s31] =	ssyncadd.s32 $0xFFFFFF38  }
0x87: {  	_ =	swait.ge [sflag:s31], $0xC8  }
0x88: {  	[sflag:s31] =	ssyncset.done $0x0  }
0x89: {  	[sflag:s31] =	ssyncadd.s32 $0xFFFFFF38  }
0x8a: {  	_ =	swait.ge [sflag:s31], $0xC8  }
0x8b: {  	[sflag:s31] =	ssyncset.done $0x0  }
0x8c: {  	[sflag:s31] =	ssyncadd.s32 $0xFFFFFF38  }
0x8d: {  	_ =	swait.ge [sflag:s31], $0xC8  }
0x8e: {  	[sflag:s31] =	ssyncset.done $0x0  }
0x8f: {  	[sflag:s31] =	ssyncadd.s32 $0xFFFFFF38  }
0x90: {  	_ =	swait.ge [sflag:s31], $0xC8  }
0x91: {  	[sflag:s31] =	ssyncset.done $0x0  }
0x92: {  	[sflag:s31] =	ssyncadd.s32 $0xFFFFFF38  }
0x93: {  	_ =	swait.ge [sflag:s31], $0xC8  }
0x94: {  	[sflag:s31] =	ssyncset.done $0x0  }
0x95: {  	[sflag:s31] =	ssyncadd.s32 $0xFFFFFF38  }
0x96: {  	_ =	swait.ge [sflag:s31], $0xC8  }
0x97: {  	[sflag:s31] =	ssyncset.done $0x0  }
0x98: {  	[sflag:s31] =	ssyncadd.s32 $0xFFFFFF38  }
0x99: {  	_ =	swait.ge [sflag:s31], $0xC8  }
0x9a: {  	[sflag:s31] =	ssyncset.done $0x0  }
0x9b: {  	[sflag:s31] =	ssyncadd.s32 $0xFFFFFF38  }
0x9c: {  	_ =	swait.ge [sflag:s31], $0xC8  }
0x9d: {  	[sflag:s31] =	ssyncset.done $0x0  }
0x9e: {  	[sflag:s31] =	ssyncadd.s32 $0xFFFFFF38  }
0x9f: {  	_ =	swait.ge [sflag:s31], $0xC8  }
0xa0: {  	[sflag:s31] =	ssyncset.done $0x0  }
0xa1: {  	[sflag:s31] =	ssyncadd.s32 $0xFFFFFF38  }
0xa2: {  	_ =	swait.ge [sflag:s31], $0xC8  }
0xa3: {  	[sflag:s31] =	ssyncset.done $0x0  }
0xa4: {  	[sflag:s31] =	ssyncadd.s32 $0xFFFFFF38  }
0xa5: {  	_ =	swait.ge [sflag:s31], $0xC8  }
0xa6: {  	[sflag:s31] =	ssyncset.done $0x0  }
0xa7: {  	[sflag:s31] =	ssyncadd.s32 $0xFFFFFF38  }
0xa8: {  	_ =	swait.ge [sflag:s31], $0xC8  }
0xa9: {  	[sflag:s31] =	ssyncset.done $0x0  }
0xaa: {  	[sflag:s31] =	ssyncadd.s32 $0xFFFFFF38  }
0xab: {  	_ =	swait.ge [sflag:s31], $0xC8  }
0xac: {  	[sflag:s31] =	ssyncset.done $0x0  }
0xad: {  	[sflag:s31] =	ssyncadd.s32 $0xFFFFFF38  }
0xae: {  	_ =	swait.ge [sflag:s31], $0xC8  }
0xaf: {  	[sflag:s31] =	ssyncset.done $0x0  }
0xb0: {  	s2 =	simm.s32 @!p2 $0x4;
	[sflag:s31] =	ssyncadd.s32 $0xFFFFFF38  }
0xb1: {  	_ =	swait.ge @!p2 [sflag:s2], $0x800  }
0xb2: {  	s22 =	sld [smem:$0x7FD]  }
0xb3: {  	[sflag:s2] =	ssyncset.done @!p2 $0x0  }
0xb4: {  	[sflag:s2] =	ssyncadd.s32 @!p2 $0xFFFFF800;
	s2 =	simm.s32 @!p2 $0x1B1A0  }
0xb5: {  	[spmem:s22] =	stream.linear.scatter @!p2 [tilespmem:s2], [sflag:$0x6], $0x400, $0x38;
	[tilespmem:$0x1B9A0] =	vst v63  }
0xb6: {  	s2 =	simm.s32 @!p2 $0x6  }
0xb7: {  	_ =	swait.ge @!p2 [sflag:s2], $0x400  }
0xb8: {  	[sflag:s2] =	ssyncset.done @!p2 $0x0  }
0xb9: {  	[sflag:s2] =	ssyncadd.s32 @!p2 $0xFFFFFC00  }
0xba: {  	s17 =	simm.s32 $0xDCA0;
	[bflag:$0x0] =	sbarrier.arrive $0xFFFF  }
0xbb: {  	[tilespmem:s17], [sflag:$0x1] =	stream.indirect.gather [spmem:s3], $0x1, s23, s0, $0xb8;
	[tilespmem:$0x1B9A0] =	vst v63  }
0xbc: {  	_ =	swait.ge [sflag:s31], $0xC8  }
0xbd: {  	[sflag:s31] =	ssyncset.done $0x0  }
0xbe: {  	s22 =	simm.s32 $0xD0E8;
	s23 =	simm.s32 $0xDD68;
	[sflag:s31] =	ssyncadd.s32 $0xFFFFFF38  }
0xbf: {  	[tilespmem:s23], [sflag:$0x1] =	stream.indirect.gather [spmem:s3], $0x1, s22, s0, $0xb8;
	[tilespmem:$0x1B9A0] =	vst v63  }
0xc0: {  	_ = 	snop  }
0xc1: {  	[tilespmem:s25], [sflag:$0x2] =	stream.indirect.gather [spmem:s1], $0x80, s17, s0, $0xb8;
	[tilespmem:$0x1B9A0] =	vst v63  }
0xc2: {  	_ =	swait.ge [sflag:s31], $0xC8  }
0xc3: {  	[sflag:s31] =	ssyncset.done $0x0  }
0xc4: {  	s24 =	simm.s32 $0xD1B0;
	s17 =	simm.s32 $0xDE30;
	[sflag:s31] =	ssyncadd.s32 $0xFFFFFF38  }
0xc5: {  	[tilespmem:s17], [sflag:$0x1] =	stream.indirect.gather [spmem:s3], $0x1, s24, s0, $0xb8;
	[tilespmem:$0x1B9A0] =	vst v63  }
0xc6: {  	_ = 	snop  }
0xc7: {  	[tilespmem:s28], [sflag:$0x3] =	stream.indirect.gather [spmem:s1], $0x80, s23, s0, $0xb8;
	[tilespmem:$0x1B9A0] =	vst v63  }
0xc8: {  	_ =	swait.ge [sflag:s26], $0x6400  }
0xc9: {  	[sflag:s26] =	ssyncset.done $0x0  }
0xca: {  	s22 =	rddreg [dreg:$0x7];
	[sflag:s26] =	ssyncadd.s32 $0xFFFF9C00  }
0xcb: {  	[hbm4b:s22+s16] =	stream.linear.scatter [tilespmem:s25], [sflag:$0x4], $0x6400, $0x38;
	[tilespmem:$0x1B9A0] =	vst v63  }
0xcc: {  	_ =	swait.ge [sflag:s31], $0xC8  }
0xcd: {  	[sflag:s31] =	ssyncset.done $0x0  }
0xce: {  	s24 =	simm.s32 $0xD278;
	s23 =	simm.s32 $0xDEF8;
	[sflag:s31] =	ssyncadd.s32 $0xFFFFFF38  }
0xcf: {  	[tilespmem:s23], [sflag:$0x1] =	stream.indirect.gather [spmem:s3], $0x1, s24, s0, $0xb8;
	[tilespmem:$0x1B9A0] =	vst v63  }
0xd0: {  	_ =	swait.ge [sflag:s9], $0x6400  }
0xd1: {  	[sflag:s9] =	ssyncset.done $0x0  }
0xd2: {  	[sflag:s9] =	ssyncadd.s32 $0xFFFF9C00  }
0xd3: {  	[tilespmem:s25], [sflag:$0x2] =	stream.indirect.gather [spmem:s1], $0x80, s17, s0, $0xb8;
	[tilespmem:$0x1B9A0] =	vst v63  }
0xd4: {  	_ =	swait.ge [sflag:s30], $0x6400  }
0xd5: {  	[sflag:s30] =	ssyncset.done $0x0  }
0xd6: {  	s17 =	rddreg [dreg:$0x8];
	[sflag:s30] =	ssyncadd.s32 $0xFFFF9C00  }
0xd7: {  	[hbm4b:s17+s16] =	stream.linear.scatter [tilespmem:s28], [sflag:$0x5], $0x6400, $0x38;
	[tilespmem:$0x1B9A0] =	vst v63  }
0xd8: {  	_ =	swait.ge [sflag:s31], $0xC8  }
0xd9: {  	[sflag:s31] =	ssyncset.done $0x0  }
0xda: {  	s17 =	simm.s32 $0xDFC0;
	[sflag:s31] =	ssyncadd.s32 $0xFFFFFF38  }
0xdb: {  	[tilespmem:s17], [sflag:$0x1] =	stream.indirect.gather [spmem:s3], $0x1, s21, s0, $0xb8;
	[tilespmem:$0x1B9A0] =	vst v63  }
0xdc: {  	_ =	swait.ge [sflag:s11], $0x6400  }
0xdd: {  	[sflag:s11] =	ssyncset.done $0x0  }
0xde: {  	[sflag:s11] =	ssyncadd.s32 $0xFFFF9C00  }
0xdf: {  	[tilespmem:s28], [sflag:$0x3] =	stream.indirect.gather [spmem:s1], $0x80, s23, s0, $0xb8;
	[tilespmem:$0x1B9A0] =	vst v63  }
0xe0: {  	_ =	swait.ge [sflag:s26], $0x6400  }
0xe1: {  	[sflag:s26] =	ssyncset.done $0x0  }
0xe2: {  	s21 =	rddreg [dreg:$0x9];
	[sflag:s26] =	ssyncadd.s32 $0xFFFF9C00  }
0xe3: {  	[hbm4b:s21+s16] =	stream.linear.scatter [tilespmem:s25], [sflag:$0x4], $0x6400, $0x38;
	[tilespmem:$0x1B9A0] =	vst v63  }
0xe4: {  	_ =	swait.ge [sflag:s31], $0xC8  }
0xe5: {  	[sflag:s31] =	ssyncset.done $0x0  }
0xe6: {  	s22 =	simm.s32 $0xD408;
	s23 =	simm.s32 $0xE088;
	[sflag:s31] =	ssyncadd.s32 $0xFFFFFF38  }
0xe7: {  	[tilespmem:s23], [sflag:$0x1] =	stream.indirect.gather [spmem:s3], $0x1, s22, s0, $0xb8;
	[tilespmem:$0x1B9A0] =	vst v63  }
0xe8: {  	_ =	swait.ge [sflag:s9], $0x6400  }
0xe9: {  	[sflag:s9] =	ssyncset.done $0x0  }
0xea: {  	[sflag:s9] =	ssyncadd.s32 $0xFFFF9C00  }
0xeb: {  	[tilespmem:s25], [sflag:$0x2] =	stream.indirect.gather [spmem:s1], $0x80, s17, s0, $0xb8;
	[tilespmem:$0x1B9A0] =	vst v63  }
0xec: {  	_ =	swait.ge [sflag:s30], $0x6400  }
0xed: {  	[sflag:s30] =	ssyncset.done $0x0  }
0xee: {  	s17 =	rddreg [dreg:$0xa];
	[sflag:s30] =	ssyncadd.s32 $0xFFFF9C00  }
0xef: {  	[hbm4b:s17+s16] =	stream.linear.scatter [tilespmem:s28], [sflag:$0x5], $0x6400, $0x38;
	[tilespmem:$0x1B9A0] =	vst v63  }
0xf0: {  	_ =	swait.ge [sflag:s31], $0xC8  }
0xf1: {  	[sflag:s31] =	ssyncset.done $0x0  }
0xf2: {  	s17 =	simm.s32 $0xE150;
	[sflag:s31] =	ssyncadd.s32 $0xFFFFFF38  }
0xf3: {  	[tilespmem:s17], [sflag:$0x1] =	stream.indirect.gather [spmem:s3], $0x1, s10, s0, $0xb8;
	[tilespmem:$0x1B9A0] =	vst v63  }
0xf4: {  	_ =	swait.ge [sflag:s11], $0x6400  }
0xf5: {  	[sflag:s11] =	ssyncset.done $0x0  }
0xf6: {  	[sflag:s11] =	ssyncadd.s32 $0xFFFF9C00  }
0xf7: {  	[tilespmem:s28], [sflag:$0x3] =	stream.indirect.gather [spmem:s1], $0x80, s23, s0, $0xb8;
	[tilespmem:$0x1B9A0] =	vst v63  }
0xf8: {  	_ =	swait.ge [sflag:s26], $0x6400  }
0xf9: {  	[sflag:s26] =	ssyncset.done $0x0  }
0xfa: {  	s21 =	rddreg [dreg:$0xb];
	[sflag:s26] =	ssyncadd.s32 $0xFFFF9C00  }
0xfb: {  	[hbm4b:s21+s16] =	stream.linear.scatter [tilespmem:s25], [sflag:$0x4], $0x6400, $0x38;
	[tilespmem:$0x1B9A0] =	vst v63  }
0xfc: {  	_ =	swait.ge [sflag:s31], $0xC8  }
0xfd: {  	[sflag:s31] =	ssyncset.done $0x0  }
0xfe: {  	s22 =	simm.s32 $0xD598;
	s23 =	simm.s32 $0xE218;
	[sflag:s31] =	ssyncadd.s32 $0xFFFFFF38  }
0xff: {  	[tilespmem:s23], [sflag:$0x1] =	stream.indirect.gather [spmem:s3], $0x1, s22, s0, $0xb8;
	[tilespmem:$0x1B9A0] =	vst v63  }
0x100: {  	_ =	swait.ge [sflag:s9], $0x6400  }
0x101: {  	[sflag:s9] =	ssyncset.done $0x0  }
0x102: {  	[sflag:s9] =	ssyncadd.s32 $0xFFFF9C00  }
0x103: {  	[tilespmem:s25], [sflag:$0x2] =	stream.indirect.gather [spmem:s1], $0x80, s17, s0, $0xb8;
	[tilespmem:$0x1B9A0] =	vst v63  }
0x104: {  	_ =	swait.ge [sflag:s30], $0x6400  }
0x105: {  	[sflag:s30] =	ssyncset.done $0x0  }
0x106: {  	s21 =	rddreg [dreg:$0xc];
	[sflag:s30] =	ssyncadd.s32 $0xFFFF9C00  }
0x107: {  	[hbm4b:s21+s16] =	stream.linear.scatter [tilespmem:s28], [sflag:$0x5], $0x6400, $0x38;
	[tilespmem:$0x1B9A0] =	vst v63  }
0x108: {  	_ =	swait.ge [sflag:s31], $0xC8  }
0x109: {  	[sflag:s31] =	ssyncset.done $0x0  }
0x10a: {  	s22 =	simm.s32 $0xE2E0;
	[sflag:s31] =	ssyncadd.s32 $0xFFFFFF38  }
0x10b: {  	[tilespmem:s22], [sflag:$0x1] =	stream.indirect.gather [spmem:s3], $0x1, s14, s0, $0xb8;
	[tilespmem:$0x1B9A0] =	vst v63  }
0x10c: {  	_ =	swait.ge [sflag:s11], $0x6400  }
0x10d: {  	[sflag:s11] =	ssyncset.done $0x0  }
0x10e: {  	[sflag:s11] =	ssyncadd.s32 $0xFFFF9C00  }
0x10f: {  	[tilespmem:s28], [sflag:$0x3] =	stream.indirect.gather [spmem:s1], $0x80, s23, s0, $0xb8;
	[tilespmem:$0x1B9A0] =	vst v63  }
0x110: {  	_ =	swait.ge [sflag:s26], $0x6400  }
0x111: {  	[sflag:s26] =	ssyncset.done $0x0  }
0x112: {  	s23 =	rddreg [dreg:$0xd];
	[sflag:s26] =	ssyncadd.s32 $0xFFFF9C00  }
0x113: {  	[hbm4b:s23+s16] =	stream.linear.scatter [tilespmem:s25], [sflag:$0x4], $0x6400, $0x38;
	[tilespmem:$0x1B9A0] =	vst v63  }
0x114: {  	_ =	swait.ge [sflag:s31], $0xC8  }
0x115: {  	[sflag:s31] =	ssyncset.done $0x0  }
0x116: {  	s10 =	simm.s32 $0xD728;
	s14 =	simm.s32 $0xE3A8;
	[sflag:s31] =	ssyncadd.s32 $0xFFFFFF38  }
0x117: {  	[tilespmem:s14], [sflag:$0x1] =	stream.indirect.gather [spmem:s3], $0x1, s10, s0, $0xb8;
	[tilespmem:$0x1B9A0] =	vst v63  }
0x118: {  	_ =	swait.ge [sflag:s9], $0x6400  }
0x119: {  	[sflag:s9] =	ssyncset.done $0x0  }
0x11a: {  	[sflag:s9] =	ssyncadd.s32 $0xFFFF9C00  }
0x11b: {  	[tilespmem:s25], [sflag:$0x2] =	stream.indirect.gather [spmem:s1], $0x80, s22, s0, $0xb8;
	[tilespmem:$0x1B9A0] =	vst v63  }
0x11c: {  	_ =	swait.ge [sflag:s30], $0x6400  }
0x11d: {  	[sflag:s30] =	ssyncset.done $0x0  }
0x11e: {  	s21 =	rddreg [dreg:$0xe];
	[sflag:s30] =	ssyncadd.s32 $0xFFFF9C00  }
0x11f: {  	[hbm4b:s21+s16] =	stream.linear.scatter [tilespmem:s28], [sflag:$0x5], $0x6400, $0x38;
	[tilespmem:$0x1B9A0] =	vst v63  }
0x120: {  	_ =	swait.ge [sflag:s31], $0xC8  }
0x121: {  	[sflag:s31] =	ssyncset.done $0x0  }
0x122: {  	s22 =	simm.s32 $0xE470;
	[sflag:s31] =	ssyncadd.s32 $0xFFFFFF38  }
0x123: {  	[tilespmem:s22], [sflag:$0x1] =	stream.indirect.gather [spmem:s3], $0x1, s12, s0, $0xb8;
	[tilespmem:$0x1B9A0] =	vst v63  }
0x124: {  	_ =	swait.ge [sflag:s11], $0x6400  }
0x125: {  	[sflag:s11] =	ssyncset.done $0x0  }
0x126: {  	[sflag:s11] =	ssyncadd.s32 $0xFFFF9C00  }
0x127: {  	[tilespmem:s28], [sflag:$0x3] =	stream.indirect.gather [spmem:s1], $0x80, s14, s0, $0xb8;
	[tilespmem:$0x1B9A0] =	vst v63  }
0x128: {  	_ =	swait.ge [sflag:s26], $0x6400  }
0x129: {  	[sflag:s26] =	ssyncset.done $0x0  }
0x12a: {  	s23 =	rddreg [dreg:$0xf];
	[sflag:s26] =	ssyncadd.s32 $0xFFFF9C00  }
0x12b: {  	[hbm4b:s23+s16] =	stream.linear.scatter [tilespmem:s25], [sflag:$0x4], $0x6400, $0x38;
	[tilespmem:$0x1B9A0] =	vst v63  }
0x12c: {  	_ =	swait.ge [sflag:s31], $0xC8  }
0x12d: {  	[sflag:s31] =	ssyncset.done $0x0  }
0x12e: {  	s10 =	simm.s32 $0xD8B8;
	s12 =	simm.s32 $0xE538;
	[sflag:s31] =	ssyncadd.s32 $0xFFFFFF38  }
0x12f: {  	[tilespmem:s12], [sflag:$0x1] =	stream.indirect.gather [spmem:s3], $0x1, s10, s0, $0xb8;
	[tilespmem:$0x1B9A0] =	vst v63  }
0x130: {  	_ =	swait.ge [sflag:s9], $0x6400  }
0x131: {  	[sflag:s9] =	ssyncset.done $0x0  }
0x132: {  	[sflag:s9] =	ssyncadd.s32 $0xFFFF9C00  }
0x133: {  	[tilespmem:s25], [sflag:$0x2] =	stream.indirect.gather [spmem:s1], $0x80, s22, s0, $0xb8;
	[tilespmem:$0x1B9A0] =	vst v63  }
0x134: {  	_ =	swait.ge [sflag:s30], $0x6400  }
0x135: {  	[sflag:s30] =	ssyncset.done $0x0  }
0x136: {  	s14 =	rddreg [dreg:$0x10];
	[sflag:s30] =	ssyncadd.s32 $0xFFFF9C00  }
0x137: {  	[hbm4b:s14+s16] =	stream.linear.scatter [tilespmem:s28], [sflag:$0x5], $0x6400, $0x38;
	[tilespmem:$0x1B9A0] =	vst v63  }
0x138: {  	_ =	swait.ge [sflag:s31], $0xC8  }
0x139: {  	[sflag:s31] =	ssyncset.done $0x0  }
0x13a: {  	s17 =	simm.s32 $0xE600;
	[sflag:s31] =	ssyncadd.s32 $0xFFFFFF38  }
0x13b: {  	[tilespmem:s17], [sflag:$0x1] =	stream.indirect.gather [spmem:s3], $0x1, s13, s0, $0xb8;
	[tilespmem:$0x1B9A0] =	vst v63  }
0x13c: {  	_ =	swait.ge [sflag:s11], $0x6400  }
0x13d: {  	[sflag:s11] =	ssyncset.done $0x0  }
0x13e: {  	[sflag:s11] =	ssyncadd.s32 $0xFFFF9C00  }
0x13f: {  	[tilespmem:s28], [sflag:$0x3] =	stream.indirect.gather [spmem:s1], $0x80, s12, s0, $0xb8;
	[tilespmem:$0x1B9A0] =	vst v63  }
0x140: {  	_ =	swait.ge [sflag:s26], $0x6400  }
0x141: {  	[sflag:s26] =	ssyncset.done $0x0  }
0x142: {  	s21 =	rddreg [dreg:$0x11];
	[sflag:s26] =	ssyncadd.s32 $0xFFFF9C00  }
0x143: {  	[hbm4b:s21+s16] =	stream.linear.scatter [tilespmem:s25], [sflag:$0x4], $0x6400, $0x38;
	[tilespmem:$0x1B9A0] =	vst v63  }
0x144: {  	_ =	swait.ge [sflag:s31], $0xC8  }
0x145: {  	[sflag:s31] =	ssyncset.done $0x0  }
0x146: {  	s23 =	simm.s32 $0xE6C8;
	s22 =	simm.s32 $0xDA48;
	[sflag:s31] =	ssyncadd.s32 $0xFFFFFF38  }
0x147: {  	[tilespmem:s23], [sflag:$0x1] =	stream.indirect.gather [spmem:s3], $0x1, s22, s0, $0xb8;
	[tilespmem:$0x1B9A0] =	vst v63  }
0x148: {  	_ =	swait.ge [sflag:s9], $0x6400  }
0x149: {  	[sflag:s9] =	ssyncset.done $0x0  }
0x14a: {  	[sflag:s9] =	ssyncadd.s32 $0xFFFF9C00  }
0x14b: {  	[tilespmem:s25], [sflag:$0x2] =	stream.indirect.gather [spmem:s1], $0x80, s17, s0, $0xb8;
	[tilespmem:$0x1B9A0] =	vst v63  }
0x14c: {  	_ =	swait.ge [sflag:s30], $0x6400  }
0x14d: {  	[sflag:s30] =	ssyncset.done $0x0  }
0x14e: {  	s13 =	rddreg [dreg:$0x12];
	[sflag:s30] =	ssyncadd.s32 $0xFFFF9C00  }
0x14f: {  	[hbm4b:s13+s16] =	stream.linear.scatter [tilespmem:s28], [sflag:$0x5], $0x6400, $0x38;
	[tilespmem:$0x1B9A0] =	vst v63  }
0x150: {  	_ =	swait.ge [sflag:s31], $0xC8  }
0x151: {  	[sflag:s31] =	ssyncset.done $0x0  }
0x152: {  	s14 =	simm.s32 $0xE790;
	[sflag:s31] =	ssyncadd.s32 $0xFFFFFF38  }
0x153: {  	[tilespmem:s14], [sflag:$0x1] =	stream.indirect.gather [spmem:s3], $0x1, s29, s0, $0xb8;
	[tilespmem:$0x1B9A0] =	vst v63  }
0x154: {  	_ =	swait.ge [sflag:s11], $0x6400  }
0x155: {  	[sflag:s11] =	ssyncset.done $0x0  }
0x156: {  	[sflag:s11] =	ssyncadd.s32 $0xFFFF9C00  }
0x157: {  	[tilespmem:s28], [sflag:$0x3] =	stream.indirect.gather [spmem:s1], $0x80, s23, s0, $0xb8;
	[tilespmem:$0x1B9A0] =	vst v63  }
0x158: {  	_ =	swait.ge [sflag:s26], $0x6400  }
0x159: {  	[sflag:s26] =	ssyncset.done $0x0  }
0x15a: {  	s17 =	rddreg [dreg:$0x13];
	[sflag:s26] =	ssyncadd.s32 $0xFFFF9C00  }
0x15b: {  	[hbm4b:s17+s16] =	stream.linear.scatter [tilespmem:s25], [sflag:$0x4], $0x6400, $0x38;
	[tilespmem:$0x1B9A0] =	vst v63  }
0x15c: {  	_ =	swait.ge [sflag:s31], $0xC8  }
0x15d: {  	[sflag:s31] =	ssyncset.done $0x0  }
0x15e: {  	s21 =	simm.s32 $0xDBD8;
	s22 =	simm.s32 $0xE858;
	[sflag:s31] =	ssyncadd.s32 $0xFFFFFF38  }
0x15f: {  	[tilespmem:s22], [sflag:$0x1] =	stream.indirect.gather [spmem:s3], $0x1, s21, s0, $0xb8;
	[tilespmem:$0x1B9A0] =	vst v63  }
0x160: {  	_ =	swait.ge [sflag:s9], $0x6400  }
0x161: {  	[sflag:s9] =	ssyncset.done $0x0  }
0x162: {  	[sflag:s9] =	ssyncadd.s32 $0xFFFF9C00  }
0x163: {  	[tilespmem:s25], [sflag:$0x2] =	stream.indirect.gather [spmem:s1], $0x80, s14, s0, $0xb8;
	[tilespmem:$0x1B9A0] =	vst v63  }
0x164: {  	_ =	swait.ge [sflag:s30], $0x6400  }
0x165: {  	[sflag:s30] =	ssyncset.done $0x0  }
0x166: {  	s2 =	simm.s32 @!p3 $0x1;
	s23 =	rddreg [dreg:$0x14];
	[sflag:s30] =	ssyncadd.s32 $0xFFFF9C00  }
0x167: {  	[hbm4b:s23+s16] =	stream.linear.scatter [tilespmem:s28], [sflag:$0x5], $0x6400, $0x38;
	[tilespmem:$0x1B9A0] =	vst v63  }
0x168: {  	_ =	swait.ge @!p3 [sflag:s2], $0xC8  }
0x169: {  	[sflag:s2] =	ssyncset.done @!p3 $0x0  }
0x16a: {  	[sflag:s2] =	ssyncadd.s32 @!p3 $0xFFFFFF38;
	s2 =	simm.s32 @!p3 $0x5  }
0x16b: {  	_ =	swait.ge @!p3 [sflag:s2], $0x6400  }
0x16c: {  	s22 =	simm.s32 @!p3 $0xE858;
	[sflag:s2] =	ssyncset.done @!p3 $0x0  }
0x16d: {  	s23 =	simm.s32 @!p3 $0x14D20;
	[sflag:s2] =	ssyncadd.s32 @!p3 $0xFFFF9C00;
	s2 =	simm.s32 @!p3 $0xC8  }
0x16e: {  	[tilespmem:s23], [sflag:$0x3] =	stream.indirect.gather @!p3 [spmem:s1], $0x80, s22, s2, $0xb8;
	[tilespmem:$0x1B9A0] =	vst v63  }
0x16f: {  	_ =	swait.ge [sflag:s26], $0x6400  }
0x170: {  	[sflag:s26] =	ssyncset.done $0x0  }
0x171: {  	s2 =	simm.s32 @p0 $0x3;
	s29 =	rddreg [dreg:$0x15];
	[sflag:s26] =	ssyncadd.s32 $0xFFFF9C00  }
0x172: {  	[hbm4b:s29+s16] =	stream.linear.scatter [tilespmem:s25], [sflag:$0x4], $0x6400, $0x38;
	[tilespmem:$0x1B9A0] =	vst v63  }
0x173: {  	_ =	swait.ge @p0 [sflag:s2], $0x6400  }
0x174: {  	s22 =	simm.s32 @p0 $0x14D20;
	[sflag:s2] =	ssyncset.done @p0 $0x0  }
0x175: {  	s23 =	rddreg [dreg:$0x16];
	[sflag:s2] =	ssyncadd.s32 @p0 $0xFFFF9C00;
	s2 =	simm.s32 @p0 $0x0  }
0x176: {  	[hbm4b:s23+s2] =	stream.linear.scatter @p0 [tilespmem:s22], [sflag:$0x5], $0x6400, $0x38;
	[tilespmem:$0x1B9A0] =	vst v63  }
0x177: {  	s2 =	simm.s32 @!p0 $0x1  }
0x178: {  	_ =	swait.ge @!p0 [sflag:s2], $0xC8  }
0x179: {  	[sflag:s2] =	ssyncset.done @!p0 $0x0  }
0x17a: {  	s6 =	sadd.s32 $0xFFFFFFFF, s6;
	[sflag:s2] =	ssyncadd.s32 @!p0 $0xFFFFFF38  }
0x17b: {  	p6 =	sne.s32 s6, $0x0;
	_ =	swait.ge [sflag:s9], $0x6400  }
.Ltmp1:
0x17c: {  	[sflag:s9] =	ssyncset.done $0x0;
	(pc) =	sbr.rel @!p6 .LBB2_7-.Ltmp1, $4  }
0x17d: {  	[sflag:s9] =	ssyncadd.s32 $0xFFFF9C00  }
0x17e: {  	_ =	swait.ge [sflag:s11], $0x6400  }
0x17f: {  	s22 =	simm.s32 $0xD1B0;
	[sflag:s11] =	ssyncset.done $0x0  }
0x180: {  	s23 =	simm.s32 $0xD020;
	s2 =	simm.s32 $0xD0E8;
	[sflag:s11] =	ssyncadd.s32 $0xFFFF9C00  }
.LBB2_1:
0x181: {  	s21 =	sld [smem:$0x7EF];
	_ =	sdelay $0x2  }
0x182: {  	[tilespmem:s23], [sflag:$0x1] =	stream.linear.gather [hbm4b:s21+s16], $0xC8, $0x38;
	[tilespmem:$0x1B9A0] =	vst v63  }
0x183: {  	_ = 	snop  }
0x184: {  	[tilespmem:s2], [sflag:$0x1] =	stream.linear.gather [hbm4b:s4+s16], $0xC8, $0x38;
	[tilespmem:$0x1B9A0] =	vst v63  }
0x185: {  	_ = 	snop  }
0x186: {  	[tilespmem:s22], [sflag:$0x1] =	stream.linear.gather [hbm4b:s5+s16], $0xC8, $0x38;
	[tilespmem:$0x1B9A0] =	vst v63  }
0x187: {  	_ = 	snop  }
0x188: {  	[tilespmem:s24], [sflag:$0x1] =	stream.linear.gather [hbm4b:s8+s16], $0xC8, $0x38;
	[tilespmem:$0x1B9A0] =	vst v63  }
0x189: {  	s24 =	sld [smem:$0x7F0];
	_ =	sdelay $0x1  }
0x18a: {  	s21 =	simm.s32 $0xD340;
	s22 =	sld [smem:$0x7F1]  }
0x18b: {  	[tilespmem:s21], [sflag:$0x1] =	stream.linear.gather [hbm4b:s24+s16], $0xC8, $0x38;
	[tilespmem:$0x1B9A0] =	vst v63  }
0x18c: {  	s10 =	simm.s32 $0xD408;
	s24 =	sld [smem:$0x7F2]  }
0x18d: {  	[tilespmem:s10], [sflag:$0x1] =	stream.linear.gather [hbm4b:s22+s16], $0xC8, $0x38;
	[tilespmem:$0x1B9A0] =	vst v63  }
0x18e: {  	s10 =	simm.s32 $0xD4D0  }
0x18f: {  	[tilespmem:s10], [sflag:$0x1] =	stream.linear.gather [hbm4b:s24+s16], $0xC8, $0x38;
	[tilespmem:$0x1B9A0] =	vst v63  }
0x190: {  	s14 =	simm.s32 $0xD598;
	s22 =	sld [smem:$0x7F3]  }
0x191: {  	[tilespmem:s14], [sflag:$0x1] =	stream.linear.gather [hbm4b:s7+s16], $0xC8, $0x38;
	[tilespmem:$0x1B9A0] =	vst v63  }
0x192: {  	s14 =	simm.s32 $0xD660  }
0x193: {  	[tilespmem:s14], [sflag:$0x1] =	stream.linear.gather [hbm4b:s22+s16], $0xC8, $0x38;
	[tilespmem:$0x1B9A0] =	vst v63  }
0x194: {  	s12 =	simm.s32 $0xD728;
	s24 =	sld [smem:$0x7F4]  }
0x195: {  	[tilespmem:s12], [sflag:$0x1] =	stream.linear.gather [hbm4b:s15+s16], $0xC8, $0x38;
	[tilespmem:$0x1B9A0] =	vst v63  }
0x196: {  	s12 =	simm.s32 $0xD7F0  }
0x197: {  	[tilespmem:s12], [sflag:$0x1] =	stream.linear.gather [hbm4b:s24+s16], $0xC8, $0x38;
	[tilespmem:$0x1B9A0] =	vst v63  }
0x198: {  	s13 =	simm.s32 $0xD8B8  }
0x199: {  	[tilespmem:s13], [sflag:$0x1] =	stream.linear.gather [hbm4b:s18+s16], $0xC8, $0x38;
	[tilespmem:$0x1B9A0] =	vst v63  }
0x19a: {  	s13 =	simm.s32 $0xD980  }
0x19b: {  	[tilespmem:s13], [sflag:$0x1] =	stream.linear.gather [hbm4b:s19+s16], $0xC8, $0x38;
	[tilespmem:$0x1B9A0] =	vst v63  }
0x19c: {  	s29 =	simm.s32 $0xDA48  }
0x19d: {  	[tilespmem:s29], [sflag:$0x1] =	stream.linear.gather [hbm4b:s20+s16], $0xC8, $0x38;
	[tilespmem:$0x1B9A0] =	vst v63  }
.Ltmp2:
0x19e: {  	_ = 	snop;
	(pc) =	sbr.rel @!p2 .LBB2_2-.Ltmp2, $4  }
0x19f: {  	s22 =	rddreg [dreg:$0x1b];
	s29 =	simm.s32 $0xDB10  }
0x1a0: {  	[tilespmem:s29], [sflag:$0x1] =	stream.linear.gather [hbm4b:s22+s16], $0xC8, $0x38;
	[tilespmem:$0x1B9A0] =	vst v63  }
0x1a1: {  	s17 =	simm.s32 $0xDBD8;
	s24 =	rddreg [dreg:$0x6]  }
0x1a2: {  	[tilespmem:s17], [sflag:$0x1] =	stream.linear.gather [hbm4b:s24+s16], $0xC8, $0x38;
	[tilespmem:$0x1B9A0] =	vst v63  }
.Ltmp3:
0x1a3: {  	(pc) =	sbr.rel @p4 .LBB2_5-.Ltmp3, $4  }
.Ltmp4:
0x1a4: {  	(pc) =	sbr.rel @!p4 .LBB2_4-.Ltmp4, $4  }
0x1a5: {  	_ = 	snop  }
0x1a6: {  	_ = 	snop  }
0x1a7: {  	_ = 	snop  }
0x1a8: {  	_ = 	snop  }
.LBB2_2:
0x1a9: {  	s2 =	rddreg [dreg:$0x0]  }
0x1aa: {  	[tilespmem:$0x1B120] =	vst v0;
	s17 =	simm.s32 $0x10;
	s22 =	simm.s32 $0x1B120;
	s24 =	simm.s32 $0x1B1A0  }
0x1ab: {  	[tilespmem:s24], [sflag:$0x4] =	stream.indirect.gather [hbm4b:s2+s17], $0x80, s22, s17, $0xb8;
	[tilespmem:$0x1B9A0] =	vst v63  }
.LBB2_4:
0x1ac: {  	s2 =	rddreg [dreg:$0x1f]  }
0x1ad: {  	[tilespmem:s25], [sflag:$0x2] =	stream.linear.gather [hbm4b:s2+s16], $0x6400, $0x38;
	[tilespmem:$0x1B9A0] =	vst v63  }
0x1ae: {  	s22 =	rddreg [dreg:$0x17];
	s17 =	simm.s32 $0xC9A0  }
0x1af: {  	[tilespmem:s17], [sflag:$0x3] =	stream.linear.gather [hbm4b:s22+s16], $0x620, $0x38;
	[tilespmem:$0x1B9A0] =	vst v63  }
0x1b0: {  	_ =	swait.ge [sflag:s26], $0x6400  }
0x1b1: {  	s24 =	sld [smem:$0x7F5]  }
0x1b2: {  	[sflag:s26] =	ssyncset.done $0x0  }
0x1b3: {  	s22 =	sld [smem:$0x7F6];
	[sflag:s26] =	ssyncadd.s32 $0xFFFF9C00  }
0x1b4: {  	[tilespmem:s28], [sflag:$0x3] =	stream.linear.gather [hbm4b:s24+s16], $0x6000, $0x38;
	[tilespmem:$0x1B9A0] =	vst v63  }
0x1b5: {  	_ = 	snop  }
0x1b6: {  	[spmem:s22] =	stream.linear.scatter [tilespmem:s25], [sflag:$0x6], $0x6400, $0x38;
	[tilespmem:$0x1B9A0] =	vst v63  }
0x1b7: {  	s22 =	simm.s32 $0x6  }
0x1b8: {  	_ =	swait.ge [sflag:s22], $0x6400  }
0x1b9: {  	[sflag:s22] =	ssyncset.done $0x0  }
0x1ba: {  	[sflag:s22] =	ssyncadd.s32 $0xFFFF9C00  }
0x1bb: {  	_ =	swait.ge [sflag:s30], $0x6000  }
0x1bc: {  	[sflag:s30] =	ssyncset.done $0x0  }
0x1bd: {  	[sflag:s30] =	ssyncadd.s32 $0xFFFFA000  }
0x1be: {  	_ =	swait.ge [sflag:s30], $0x620  }
0x1bf: {  	s24 =	sld [smem:$0x7F7]  }
0x1c0: {  	[sflag:s30] =	ssyncset.done $0x0  }
0x1c1: {  	[sflag:s30] =	ssyncadd.s32 $0xFFFFF9E0  }
0x1c2: {  	[spmem:s24] =	stream.linear.scatter [tilespmem:s28], [sflag:$0x6], $0x6000, $0x38;
	[tilespmem:$0x1B9A0] =	vst v63  }
0x1c3: {  	_ =	swait.ge [sflag:s22], $0x6000  }
0x1c4: {  	[sflag:s22] =	ssyncset.done $0x0  }
.Ltmp5:
0x1c5: {  	s24 =	rddreg [dreg:$0x1e];
	[sflag:s22] =	ssyncadd.s32 $0xFFFFA000;
	(pc) =	sbr.rel .LBB2_6-.Ltmp5, $4  }
0x1c6: {  	[spmem:s24] =	stream.linear.scatter [tilespmem:s17], [sflag:$0x6], $0x620, $0x38;
	[tilespmem:$0x1B9A0] =	vst v63  }
0x1c7: {  	_ =	swait.ge [sflag:s22], $0x620  }
0x1c8: {  	[sflag:s22] =	ssyncset.done $0x0  }
0x1c9: {  	[sflag:s22] =	ssyncadd.s32 $0xFFFFF9E0  }
.LBB2_7:
0x1ca: {  	_ =	sfence.sel $0x180000  }
0x1cb: {  	[bflag:$0x0] =	sbarrier.arrive $0xFFFF  }
0x1cc: {  	_ =	strace $0x90000047  }
0x1cd: {  	[bflag:$0x2] =	sbarrier.arrive $0xFFFF  }
0x1ce: {  	s0 =	rddreg [dreg:$0x5]  }
0x1cf: {  	s0 =	sadd.s32 @!p2 $0x100000, s0  }
0x1d0: {  	[sflag:s0] =	ssyncadd.tile.s32 @!p2 $0x1;
	_ =	shalt  }
.Lfunc_end2:
_tile_overlayer_lowered:
.L_overlay_start_2:
0x1d1: {  	(tag) =	ssettag $0x2  }
0x1d2: {  	s0 =	rddreg [dreg:$0x0];
	s2 =	stileid.u32  }
0x1d3: {  	s1 =	rddreg [dreg:$0x1];
	p0 =	sne.s32 s2, $0x0  }
0x1d4: {  	s3 =	rddreg [dreg:$0x2];
	[bflag:$0x3] =	sbarrier.arrive $0xFFFF;
	s2 =	simm.s32 @!p0 $0x1C06  }
0x1d5: {  	[timem:s3], [sflag:s2] =	dma.local @!p0 [hbm:s0], s1  }
0x1d6: {  	s0 =	simm.s32 @!p0 $0x6  }
0x1d7: {  	_ =	swait.ge @!p0 [sflag:s0], s1  }
0x1d8: {  	s1 =	ssub.s32 @!p0 $0x0, s1;
	[sflag:s0] =	ssyncset.done @!p0 $0x0  }
0x1d9: {  	[sflag:s0] =	ssyncadd.s32 @!p0 s1  }
0x1da: {  	[bflag:$0x3] =	sbarrier.arrive $0xFFFF  }
0x1db: {  	_ =	shalt  }

</sc_bundles>
